<compile_context>
chip_gen: v7x
topology: tpu7x:2x2x1
jax: 0.10.2.dev20260603
libtpu: 0.0.44.dev20260713+nightly
codegen_flags: <defaults>
</compile_context>

<pallas_src>
import functools

import jax
import jax.numpy as jnp
from jax import lax
from jax.experimental import pallas as pl
from jax.experimental.pallas import tpu as pltpu
from jax.experimental.pallas import tpu_sc as plsc

N = 10000
D = 128
E = 320000
NP = 10240
NW = 32
BLK = 9984
TAIL = E - NW * BLK
EB = BLK + TAIL
L = 16

_HI = jax.lax.Precision.HIGHEST
_SC_PARAMS = pltpu.CompilerParams(
    needs_layout_passes=False, disable_bounds_checks=True)


def _sc_mesh():
    return plsc.VectorSubcoreMesh(core_axis_name="c", subcore_axis_name="s")


@functools.partial(
    pl.kernel,
    out_type=jax.ShapeDtypeStruct((NW, NP), jnp.float32),
    mesh=_sc_mesh(),
    compiler_params=_SC_PARAMS,
    scratch_types=[
        pltpu.VMEM((2, EB), jnp.int32),
        pltpu.VMEM((NP,), jnp.float32),
        pltpu.SemaphoreType.DMA,
    ],
)
def _deg_kernel(ei_hbm, degp_hbm, e_v, deg_v, sem):
    wid = lax.axis_index("s") * 2 + lax.axis_index("c")
    last = wid == NW - 1
    c1 = pltpu.async_copy(
        ei_hbm.at[:, pl.ds(wid * BLK, BLK)], e_v.at[:, pl.ds(0, BLK)], sem)
    c2 = pltpu.async_copy(
        ei_hbm.at[:, pl.ds(NW * BLK, TAIL)], e_v.at[:, pl.ds(BLK, TAIL)], sem)

    zeros = jnp.zeros((L,), jnp.float32)

    @plsc.parallel_loop(0, NP // L, unroll=8)
    def _zero(i):
        deg_v[pl.ds(i * L, L)] = zeros

    c1.wait()
    c2.wait()

    ones = jnp.ones((L,), jnp.float32)

    @plsc.parallel_loop(0, BLK // L, unroll=8)
    def _edge(i):
        idx = e_v[1, pl.ds(i * L, L)]
        plsc.addupdate_scatter(deg_v, [idx], ones)

    @pl.when(last)
    def _():
        @plsc.parallel_loop(BLK // L, EB // L, unroll=8)
        def _tail(i):
            idx = e_v[1, pl.ds(i * L, L)]
            plsc.addupdate_scatter(deg_v, [idx], ones)

    pltpu.sync_copy(deg_v, degp_hbm.at[wid])


def _make_agg(F):
    @functools.partial(
        pl.kernel,
        out_type=jax.ShapeDtypeStruct((NW, F, NP), jnp.float32),
        mesh=_sc_mesh(),
        compiler_params=_SC_PARAMS,
        scratch_types=[
            pltpu.VMEM((2, EB), jnp.int32),
            pltpu.VMEM((F, NP), jnp.float32),
            pltpu.VMEM((F, NP), jnp.float32),
            pltpu.SemaphoreType.DMA,
        ],
    )
    def _agg(g_hbm, ei_hbm, out_hbm, e_v, g_v, acc_v, sem):
        wid = lax.axis_index("s") * 2 + lax.axis_index("c")
        last = wid == NW - 1
        c1 = pltpu.async_copy(
            ei_hbm.at[:, pl.ds(wid * BLK, BLK)], e_v.at[:, pl.ds(0, BLK)], sem)
        c2 = pltpu.async_copy(
            ei_hbm.at[:, pl.ds(NW * BLK, TAIL)], e_v.at[:, pl.ds(BLK, TAIL)],
            sem)
        c3 = pltpu.async_copy(g_hbm, g_v, sem)

        zeros = jnp.zeros((L,), jnp.float32)

        @plsc.parallel_loop(0, NP // L, unroll=8)
        def _zero(i):
            for j in range(F):
                acc_v[j, pl.ds(i * L, L)] = zeros

        c1.wait()
        c2.wait()
        c3.wait()

        def _body(i):
            s = e_v[0, pl.ds(i * L, L)]
            d = e_v[1, pl.ds(i * L, L)]
            for j in range(F):
                jv = jnp.full((L,), j, jnp.int32)
                v = plsc.load_gather(g_v, [jv, s])
                plsc.addupdate_scatter(acc_v, [jv, d], v)

        @plsc.parallel_loop(0, BLK // L, unroll=16)
        def _edge(i):
            _body(i)

        @pl.when(last)
        def _():
            @plsc.parallel_loop(BLK // L, EB // L, unroll=16)
            def _tail(i):
                _body(i)

        pltpu.sync_copy(acc_v, out_hbm.at[wid])

    return _agg


_agg4 = _make_agg(4)
_agg2 = _make_agg(2)
_agg1 = _make_agg(1)


def _matmul1(x, W1):
    def body(x_ref, w_ref, h_ref):
        h = lax.dot_general(w_ref[...], x_ref[...],
                            (((0,), (1,)), ((), ())), precision=_HI)
        h_ref[:, pl.ds(0, N)] = h

    return pl.pallas_call(
        body,
        out_shape=jax.ShapeDtypeStruct((W1.shape[1], NP), jnp.float32),
    )(x, W1)


def _prep1(degp, h1):
    def body(degp_ref, h_ref, g_ref, dinv_ref):
        deg = jnp.sum(degp_ref[...], axis=0, keepdims=True) + 1.0
        dinv = 1.0 / jnp.sqrt(deg)
        g_ref[...] = h_ref[...] * dinv
        dinv_ref[...] = dinv

    return pl.pallas_call(
        body,
        out_shape=[
            jax.ShapeDtypeStruct(h1.shape, jnp.float32),
            jax.ShapeDtypeStruct((1, NP), jnp.float32),
        ],
    )(degp, h1)


def _prep_mid(p, g, dinv, b, W):
    def body(p_ref, g_ref, dinv_ref, b_ref, w_ref, out_ref):
        s = g_ref[...] + p_ref[0]
        for k in range(1, NW):
            s = s + p_ref[k]
        o = jnp.maximum(dinv_ref[...] * s + b_ref[...], 0.0)
        h = lax.dot_general(w_ref[...], o,
                            (((0,), (0,)), ((), ())), precision=_HI)
        out_ref[...] = h * dinv_ref[...]

    return pl.pallas_call(
        body,
        out_shape=jax.ShapeDtypeStruct((W.shape[1], NP), jnp.float32),
    )(p, g, dinv, b, W)


def _final(p, g, dinv, b):
    def body(p_ref, g_ref, dinv_ref, b_ref, out_ref):
        s = g_ref[...] + p_ref[0]
        for k in range(1, NW):
            s = s + p_ref[k]
        out_ref[...] = jax.nn.sigmoid(dinv_ref[...] * s + b_ref[...])

    return pl.pallas_call(
        body,
        out_shape=jax.ShapeDtypeStruct((1, NP), jnp.float32),
    )(p, g, dinv, b)


def kernel(x, edge_index, W1, b1, W2, b2, W3, b3):
    b1c = jnp.reshape(b1, (-1, 1))
    b2c = jnp.reshape(b2, (-1, 1))
    b3c = jnp.reshape(b3, (-1, 1))

    degp = _deg_kernel(edge_index)
    h1 = _matmul1(x, W1)
    g1, dinv = _prep1(degp, h1)
    p1 = _agg4(g1, edge_index)
    g2 = _prep_mid(p1, g1, dinv, b1c, W2)
    p2 = _agg2(g2, edge_index)
    g3 = _prep_mid(p2, g2, dinv, b2c, W3)
    p3 = _agg1(g3, edge_index)
    out = _final(p3, g3, dinv, b3c)
    return out[0, :N][:, None]

# --- scband reference (transcript-rebuilt; emitter-appended) ---
"""Pipeline reference for scband-gcn-74990128988326 (READ-ONLY COPY).

The authoritative reference and input builder live on the scoring server;
editing this copy changes nothing except your own understanding.
"""

import jax, jax.numpy as jnp
import numpy as np

N = 10000
E = 320000
D = 128
H1, H2, H3 = 4, 2, 1


def setup_inputs(seed: int = 0) -> dict:
    key = jax.random.key(seed)
    ks = jax.random.split(key, 8)
    x = jax.random.normal(ks[0], (N, D), dtype=jnp.float32)
    edge_index = jax.random.randint(ks[1], (2, E), 0, N, dtype=jnp.int32)
    # GCNConv parameters (Glorot-style init via scaled normals)
    W1 = jax.random.normal(ks[2], (D, H1), dtype=jnp.float32) * (1.0 / np.sqrt(D))
    b1 = jnp.zeros((H1,), dtype=jnp.float32)
    W2 = jax.random.normal(ks[3], (H1, H2), dtype=jnp.float32) * (1.0 / np.sqrt(H1))
    b2 = jnp.zeros((H2,), dtype=jnp.float32)
    W3 = jax.random.normal(ks[4], (H2, H3), dtype=jnp.float32) * (1.0 / np.sqrt(H2))
    b3 = jnp.zeros((H3,), dtype=jnp.float32)
    return {"x": x, "edge_index": edge_index, "W1": W1, "b1": b1, "W2": W2, "b2": b2, "W3": W3, "b3": b3}


def _gcn_layer(x, edge_index, W, b):
    # Faithful PyG GCNConv: linear transform, add self-loops, symmetric deg^-1/2 norm, scatter-add aggregate.
    n = x.shape[0]
    src = edge_index[0]
    dst = edge_index[1]
    loop = jnp.arange(n, dtype=src.dtype)
    s = jnp.concatenate([src, loop])
    d = jnp.concatenate([dst, loop])
    deg = jnp.zeros((n,), dtype=jnp.float32).at[d].add(1.0)
    dinv = jnp.where(deg > 0, 1.0 / jnp.sqrt(deg), 0.0)
    norm = dinv[s] * dinv[d]
    h = x @ W
    msg = h[s] * norm[:, None]
    out = jnp.zeros((n, W.shape[1]), dtype=jnp.float32).at[d].add(msg)
    return out + b


def reference(x, edge_index, W1, b1, W2, b2, W3, b3):
    h = _gcn_layer(x, edge_index, W1, b1)
    h = jax.nn.relu(h)
    # F.dropout in the original; identity in eval / deterministic reference
    h = _gcn_layer(h, edge_index, W2, b2)
    h = jax.nn.relu(h)
    h = _gcn_layer(h, edge_index, W3, b3)
    return jax.nn.sigmoid(h)

if __name__ == "__main__":
    import jax
    _d = setup_inputs()
    print(jax.jit(kernel)(*tuple(_d.values())))

</pallas_src>

<mosaic_0001>
#map = affine_map<(d0, d1) -> (0, 0)>
#map1 = affine_map<(d0, d1) -> (0, 0, 0)>
module attributes {stable_mosaic.version = 14 : i64} {
  func.func @_agg(%arg0: i32, %arg1: i32, %arg2: memref<2x10240xf32, #tpu.memory_space<hbm>>, %arg3: memref<2x320000xi32, #tpu.memory_space<hbm>>, %arg4: memref<32x2x10240xf32, #tpu.memory_space<hbm>>, %arg5: memref<2x10496xi32, #tpu.memory_space<vmem>>, %arg6: memref<2x10240xf32, #tpu.memory_space<vmem>>, %arg7: memref<2x10240xf32, #tpu.memory_space<vmem>>, %arg8: memref<!tpu.dma_semaphore, #tpu.memory_space<semaphore_mem>>) attributes {dimension_semantics = [#tpu.dimension_semantics<core_parallel>, #tpu.dimension_semantics<subcore_parallel>], iteration_bounds = array<i64: 2, 16>, scalar_prefetch = 0 : i64, scratch_operands = 4 : i64, tpu.core_type = #tpu.core_type<sc_vector_subcore>, window_params = [{transform_indices = #map}, {transform_indices = #map}, {transform_indices = #map1}]} {
    %mul3A = arith.constant 2 : i32
    %mul3A_0 = arith.muli %arg1, %mul3A : i32
    %add3A = arith.addi %mul3A_0, %arg0 : i32
    %eq3A = arith.constant 31 : i32
    %eq3A_1 = arith.cmpi eq, %add3A, %eq3A : i32
    %mul3A_2 = arith.constant 9984 : i32
    %mul3A_3 = arith.muli %add3A, %mul3A_2 : i32
    %dma_start3A = arith.constant 0 : i32
    %dma_start3A_4 = arith.constant 0 : i32
    %dma_start3A_5 = tpu.memref_slice %arg5[%dma_start3A, %dma_start3A_4] : memref<2x10496xi32, #tpu.memory_space<vmem>> -> memref<2x9984xi32, #tpu.memory_space<vmem>>
    %dma_start3A_6 = arith.constant 0 : i32
    %dma_start3A_7 = tpu.memref_slice %arg3[%dma_start3A_6, %mul3A_3] : memref<2x320000xi32, #tpu.memory_space<hbm>> -> memref<2x9984xi32, #tpu.memory_space<hbm>>
    %dma_start3A_8 = arith.constant 0 : i32
    %dma_start3A_9 = arith.constant 0 : i32
    %dma_start3A_10 = tpu.memref_slice %arg5[%dma_start3A_8, %dma_start3A_9] : memref<2x10496xi32, #tpu.memory_space<vmem>> -> memref<2x9984xi32, #tpu.memory_space<vmem>>
    %dma_start3A_11 = arith.constant 0 : i32
    %dma_start3A_12 = tpu.memref_slice %arg3[%dma_start3A_11, %mul3A_3] : memref<2x320000xi32, #tpu.memory_space<hbm>> -> memref<2x9984xi32, #tpu.memory_space<hbm>>
    tpu.enqueue_dma source(%dma_start3A_12 : memref<2x9984xi32, #tpu.memory_space<hbm>>) target(%dma_start3A_10 : memref<2x9984xi32, #tpu.memory_space<vmem>>) target_semaphore(%arg8 : memref<!tpu.dma_semaphore, #tpu.memory_space<semaphore_mem>>)
    %dma_start3A_13 = arith.constant 0 : i32
    %dma_start3A_14 = arith.constant 9984 : i32
    %dma_start3A_15 = tpu.memref_slice %arg5[%dma_start3A_13, %dma_start3A_14] : memref<2x10496xi32, #tpu.memory_space<vmem>> -> memref<2x512xi32, #tpu.memory_space<vmem>>
    %dma_start3A_16 = arith.constant 0 : i32
    %dma_start3A_17 = arith.constant 319488 : i32
    %dma_start3A_18 = tpu.memref_slice %arg3[%dma_start3A_16, %dma_start3A_17] : memref<2x320000xi32, #tpu.memory_space<hbm>> -> memref<2x512xi32, #tpu.memory_space<hbm>>
    %dma_start3A_19 = arith.constant 0 : i32
    %dma_start3A_20 = arith.constant 9984 : i32
    %dma_start3A_21 = tpu.memref_slice %arg5[%dma_start3A_19, %dma_start3A_20] : memref<2x10496xi32, #tpu.memory_space<vmem>> -> memref<2x512xi32, #tpu.memory_space<vmem>>
    %dma_start3A_22 = arith.constant 0 : i32
    %dma_start3A_23 = arith.constant 319488 : i32
    %dma_start3A_24 = tpu.memref_slice %arg3[%dma_start3A_22, %dma_start3A_23] : memref<2x320000xi32, #tpu.memory_space<hbm>> -> memref<2x512xi32, #tpu.memory_space<hbm>>
    tpu.enqueue_dma source(%dma_start3A_24 : memref<2x512xi32, #tpu.memory_space<hbm>>) target(%dma_start3A_21 : memref<2x512xi32, #tpu.memory_space<vmem>>) target_semaphore(%arg8 : memref<!tpu.dma_semaphore, #tpu.memory_space<semaphore_mem>>)
    tpu.enqueue_dma source(%arg2 : memref<2x10240xf32, #tpu.memory_space<hbm>>) target(%arg6 : memref<2x10240xf32, #tpu.memory_space<vmem>>) target_semaphore(%arg8 : memref<!tpu.dma_semaphore, #tpu.memory_space<semaphore_mem>>)
    %broadcast_in_dim3A = arith.constant 0.000000e+00 : f32
    %broadcast_in_dim3A_25 = vector.broadcast %broadcast_in_dim3A : f32 to vector<16xf32>
    %parallel_loop3A = arith.constant 0 : i32
    %parallel_loop3A_26 = arith.constant 640 : i32
    %parallel_loop3A_27 = arith.constant 1 : i32
    scf.for %parallel_loop3A_53 = %parallel_loop3A to %parallel_loop3A_26 step %parallel_loop3A_27  : i32 {
      %parallel_loop3A_54 = arith.constant 16 : i32
      %parallel_loop3A_55 = arith.muli %parallel_loop3A_53, %parallel_loop3A_54 : i32
      %parallel_loop3A_56 = arith.constant 0 : i32
      %parallel_loop3A_57 = arith.index_cast %parallel_loop3A_56 : i32 to index
      %parallel_loop3A_58 = arith.index_cast %parallel_loop3A_55 : i32 to index
      %parallel_loop3A_59 = tpu.vector_load %arg7[%parallel_loop3A_57, %parallel_loop3A_58] {strides = array<i32>} : memref<2x10240xf32, #tpu.memory_space<vmem>>, vector<16xf32>,
      tpu.vector_store %arg7[%parallel_loop3A_57, %parallel_loop3A_58], %broadcast_in_dim3A_25 {strides = array<i32>} : memref<2x10240xf32, #tpu.memory_space<vmem>>, vector<16xf32>,
      %parallel_loop3A_60 = arith.constant 16 : i32
      %parallel_loop3A_61 = arith.muli %parallel_loop3A_53, %parallel_loop3A_60 : i32
      %parallel_loop3A_62 = arith.constant 1 : i32
      %parallel_loop3A_63 = arith.index_cast %parallel_loop3A_62 : i32 to index
      %parallel_loop3A_64 = arith.index_cast %parallel_loop3A_61 : i32 to index
      %parallel_loop3A_65 = tpu.vector_load %arg7[%parallel_loop3A_63, %parallel_loop3A_64] {strides = array<i32>} : memref<2x10240xf32, #tpu.memory_space<vmem>>, vector<16xf32>,
      tpu.vector_store %arg7[%parallel_loop3A_63, %parallel_loop3A_64], %broadcast_in_dim3A_25 {strides = array<i32>} : memref<2x10240xf32, #tpu.memory_space<vmem>>, vector<16xf32>,
    } {sc.loop_unroll_factor = 8 : i64, sc.parallel_access}
    %dma_wait3A = arith.constant 0 : i32
    %dma_wait3A_28 = arith.constant 0 : i32
    %dma_wait3A_29 = tpu.memref_slice %arg5[%dma_wait3A, %dma_wait3A_28] : memref<2x10496xi32, #tpu.memory_space<vmem>> -> memref<2x9984xi32, #tpu.memory_space<vmem>>
    %dma_wait3A_30 = arith.constant 0 : i32
    %dma_wait3A_31 = tpu.memref_slice %arg3[%dma_wait3A_30, %mul3A_3] : memref<2x320000xi32, #tpu.memory_space<hbm>> -> memref<2x9984xi32, #tpu.memory_space<hbm>>
    %dma_wait3A_32 = arith.constant 0 : i32
    %dma_wait3A_33 = arith.constant 0 : i32
    %dma_wait3A_34 = tpu.memref_slice %arg5[%dma_wait3A_32, %dma_wait3A_33] : memref<2x10496xi32, #tpu.memory_space<vmem>> -> memref<2x9984xi32, #tpu.memory_space<vmem>>
    %dma_wait3A_35 = arith.constant 0 : i32
    %dma_wait3A_36 = tpu.memref_slice %arg3[%dma_wait3A_35, %mul3A_3] : memref<2x320000xi32, #tpu.memory_space<hbm>> -> memref<2x9984xi32, #tpu.memory_space<hbm>>
    tpu.wait_dma2 semaphore(%arg8 : memref<!tpu.dma_semaphore, #tpu.memory_space<semaphore_mem>>) src(%dma_wait3A_36 : memref<2x9984xi32, #tpu.memory_space<hbm>>) dst(%dma_wait3A_34 : memref<2x9984xi32, #tpu.memory_space<vmem>>)
    %dma_wait3A_37 = arith.constant 0 : i32
    %dma_wait3A_38 = arith.constant 9984 : i32
    %dma_wait3A_39 = tpu.memref_slice %arg5[%dma_wait3A_37, %dma_wait3A_38] : memref<2x10496xi32, #tpu.memory_space<vmem>> -> memref<2x512xi32, #tpu.memory_space<vmem>>
    %dma_wait3A_40 = arith.constant 0 : i32
    %dma_wait3A_41 = arith.constant 319488 : i32
    %dma_wait3A_42 = tpu.memref_slice %arg3[%dma_wait3A_40, %dma_wait3A_41] : memref<2x320000xi32, #tpu.memory_space<hbm>> -> memref<2x512xi32, #tpu.memory_space<hbm>>
    %dma_wait3A_43 = arith.constant 0 : i32
    %dma_wait3A_44 = arith.constant 9984 : i32
    %dma_wait3A_45 = tpu.memref_slice %arg5[%dma_wait3A_43, %dma_wait3A_44] : memref<2x10496xi32, #tpu.memory_space<vmem>> -> memref<2x512xi32, #tpu.memory_space<vmem>>
    %dma_wait3A_46 = arith.constant 0 : i32
    %dma_wait3A_47 = arith.constant 319488 : i32
    %dma_wait3A_48 = tpu.memref_slice %arg3[%dma_wait3A_46, %dma_wait3A_47] : memref<2x320000xi32, #tpu.memory_space<hbm>> -> memref<2x512xi32, #tpu.memory_space<hbm>>
    tpu.wait_dma2 semaphore(%arg8 : memref<!tpu.dma_semaphore, #tpu.memory_space<semaphore_mem>>) src(%dma_wait3A_48 : memref<2x512xi32, #tpu.memory_space<hbm>>) dst(%dma_wait3A_45 : memref<2x512xi32, #tpu.memory_space<vmem>>)
    tpu.wait_dma2 semaphore(%arg8 : memref<!tpu.dma_semaphore, #tpu.memory_space<semaphore_mem>>) src(%arg2 : memref<2x10240xf32, #tpu.memory_space<hbm>>) dst(%arg6 : memref<2x10240xf32, #tpu.memory_space<vmem>>)
    %parallel_loop3A_49 = arith.constant 0 : i32
    %parallel_loop3A_50 = arith.constant 624 : i32
    %parallel_loop3A_51 = arith.constant 1 : i32
    scf.for %parallel_loop3A_53 = %parallel_loop3A_49 to %parallel_loop3A_50 step %parallel_loop3A_51  : i32 {
      %parallel_loop3A_54 = arith.constant 16 : i32
      %parallel_loop3A_55 = arith.muli %parallel_loop3A_53, %parallel_loop3A_54 : i32
      %parallel_loop3A_56 = arith.constant 0 : i32
      %parallel_loop3A_57 = arith.index_cast %parallel_loop3A_56 : i32 to index
      %parallel_loop3A_58 = arith.index_cast %parallel_loop3A_55 : i32 to index
      %parallel_loop3A_59 = tpu.vector_load %arg5[%parallel_loop3A_57, %parallel_loop3A_58] {strides = array<i32>} : memref<2x10496xi32, #tpu.memory_space<vmem>>, vector<16xi32>,
      %parallel_loop3A_60 = arith.constant 16 : i32
      %parallel_loop3A_61 = arith.muli %parallel_loop3A_53, %parallel_loop3A_60 : i32
      %parallel_loop3A_62 = arith.constant 1 : i32
      %parallel_loop3A_63 = arith.index_cast %parallel_loop3A_62 : i32 to index
      %parallel_loop3A_64 = arith.index_cast %parallel_loop3A_61 : i32 to index
      %parallel_loop3A_65 = tpu.vector_load %arg5[%parallel_loop3A_63, %parallel_loop3A_64] {strides = array<i32>} : memref<2x10496xi32, #tpu.memory_space<vmem>>, vector<16xi32>,
      %parallel_loop3A_66 = arith.constant 0 : i32
      %parallel_loop3A_67 = vector.broadcast %parallel_loop3A_66 : i32 to vector<16xi32>
      %parallel_loop3A_68 = tpu.vector_load_idx %arg6[%parallel_loop3A_67, %parallel_loop3A_59] : memref<2x10240xf32, #tpu.memory_space<vmem>>[vector<16xi32>, vector<16xi32>], vector<16xf32>,
      tpu.vector_store_idx %arg7[%parallel_loop3A_67, %parallel_loop3A_65], %parallel_loop3A_68 {add = true} : memref<2x10240xf32, #tpu.memory_space<vmem>>[vector<16xi32>, vector<16xi32>], vector<16xf32>,
      %parallel_loop3A_69 = arith.constant 1 : i32
      %parallel_loop3A_70 = vector.broadcast %parallel_loop3A_69 : i32 to vector<16xi32>
      %parallel_loop3A_71 = tpu.vector_load_idx %arg6[%parallel_loop3A_70, %parallel_loop3A_59] : memref<2x10240xf32, #tpu.memory_space<vmem>>[vector<16xi32>, vector<16xi32>], vector<16xf32>,
      tpu.vector_store_idx %arg7[%parallel_loop3A_70, %parallel_loop3A_65], %parallel_loop3A_71 {add = true} : memref<2x10240xf32, #tpu.memory_space<vmem>>[vector<16xi32>, vector<16xi32>], vector<16xf32>,
    } {sc.loop_unroll_factor = 16 : i64, sc.parallel_access}
    %convert_element_type3A = arith.extui %eq3A_1 : i1 to i32
    %cond3A = arith.constant 0 : i32
    %cond3A_52 = arith.cmpi ne, %convert_element_type3A, %cond3A : i32
    scf.if %cond3A_52 {
      %parallel_loop3A_53 = arith.constant 624 : i32
      %parallel_loop3A_54 = arith.constant 656 : i32
      %parallel_loop3A_55 = arith.constant 1 : i32
      scf.for %parallel_loop3A_56 = %parallel_loop3A_53 to %parallel_loop3A_54 step %parallel_loop3A_55  : i32 {
        %parallel_loop3A_57 = arith.constant 16 : i32
        %parallel_loop3A_58 = arith.muli %parallel_loop3A_56, %parallel_loop3A_57 : i32
        %parallel_loop3A_59 = arith.constant 0 : i32
        %parallel_loop3A_60 = arith.index_cast %parallel_loop3A_59 : i32 to index
        %parallel_loop3A_61 = arith.index_cast %parallel_loop3A_58 : i32 to index
        %parallel_loop3A_62 = tpu.vector_load %arg5[%parallel_loop3A_60, %parallel_loop3A_61] {strides = array<i32>} : memref<2x10496xi32, #tpu.memory_space<vmem>>, vector<16xi32>,
        %parallel_loop3A_63 = arith.constant 16 : i32
        %parallel_loop3A_64 = arith.muli %parallel_loop3A_56, %parallel_loop3A_63 : i32
        %parallel_loop3A_65 = arith.constant 1 : i32
        %parallel_loop3A_66 = arith.index_cast %parallel_loop3A_65 : i32 to index
        %parallel_loop3A_67 = arith.index_cast %parallel_loop3A_64 : i32 to index
        %parallel_loop3A_68 = tpu.vector_load %arg5[%parallel_loop3A_66, %parallel_loop3A_67] {strides = array<i32>} : memref<2x10496xi32, #tpu.memory_space<vmem>>, vector<16xi32>,
        %parallel_loop3A_69 = arith.constant 0 : i32
        %parallel_loop3A_70 = vector.broadcast %parallel_loop3A_69 : i32 to vector<16xi32>
        %parallel_loop3A_71 = tpu.vector_load_idx %arg6[%parallel_loop3A_70, %parallel_loop3A_62] : memref<2x10240xf32, #tpu.memory_space<vmem>>[vector<16xi32>, vector<16xi32>], vector<16xf32>,
        tpu.vector_store_idx %arg7[%parallel_loop3A_70, %parallel_loop3A_68], %parallel_loop3A_71 {add = true} : memref<2x10240xf32, #tpu.memory_space<vmem>>[vector<16xi32>, vector<16xi32>], vector<16xf32>,
        %parallel_loop3A_72 = arith.constant 1 : i32
        %parallel_loop3A_73 = vector.broadcast %parallel_loop3A_72 : i32 to vector<16xi32>
        %parallel_loop3A_74 = tpu.vector_load_idx %arg6[%parallel_loop3A_73, %parallel_loop3A_62] : memref<2x10240xf32, #tpu.memory_space<vmem>>[vector<16xi32>, vector<16xi32>], vector<16xf32>,
        tpu.vector_store_idx %arg7[%parallel_loop3A_73, %parallel_loop3A_68], %parallel_loop3A_74 {add = true} : memref<2x10240xf32, #tpu.memory_space<vmem>>[vector<16xi32>, vector<16xi32>], vector<16xf32>,
      } {sc.loop_unroll_factor = 16 : i64, sc.parallel_access}
    } else {
    }
    "tpu.region"() ({
      %run_scoped3A = tpu.sem_alloc : memref<!tpu.dma_semaphore, #tpu.memory_space<semaphore_mem>>
      %dma_start3A_53 = arith.constant 0 : i32
      %dma_start3A_54 = arith.constant 0 : i32
      %dma_start3A_55 = tpu.memref_slice %arg4[%add3A, %dma_start3A_53, %dma_start3A_54] : memref<32x2x10240xf32, #tpu.memory_space<hbm>> -> memref<1x2x10240xf32, #tpu.memory_space<hbm>>
      %dma_start3A_56 = tpu.memref_squeeze %dma_start3A_55 : memref<1x2x10240xf32, #tpu.memory_space<hbm>> -> memref<2x10240xf32, #tpu.memory_space<hbm>>
      %dma_start3A_57 = arith.constant 0 : i32
      %dma_start3A_58 = arith.constant 0 : i32
      %dma_start3A_59 = tpu.memref_slice %arg4[%add3A, %dma_start3A_57, %dma_start3A_58] : memref<32x2x10240xf32, #tpu.memory_space<hbm>> -> memref<1x2x10240xf32, #tpu.memory_space<hbm>>
      %dma_start3A_60 = tpu.memref_squeeze %dma_start3A_59 : memref<1x2x10240xf32, #tpu.memory_space<hbm>> -> memref<2x10240xf32, #tpu.memory_space<hbm>>
      tpu.enqueue_dma source(%arg7 : memref<2x10240xf32, #tpu.memory_space<vmem>>) target(%dma_start3A_60 : memref<2x10240xf32, #tpu.memory_space<hbm>>) target_semaphore(%run_scoped3A : memref<!tpu.dma_semaphore, #tpu.memory_space<semaphore_mem>>)
      %dma_wait3A_61 = arith.constant 0 : i32
      %dma_wait3A_62 = arith.constant 0 : i32
      %dma_wait3A_63 = tpu.memref_slice %arg4[%add3A, %dma_wait3A_61, %dma_wait3A_62] : memref<32x2x10240xf32, #tpu.memory_space<hbm>> -> memref<1x2x10240xf32, #tpu.memory_space<hbm>>
      %dma_wait3A_64 = tpu.memref_squeeze %dma_wait3A_63 : memref<1x2x10240xf32, #tpu.memory_space<hbm>> -> memref<2x10240xf32, #tpu.memory_space<hbm>>
      %dma_wait3A_65 = arith.constant 0 : i32
      %dma_wait3A_66 = arith.constant 0 : i32
      %dma_wait3A_67 = tpu.memref_slice %arg4[%add3A, %dma_wait3A_65, %dma_wait3A_66] : memref<32x2x10240xf32, #tpu.memory_space<hbm>> -> memref<1x2x10240xf32, #tpu.memory_space<hbm>>
      %dma_wait3A_68 = tpu.memref_squeeze %dma_wait3A_67 : memref<1x2x10240xf32, #tpu.memory_space<hbm>> -> memref<2x10240xf32, #tpu.memory_space<hbm>>
      tpu.wait_dma2 semaphore(%run_scoped3A : memref<!tpu.dma_semaphore, #tpu.memory_space<semaphore_mem>>) src(%arg7 : memref<2x10240xf32, #tpu.memory_space<vmem>>) dst(%dma_wait3A_68 : memref<2x10240xf32, #tpu.memory_space<hbm>>)
      tpu.yield
    }) : () -> ()
    return
  }
}

#map = affine_map<(d0, d1) -> (0, 0)>
module attributes {stable_mosaic.version = 14 : i64} {
  func.func @_deg_kernel(%arg0: i32, %arg1: i32, %arg2: memref<2x320000xi32, #tpu.memory_space<hbm>>, %arg3: memref<32x10240xf32, #tpu.memory_space<hbm>>, %arg4: memref<2x10496xi32, #tpu.memory_space<vmem>>, %arg5: memref<10240xf32, #tpu.memory_space<vmem>>, %arg6: memref<!tpu.dma_semaphore, #tpu.memory_space<semaphore_mem>>) attributes {dimension_semantics = [#tpu.dimension_semantics<core_parallel>, #tpu.dimension_semantics<subcore_parallel>], iteration_bounds = array<i64: 2, 16>, scalar_prefetch = 0 : i64, scratch_operands = 3 : i64, tpu.core_type = #tpu.core_type<sc_vector_subcore>, window_params = [{transform_indices = #map}, {transform_indices = #map}]} {
    %mul3A = arith.constant 2 : i32
    %mul3A_0 = arith.muli %arg1, %mul3A : i32
    %add3A = arith.addi %mul3A_0, %arg0 : i32
    %eq3A = arith.constant 31 : i32
    %eq3A_1 = arith.cmpi eq, %add3A, %eq3A : i32
    %mul3A_2 = arith.constant 9984 : i32
    %mul3A_3 = arith.muli %add3A, %mul3A_2 : i32
    %dma_start3A = arith.constant 0 : i32
    %dma_start3A_4 = arith.constant 0 : i32
    %dma_start3A_5 = tpu.memref_slice %arg4[%dma_start3A, %dma_start3A_4] : memref<2x10496xi32, #tpu.memory_space<vmem>> -> memref<2x9984xi32, #tpu.memory_space<vmem>>
    %dma_start3A_6 = arith.constant 0 : i32
    %dma_start3A_7 = tpu.memref_slice %arg2[%dma_start3A_6, %mul3A_3] : memref<2x320000xi32, #tpu.memory_space<hbm>> -> memref<2x9984xi32, #tpu.memory_space<hbm>>
    %dma_start3A_8 = arith.constant 0 : i32
    %dma_start3A_9 = arith.constant 0 : i32
    %dma_start3A_10 = tpu.memref_slice %arg4[%dma_start3A_8, %dma_start3A_9] : memref<2x10496xi32, #tpu.memory_space<vmem>> -> memref<2x9984xi32, #tpu.memory_space<vmem>>
    %dma_start3A_11 = arith.constant 0 : i32
    %dma_start3A_12 = tpu.memref_slice %arg2[%dma_start3A_11, %mul3A_3] : memref<2x320000xi32, #tpu.memory_space<hbm>> -> memref<2x9984xi32, #tpu.memory_space<hbm>>
    tpu.enqueue_dma source(%dma_start3A_12 : memref<2x9984xi32, #tpu.memory_space<hbm>>) target(%dma_start3A_10 : memref<2x9984xi32, #tpu.memory_space<vmem>>) target_semaphore(%arg6 : memref<!tpu.dma_semaphore, #tpu.memory_space<semaphore_mem>>)
    %dma_start3A_13 = arith.constant 0 : i32
    %dma_start3A_14 = arith.constant 9984 : i32
    %dma_start3A_15 = tpu.memref_slice %arg4[%dma_start3A_13, %dma_start3A_14] : memref<2x10496xi32, #tpu.memory_space<vmem>> -> memref<2x512xi32, #tpu.memory_space<vmem>>
    %dma_start3A_16 = arith.constant 0 : i32
    %dma_start3A_17 = arith.constant 319488 : i32
    %dma_start3A_18 = tpu.memref_slice %arg2[%dma_start3A_16, %dma_start3A_17] : memref<2x320000xi32, #tpu.memory_space<hbm>> -> memref<2x512xi32, #tpu.memory_space<hbm>>
    %dma_start3A_19 = arith.constant 0 : i32
    %dma_start3A_20 = arith.constant 9984 : i32
    %dma_start3A_21 = tpu.memref_slice %arg4[%dma_start3A_19, %dma_start3A_20] : memref<2x10496xi32, #tpu.memory_space<vmem>> -> memref<2x512xi32, #tpu.memory_space<vmem>>
    %dma_start3A_22 = arith.constant 0 : i32
    %dma_start3A_23 = arith.constant 319488 : i32
    %dma_start3A_24 = tpu.memref_slice %arg2[%dma_start3A_22, %dma_start3A_23] : memref<2x320000xi32, #tpu.memory_space<hbm>> -> memref<2x512xi32, #tpu.memory_space<hbm>>
    tpu.enqueue_dma source(%dma_start3A_24 : memref<2x512xi32, #tpu.memory_space<hbm>>) target(%dma_start3A_21 : memref<2x512xi32, #tpu.memory_space<vmem>>) target_semaphore(%arg6 : memref<!tpu.dma_semaphore, #tpu.memory_space<semaphore_mem>>)
    %broadcast_in_dim3A = arith.constant 0.000000e+00 : f32
    %broadcast_in_dim3A_25 = vector.broadcast %broadcast_in_dim3A : f32 to vector<16xf32>
    %parallel_loop3A = arith.constant 0 : i32
    %parallel_loop3A_26 = arith.constant 640 : i32
    %parallel_loop3A_27 = arith.constant 1 : i32
    scf.for %parallel_loop3A_55 = %parallel_loop3A to %parallel_loop3A_26 step %parallel_loop3A_27  : i32 {
      %parallel_loop3A_56 = arith.constant 16 : i32
      %parallel_loop3A_57 = arith.muli %parallel_loop3A_55, %parallel_loop3A_56 : i32
      %parallel_loop3A_58 = arith.index_cast %parallel_loop3A_57 : i32 to index
      %parallel_loop3A_59 = tpu.vector_load %arg5[%parallel_loop3A_58] {strides = array<i32>} : memref<10240xf32, #tpu.memory_space<vmem>>, vector<16xf32>,
      tpu.vector_store %arg5[%parallel_loop3A_58], %broadcast_in_dim3A_25 {strides = array<i32>} : memref<10240xf32, #tpu.memory_space<vmem>>, vector<16xf32>,
    } {sc.loop_unroll_factor = 8 : i64, sc.parallel_access}
    %dma_wait3A = arith.constant 0 : i32
    %dma_wait3A_28 = arith.constant 0 : i32
    %dma_wait3A_29 = tpu.memref_slice %arg4[%dma_wait3A, %dma_wait3A_28] : memref<2x10496xi32, #tpu.memory_space<vmem>> -> memref<2x9984xi32, #tpu.memory_space<vmem>>
    %dma_wait3A_30 = arith.constant 0 : i32
    %dma_wait3A_31 = tpu.memref_slice %arg2[%dma_wait3A_30, %mul3A_3] : memref<2x320000xi32, #tpu.memory_space<hbm>> -> memref<2x9984xi32, #tpu.memory_space<hbm>>
    %dma_wait3A_32 = arith.constant 0 : i32
    %dma_wait3A_33 = arith.constant 0 : i32
    %dma_wait3A_34 = tpu.memref_slice %arg4[%dma_wait3A_32, %dma_wait3A_33] : memref<2x10496xi32, #tpu.memory_space<vmem>> -> memref<2x9984xi32, #tpu.memory_space<vmem>>
    %dma_wait3A_35 = arith.constant 0 : i32
    %dma_wait3A_36 = tpu.memref_slice %arg2[%dma_wait3A_35, %mul3A_3] : memref<2x320000xi32, #tpu.memory_space<hbm>> -> memref<2x9984xi32, #tpu.memory_space<hbm>>
    tpu.wait_dma2 semaphore(%arg6 : memref<!tpu.dma_semaphore, #tpu.memory_space<semaphore_mem>>) src(%dma_wait3A_36 : memref<2x9984xi32, #tpu.memory_space<hbm>>) dst(%dma_wait3A_34 : memref<2x9984xi32, #tpu.memory_space<vmem>>)
    %dma_wait3A_37 = arith.constant 0 : i32
    %dma_wait3A_38 = arith.constant 9984 : i32
    %dma_wait3A_39 = tpu.memref_slice %arg4[%dma_wait3A_37, %dma_wait3A_38] : memref<2x10496xi32, #tpu.memory_space<vmem>> -> memref<2x512xi32, #tpu.memory_space<vmem>>
    %dma_wait3A_40 = arith.constant 0 : i32
    %dma_wait3A_41 = arith.constant 319488 : i32
    %dma_wait3A_42 = tpu.memref_slice %arg2[%dma_wait3A_40, %dma_wait3A_41] : memref<2x320000xi32, #tpu.memory_space<hbm>> -> memref<2x512xi32, #tpu.memory_space<hbm>>
    %dma_wait3A_43 = arith.constant 0 : i32
    %dma_wait3A_44 = arith.constant 9984 : i32
    %dma_wait3A_45 = tpu.memref_slice %arg4[%dma_wait3A_43, %dma_wait3A_44] : memref<2x10496xi32, #tpu.memory_space<vmem>> -> memref<2x512xi32, #tpu.memory_space<vmem>>
    %dma_wait3A_46 = arith.constant 0 : i32
    %dma_wait3A_47 = arith.constant 319488 : i32
    %dma_wait3A_48 = tpu.memref_slice %arg2[%dma_wait3A_46, %dma_wait3A_47] : memref<2x320000xi32, #tpu.memory_space<hbm>> -> memref<2x512xi32, #tpu.memory_space<hbm>>
    tpu.wait_dma2 semaphore(%arg6 : memref<!tpu.dma_semaphore, #tpu.memory_space<semaphore_mem>>) src(%dma_wait3A_48 : memref<2x512xi32, #tpu.memory_space<hbm>>) dst(%dma_wait3A_45 : memref<2x512xi32, #tpu.memory_space<vmem>>)
    %broadcast_in_dim3A_49 = arith.constant 1.000000e+00 : f32
    %broadcast_in_dim3A_50 = vector.broadcast %broadcast_in_dim3A_49 : f32 to vector<16xf32>
    %parallel_loop3A_51 = arith.constant 0 : i32
    %parallel_loop3A_52 = arith.constant 624 : i32
    %parallel_loop3A_53 = arith.constant 1 : i32
    scf.for %parallel_loop3A_55 = %parallel_loop3A_51 to %parallel_loop3A_52 step %parallel_loop3A_53  : i32 {
      %parallel_loop3A_56 = arith.constant 16 : i32
      %parallel_loop3A_57 = arith.muli %parallel_loop3A_55, %parallel_loop3A_56 : i32
      %parallel_loop3A_58 = arith.constant 1 : i32
      %parallel_loop3A_59 = arith.index_cast %parallel_loop3A_58 : i32 to index
      %parallel_loop3A_60 = arith.index_cast %parallel_loop3A_57 : i32 to index
      %parallel_loop3A_61 = tpu.vector_load %arg4[%parallel_loop3A_59, %parallel_loop3A_60] {strides = array<i32>} : memref<2x10496xi32, #tpu.memory_space<vmem>>, vector<16xi32>,
      tpu.vector_store_idx %arg5[%parallel_loop3A_61], %broadcast_in_dim3A_50 {add = true} : memref<10240xf32, #tpu.memory_space<vmem>>[vector<16xi32>], vector<16xf32>,
    } {sc.loop_unroll_factor = 8 : i64, sc.parallel_access}
    %convert_element_type3A = arith.extui %eq3A_1 : i1 to i32
    %cond3A = arith.constant 0 : i32
    %cond3A_54 = arith.cmpi ne, %convert_element_type3A, %cond3A : i32
    scf.if %cond3A_54 {
      %parallel_loop3A_55 = arith.constant 624 : i32
      %parallel_loop3A_56 = arith.constant 656 : i32
      %parallel_loop3A_57 = arith.constant 1 : i32
      scf.for %parallel_loop3A_58 = %parallel_loop3A_55 to %parallel_loop3A_56 step %parallel_loop3A_57  : i32 {
        %parallel_loop3A_59 = arith.constant 16 : i32
        %parallel_loop3A_60 = arith.muli %parallel_loop3A_58, %parallel_loop3A_59 : i32
        %parallel_loop3A_61 = arith.constant 1 : i32
        %parallel_loop3A_62 = arith.index_cast %parallel_loop3A_61 : i32 to index
        %parallel_loop3A_63 = arith.index_cast %parallel_loop3A_60 : i32 to index
        %parallel_loop3A_64 = tpu.vector_load %arg4[%parallel_loop3A_62, %parallel_loop3A_63] {strides = array<i32>} : memref<2x10496xi32, #tpu.memory_space<vmem>>, vector<16xi32>,
        tpu.vector_store_idx %arg5[%parallel_loop3A_64], %broadcast_in_dim3A_50 {add = true} : memref<10240xf32, #tpu.memory_space<vmem>>[vector<16xi32>], vector<16xf32>,
      } {sc.loop_unroll_factor = 8 : i64, sc.parallel_access}
    } else {
    }
    "tpu.region"() ({
      %run_scoped3A = tpu.sem_alloc : memref<!tpu.dma_semaphore, #tpu.memory_space<semaphore_mem>>
      %dma_start3A_55 = arith.constant 0 : i32
      %dma_start3A_56 = tpu.memref_slice %arg3[%add3A, %dma_start3A_55] : memref<32x10240xf32, #tpu.memory_space<hbm>> -> memref<1x10240xf32, #tpu.memory_space<hbm>>
      %dma_start3A_57 = tpu.memref_squeeze %dma_start3A_56 : memref<1x10240xf32, #tpu.memory_space<hbm>> -> memref<10240xf32, #tpu.memory_space<hbm>>
      %dma_start3A_58 = arith.constant 0 : i32
      %dma_start3A_59 = tpu.memref_slice %arg3[%add3A, %dma_start3A_58] : memref<32x10240xf32, #tpu.memory_space<hbm>> -> memref<1x10240xf32, #tpu.memory_space<hbm>>
      %dma_start3A_60 = tpu.memref_squeeze %dma_start3A_59 : memref<1x10240xf32, #tpu.memory_space<hbm>> -> memref<10240xf32, #tpu.memory_space<hbm>>
      tpu.enqueue_dma source(%arg5 : memref<10240xf32, #tpu.memory_space<vmem>>) target(%dma_start3A_60 : memref<10240xf32, #tpu.memory_space<hbm>>) target_semaphore(%run_scoped3A : memref<!tpu.dma_semaphore, #tpu.memory_space<semaphore_mem>>)
      %dma_wait3A_61 = arith.constant 0 : i32
      %dma_wait3A_62 = tpu.memref_slice %arg3[%add3A, %dma_wait3A_61] : memref<32x10240xf32, #tpu.memory_space<hbm>> -> memref<1x10240xf32, #tpu.memory_space<hbm>>
      %dma_wait3A_63 = tpu.memref_squeeze %dma_wait3A_62 : memref<1x10240xf32, #tpu.memory_space<hbm>> -> memref<10240xf32, #tpu.memory_space<hbm>>
      %dma_wait3A_64 = arith.constant 0 : i32
      %dma_wait3A_65 = tpu.memref_slice %arg3[%add3A, %dma_wait3A_64] : memref<32x10240xf32, #tpu.memory_space<hbm>> -> memref<1x10240xf32, #tpu.memory_space<hbm>>
      %dma_wait3A_66 = tpu.memref_squeeze %dma_wait3A_65 : memref<1x10240xf32, #tpu.memory_space<hbm>> -> memref<10240xf32, #tpu.memory_space<hbm>>
      tpu.wait_dma2 semaphore(%run_scoped3A : memref<!tpu.dma_semaphore, #tpu.memory_space<semaphore_mem>>) src(%arg5 : memref<10240xf32, #tpu.memory_space<vmem>>) dst(%dma_wait3A_66 : memref<10240xf32, #tpu.memory_space<hbm>>)
      tpu.yield
    }) : () -> ()
    return
  }
}

#map = affine_map<(d0, d1) -> (0, 0)>
#map1 = affine_map<(d0, d1) -> (0, 0, 0)>
module attributes {stable_mosaic.version = 14 : i64} {
  func.func @_agg(%arg0: i32, %arg1: i32, %arg2: memref<1x10240xf32, #tpu.memory_space<hbm>>, %arg3: memref<2x320000xi32, #tpu.memory_space<hbm>>, %arg4: memref<32x1x10240xf32, #tpu.memory_space<hbm>>, %arg5: memref<2x10496xi32, #tpu.memory_space<vmem>>, %arg6: memref<1x10240xf32, #tpu.memory_space<vmem>>, %arg7: memref<1x10240xf32, #tpu.memory_space<vmem>>, %arg8: memref<!tpu.dma_semaphore, #tpu.memory_space<semaphore_mem>>) attributes {dimension_semantics = [#tpu.dimension_semantics<core_parallel>, #tpu.dimension_semantics<subcore_parallel>], iteration_bounds = array<i64: 2, 16>, scalar_prefetch = 0 : i64, scratch_operands = 4 : i64, tpu.core_type = #tpu.core_type<sc_vector_subcore>, window_params = [{transform_indices = #map}, {transform_indices = #map}, {transform_indices = #map1}]} {
    %mul3A = arith.constant 2 : i32
    %mul3A_0 = arith.muli %arg1, %mul3A : i32
    %add3A = arith.addi %mul3A_0, %arg0 : i32
    %eq3A = arith.constant 31 : i32
    %eq3A_1 = arith.cmpi eq, %add3A, %eq3A : i32
    %mul3A_2 = arith.constant 9984 : i32
    %mul3A_3 = arith.muli %add3A, %mul3A_2 : i32
    %dma_start3A = arith.constant 0 : i32
    %dma_start3A_4 = arith.constant 0 : i32
    %dma_start3A_5 = tpu.memref_slice %arg5[%dma_start3A, %dma_start3A_4] : memref<2x10496xi32, #tpu.memory_space<vmem>> -> memref<2x9984xi32, #tpu.memory_space<vmem>>
    %dma_start3A_6 = arith.constant 0 : i32
    %dma_start3A_7 = tpu.memref_slice %arg3[%dma_start3A_6, %mul3A_3] : memref<2x320000xi32, #tpu.memory_space<hbm>> -> memref<2x9984xi32, #tpu.memory_space<hbm>>
    %dma_start3A_8 = arith.constant 0 : i32
    %dma_start3A_9 = arith.constant 0 : i32
    %dma_start3A_10 = tpu.memref_slice %arg5[%dma_start3A_8, %dma_start3A_9] : memref<2x10496xi32, #tpu.memory_space<vmem>> -> memref<2x9984xi32, #tpu.memory_space<vmem>>
    %dma_start3A_11 = arith.constant 0 : i32
    %dma_start3A_12 = tpu.memref_slice %arg3[%dma_start3A_11, %mul3A_3] : memref<2x320000xi32, #tpu.memory_space<hbm>> -> memref<2x9984xi32, #tpu.memory_space<hbm>>
    tpu.enqueue_dma source(%dma_start3A_12 : memref<2x9984xi32, #tpu.memory_space<hbm>>) target(%dma_start3A_10 : memref<2x9984xi32, #tpu.memory_space<vmem>>) target_semaphore(%arg8 : memref<!tpu.dma_semaphore, #tpu.memory_space<semaphore_mem>>)
    %dma_start3A_13 = arith.constant 0 : i32
    %dma_start3A_14 = arith.constant 9984 : i32
    %dma_start3A_15 = tpu.memref_slice %arg5[%dma_start3A_13, %dma_start3A_14] : memref<2x10496xi32, #tpu.memory_space<vmem>> -> memref<2x512xi32, #tpu.memory_space<vmem>>
    %dma_start3A_16 = arith.constant 0 : i32
    %dma_start3A_17 = arith.constant 319488 : i32
    %dma_start3A_18 = tpu.memref_slice %arg3[%dma_start3A_16, %dma_start3A_17] : memref<2x320000xi32, #tpu.memory_space<hbm>> -> memref<2x512xi32, #tpu.memory_space<hbm>>
    %dma_start3A_19 = arith.constant 0 : i32
    %dma_start3A_20 = arith.constant 9984 : i32
    %dma_start3A_21 = tpu.memref_slice %arg5[%dma_start3A_19, %dma_start3A_20] : memref<2x10496xi32, #tpu.memory_space<vmem>> -> memref<2x512xi32, #tpu.memory_space<vmem>>
    %dma_start3A_22 = arith.constant 0 : i32
    %dma_start3A_23 = arith.constant 319488 : i32
    %dma_start3A_24 = tpu.memref_slice %arg3[%dma_start3A_22, %dma_start3A_23] : memref<2x320000xi32, #tpu.memory_space<hbm>> -> memref<2x512xi32, #tpu.memory_space<hbm>>
    tpu.enqueue_dma source(%dma_start3A_24 : memref<2x512xi32, #tpu.memory_space<hbm>>) target(%dma_start3A_21 : memref<2x512xi32, #tpu.memory_space<vmem>>) target_semaphore(%arg8 : memref<!tpu.dma_semaphore, #tpu.memory_space<semaphore_mem>>)
    tpu.enqueue_dma source(%arg2 : memref<1x10240xf32, #tpu.memory_space<hbm>>) target(%arg6 : memref<1x10240xf32, #tpu.memory_space<vmem>>) target_semaphore(%arg8 : memref<!tpu.dma_semaphore, #tpu.memory_space<semaphore_mem>>)
    %broadcast_in_dim3A = arith.constant 0.000000e+00 : f32
    %broadcast_in_dim3A_25 = vector.broadcast %broadcast_in_dim3A : f32 to vector<16xf32>
    %parallel_loop3A = arith.constant 0 : i32
    %parallel_loop3A_26 = arith.constant 640 : i32
    %parallel_loop3A_27 = arith.constant 1 : i32
    scf.for %parallel_loop3A_53 = %parallel_loop3A to %parallel_loop3A_26 step %parallel_loop3A_27  : i32 {
      %parallel_loop3A_54 = arith.constant 16 : i32
      %parallel_loop3A_55 = arith.muli %parallel_loop3A_53, %parallel_loop3A_54 : i32
      %parallel_loop3A_56 = arith.constant 0 : i32
      %parallel_loop3A_57 = arith.index_cast %parallel_loop3A_56 : i32 to index
      %parallel_loop3A_58 = arith.index_cast %parallel_loop3A_55 : i32 to index
      %parallel_loop3A_59 = tpu.vector_load %arg7[%parallel_loop3A_57, %parallel_loop3A_58] {strides = array<i32>} : memref<1x10240xf32, #tpu.memory_space<vmem>>, vector<16xf32>,
      tpu.vector_store %arg7[%parallel_loop3A_57, %parallel_loop3A_58], %broadcast_in_dim3A_25 {strides = array<i32>} : memref<1x10240xf32, #tpu.memory_space<vmem>>, vector<16xf32>,
    } {sc.loop_unroll_factor = 8 : i64, sc.parallel_access}
    %dma_wait3A = arith.constant 0 : i32
    %dma_wait3A_28 = arith.constant 0 : i32
    %dma_wait3A_29 = tpu.memref_slice %arg5[%dma_wait3A, %dma_wait3A_28] : memref<2x10496xi32, #tpu.memory_space<vmem>> -> memref<2x9984xi32, #tpu.memory_space<vmem>>
    %dma_wait3A_30 = arith.constant 0 : i32
    %dma_wait3A_31 = tpu.memref_slice %arg3[%dma_wait3A_30, %mul3A_3] : memref<2x320000xi32, #tpu.memory_space<hbm>> -> memref<2x9984xi32, #tpu.memory_space<hbm>>
    %dma_wait3A_32 = arith.constant 0 : i32
    %dma_wait3A_33 = arith.constant 0 : i32
    %dma_wait3A_34 = tpu.memref_slice %arg5[%dma_wait3A_32, %dma_wait3A_33] : memref<2x10496xi32, #tpu.memory_space<vmem>> -> memref<2x9984xi32, #tpu.memory_space<vmem>>
    %dma_wait3A_35 = arith.constant 0 : i32
    %dma_wait3A_36 = tpu.memref_slice %arg3[%dma_wait3A_35, %mul3A_3] : memref<2x320000xi32, #tpu.memory_space<hbm>> -> memref<2x9984xi32, #tpu.memory_space<hbm>>
    tpu.wait_dma2 semaphore(%arg8 : memref<!tpu.dma_semaphore, #tpu.memory_space<semaphore_mem>>) src(%dma_wait3A_36 : memref<2x9984xi32, #tpu.memory_space<hbm>>) dst(%dma_wait3A_34 : memref<2x9984xi32, #tpu.memory_space<vmem>>)
    %dma_wait3A_37 = arith.constant 0 : i32
    %dma_wait3A_38 = arith.constant 9984 : i32
    %dma_wait3A_39 = tpu.memref_slice %arg5[%dma_wait3A_37, %dma_wait3A_38] : memref<2x10496xi32, #tpu.memory_space<vmem>> -> memref<2x512xi32, #tpu.memory_space<vmem>>
    %dma_wait3A_40 = arith.constant 0 : i32
    %dma_wait3A_41 = arith.constant 319488 : i32
    %dma_wait3A_42 = tpu.memref_slice %arg3[%dma_wait3A_40, %dma_wait3A_41] : memref<2x320000xi32, #tpu.memory_space<hbm>> -> memref<2x512xi32, #tpu.memory_space<hbm>>
    %dma_wait3A_43 = arith.constant 0 : i32
    %dma_wait3A_44 = arith.constant 9984 : i32
    %dma_wait3A_45 = tpu.memref_slice %arg5[%dma_wait3A_43, %dma_wait3A_44] : memref<2x10496xi32, #tpu.memory_space<vmem>> -> memref<2x512xi32, #tpu.memory_space<vmem>>
    %dma_wait3A_46 = arith.constant 0 : i32
    %dma_wait3A_47 = arith.constant 319488 : i32
    %dma_wait3A_48 = tpu.memref_slice %arg3[%dma_wait3A_46, %dma_wait3A_47] : memref<2x320000xi32, #tpu.memory_space<hbm>> -> memref<2x512xi32, #tpu.memory_space<hbm>>
    tpu.wait_dma2 semaphore(%arg8 : memref<!tpu.dma_semaphore, #tpu.memory_space<semaphore_mem>>) src(%dma_wait3A_48 : memref<2x512xi32, #tpu.memory_space<hbm>>) dst(%dma_wait3A_45 : memref<2x512xi32, #tpu.memory_space<vmem>>)
    tpu.wait_dma2 semaphore(%arg8 : memref<!tpu.dma_semaphore, #tpu.memory_space<semaphore_mem>>) src(%arg2 : memref<1x10240xf32, #tpu.memory_space<hbm>>) dst(%arg6 : memref<1x10240xf32, #tpu.memory_space<vmem>>)
    %parallel_loop3A_49 = arith.constant 0 : i32
    %parallel_loop3A_50 = arith.constant 624 : i32
    %parallel_loop3A_51 = arith.constant 1 : i32
    scf.for %parallel_loop3A_53 = %parallel_loop3A_49 to %parallel_loop3A_50 step %parallel_loop3A_51  : i32 {
      %parallel_loop3A_54 = arith.constant 16 : i32
      %parallel_loop3A_55 = arith.muli %parallel_loop3A_53, %parallel_loop3A_54 : i32
      %parallel_loop3A_56 = arith.constant 0 : i32
      %parallel_loop3A_57 = arith.index_cast %parallel_loop3A_56 : i32 to index
      %parallel_loop3A_58 = arith.index_cast %parallel_loop3A_55 : i32 to index
      %parallel_loop3A_59 = tpu.vector_load %arg5[%parallel_loop3A_57, %parallel_loop3A_58] {strides = array<i32>} : memref<2x10496xi32, #tpu.memory_space<vmem>>, vector<16xi32>,
      %parallel_loop3A_60 = arith.constant 16 : i32
      %parallel_loop3A_61 = arith.muli %parallel_loop3A_53, %parallel_loop3A_60 : i32
      %parallel_loop3A_62 = arith.constant 1 : i32
      %parallel_loop3A_63 = arith.index_cast %parallel_loop3A_62 : i32 to index
      %parallel_loop3A_64 = arith.index_cast %parallel_loop3A_61 : i32 to index
      %parallel_loop3A_65 = tpu.vector_load %arg5[%parallel_loop3A_63, %parallel_loop3A_64] {strides = array<i32>} : memref<2x10496xi32, #tpu.memory_space<vmem>>, vector<16xi32>,
      %parallel_loop3A_66 = arith.constant 0 : i32
      %parallel_loop3A_67 = vector.broadcast %parallel_loop3A_66 : i32 to vector<16xi32>
      %parallel_loop3A_68 = tpu.vector_load_idx %arg6[%parallel_loop3A_67, %parallel_loop3A_59] : memref<1x10240xf32, #tpu.memory_space<vmem>>[vector<16xi32>, vector<16xi32>], vector<16xf32>,
      tpu.vector_store_idx %arg7[%parallel_loop3A_67, %parallel_loop3A_65], %parallel_loop3A_68 {add = true} : memref<1x10240xf32, #tpu.memory_space<vmem>>[vector<16xi32>, vector<16xi32>], vector<16xf32>,
    } {sc.loop_unroll_factor = 16 : i64, sc.parallel_access}
    %convert_element_type3A = arith.extui %eq3A_1 : i1 to i32
    %cond3A = arith.constant 0 : i32
    %cond3A_52 = arith.cmpi ne, %convert_element_type3A, %cond3A : i32
    scf.if %cond3A_52 {
      %parallel_loop3A_53 = arith.constant 624 : i32
      %parallel_loop3A_54 = arith.constant 656 : i32
      %parallel_loop3A_55 = arith.constant 1 : i32
      scf.for %parallel_loop3A_56 = %parallel_loop3A_53 to %parallel_loop3A_54 step %parallel_loop3A_55  : i32 {
        %parallel_loop3A_57 = arith.constant 16 : i32
        %parallel_loop3A_58 = arith.muli %parallel_loop3A_56, %parallel_loop3A_57 : i32
        %parallel_loop3A_59 = arith.constant 0 : i32
        %parallel_loop3A_60 = arith.index_cast %parallel_loop3A_59 : i32 to index
        %parallel_loop3A_61 = arith.index_cast %parallel_loop3A_58 : i32 to index
        %parallel_loop3A_62 = tpu.vector_load %arg5[%parallel_loop3A_60, %parallel_loop3A_61] {strides = array<i32>} : memref<2x10496xi32, #tpu.memory_space<vmem>>, vector<16xi32>,
        %parallel_loop3A_63 = arith.constant 16 : i32
        %parallel_loop3A_64 = arith.muli %parallel_loop3A_56, %parallel_loop3A_63 : i32
        %parallel_loop3A_65 = arith.constant 1 : i32
        %parallel_loop3A_66 = arith.index_cast %parallel_loop3A_65 : i32 to index
        %parallel_loop3A_67 = arith.index_cast %parallel_loop3A_64 : i32 to index
        %parallel_loop3A_68 = tpu.vector_load %arg5[%parallel_loop3A_66, %parallel_loop3A_67] {strides = array<i32>} : memref<2x10496xi32, #tpu.memory_space<vmem>>, vector<16xi32>,
        %parallel_loop3A_69 = arith.constant 0 : i32
        %parallel_loop3A_70 = vector.broadcast %parallel_loop3A_69 : i32 to vector<16xi32>
        %parallel_loop3A_71 = tpu.vector_load_idx %arg6[%parallel_loop3A_70, %parallel_loop3A_62] : memref<1x10240xf32, #tpu.memory_space<vmem>>[vector<16xi32>, vector<16xi32>], vector<16xf32>,
        tpu.vector_store_idx %arg7[%parallel_loop3A_70, %parallel_loop3A_68], %parallel_loop3A_71 {add = true} : memref<1x10240xf32, #tpu.memory_space<vmem>>[vector<16xi32>, vector<16xi32>], vector<16xf32>,
      } {sc.loop_unroll_factor = 16 : i64, sc.parallel_access}
    } else {
    }
    "tpu.region"() ({
      %run_scoped3A = tpu.sem_alloc : memref<!tpu.dma_semaphore, #tpu.memory_space<semaphore_mem>>
      %dma_start3A_53 = arith.constant 0 : i32
      %dma_start3A_54 = arith.constant 0 : i32
      %dma_start3A_55 = tpu.memref_slice %arg4[%add3A, %dma_start3A_53, %dma_start3A_54] : memref<32x1x10240xf32, #tpu.memory_space<hbm>> -> memref<1x1x10240xf32, #tpu.memory_space<hbm>>
      %dma_start3A_56 = tpu.memref_squeeze %dma_start3A_55 : memref<1x1x10240xf32, #tpu.memory_space<hbm>> -> memref<1x10240xf32, #tpu.memory_space<hbm>>
      %dma_start3A_57 = arith.constant 0 : i32
      %dma_start3A_58 = arith.constant 0 : i32
      %dma_start3A_59 = tpu.memref_slice %arg4[%add3A, %dma_start3A_57, %dma_start3A_58] : memref<32x1x10240xf32, #tpu.memory_space<hbm>> -> memref<1x1x10240xf32, #tpu.memory_space<hbm>>
      %dma_start3A_60 = tpu.memref_squeeze %dma_start3A_59 : memref<1x1x10240xf32, #tpu.memory_space<hbm>> -> memref<1x10240xf32, #tpu.memory_space<hbm>>
      tpu.enqueue_dma source(%arg7 : memref<1x10240xf32, #tpu.memory_space<vmem>>) target(%dma_start3A_60 : memref<1x10240xf32, #tpu.memory_space<hbm>>) target_semaphore(%run_scoped3A : memref<!tpu.dma_semaphore, #tpu.memory_space<semaphore_mem>>)
      %dma_wait3A_61 = arith.constant 0 : i32
      %dma_wait3A_62 = arith.constant 0 : i32
      %dma_wait3A_63 = tpu.memref_slice %arg4[%add3A, %dma_wait3A_61, %dma_wait3A_62] : memref<32x1x10240xf32, #tpu.memory_space<hbm>> -> memref<1x1x10240xf32, #tpu.memory_space<hbm>>
      %dma_wait3A_64 = tpu.memref_squeeze %dma_wait3A_63 : memref<1x1x10240xf32, #tpu.memory_space<hbm>> -> memref<1x10240xf32, #tpu.memory_space<hbm>>
      %dma_wait3A_65 = arith.constant 0 : i32
      %dma_wait3A_66 = arith.constant 0 : i32
      %dma_wait3A_67 = tpu.memref_slice %arg4[%add3A, %dma_wait3A_65, %dma_wait3A_66] : memref<32x1x10240xf32, #tpu.memory_space<hbm>> -> memref<1x1x10240xf32, #tpu.memory_space<hbm>>
      %dma_wait3A_68 = tpu.memref_squeeze %dma_wait3A_67 : memref<1x1x10240xf32, #tpu.memory_space<hbm>> -> memref<1x10240xf32, #tpu.memory_space<hbm>>
      tpu.wait_dma2 semaphore(%run_scoped3A : memref<!tpu.dma_semaphore, #tpu.memory_space<semaphore_mem>>) src(%arg7 : memref<1x10240xf32, #tpu.memory_space<vmem>>) dst(%dma_wait3A_68 : memref<1x10240xf32, #tpu.memory_space<hbm>>)
      tpu.yield
    }) : () -> ()
    return
  }
}

#map = affine_map<(d0, d1) -> (0, 0)>
#map1 = affine_map<(d0, d1) -> (0, 0, 0)>
module attributes {stable_mosaic.version = 14 : i64} {
  func.func @_agg(%arg0: i32, %arg1: i32, %arg2: memref<4x10240xf32, #tpu.memory_space<hbm>>, %arg3: memref<2x320000xi32, #tpu.memory_space<hbm>>, %arg4: memref<32x4x10240xf32, #tpu.memory_space<hbm>>, %arg5: memref<2x10496xi32, #tpu.memory_space<vmem>>, %arg6: memref<4x10240xf32, #tpu.memory_space<vmem>>, %arg7: memref<4x10240xf32, #tpu.memory_space<vmem>>, %arg8: memref<!tpu.dma_semaphore, #tpu.memory_space<semaphore_mem>>) attributes {dimension_semantics = [#tpu.dimension_semantics<core_parallel>, #tpu.dimension_semantics<subcore_parallel>], iteration_bounds = array<i64: 2, 16>, scalar_prefetch = 0 : i64, scratch_operands = 4 : i64, tpu.core_type = #tpu.core_type<sc_vector_subcore>, window_params = [{transform_indices = #map}, {transform_indices = #map}, {transform_indices = #map1}]} {
    %mul3A = arith.constant 2 : i32
    %mul3A_0 = arith.muli %arg1, %mul3A : i32
    %add3A = arith.addi %mul3A_0, %arg0 : i32
    %eq3A = arith.constant 31 : i32
    %eq3A_1 = arith.cmpi eq, %add3A, %eq3A : i32
    %mul3A_2 = arith.constant 9984 : i32
    %mul3A_3 = arith.muli %add3A, %mul3A_2 : i32
    %dma_start3A = arith.constant 0 : i32
    %dma_start3A_4 = arith.constant 0 : i32
    %dma_start3A_5 = tpu.memref_slice %arg5[%dma_start3A, %dma_start3A_4] : memref<2x10496xi32, #tpu.memory_space<vmem>> -> memref<2x9984xi32, #tpu.memory_space<vmem>>
    %dma_start3A_6 = arith.constant 0 : i32
    %dma_start3A_7 = tpu.memref_slice %arg3[%dma_start3A_6, %mul3A_3] : memref<2x320000xi32, #tpu.memory_space<hbm>> -> memref<2x9984xi32, #tpu.memory_space<hbm>>
    %dma_start3A_8 = arith.constant 0 : i32
    %dma_start3A_9 = arith.constant 0 : i32
    %dma_start3A_10 = tpu.memref_slice %arg5[%dma_start3A_8, %dma_start3A_9] : memref<2x10496xi32, #tpu.memory_space<vmem>> -> memref<2x9984xi32, #tpu.memory_space<vmem>>
    %dma_start3A_11 = arith.constant 0 : i32
    %dma_start3A_12 = tpu.memref_slice %arg3[%dma_start3A_11, %mul3A_3] : memref<2x320000xi32, #tpu.memory_space<hbm>> -> memref<2x9984xi32, #tpu.memory_space<hbm>>
    tpu.enqueue_dma source(%dma_start3A_12 : memref<2x9984xi32, #tpu.memory_space<hbm>>) target(%dma_start3A_10 : memref<2x9984xi32, #tpu.memory_space<vmem>>) target_semaphore(%arg8 : memref<!tpu.dma_semaphore, #tpu.memory_space<semaphore_mem>>)
    %dma_start3A_13 = arith.constant 0 : i32
    %dma_start3A_14 = arith.constant 9984 : i32
    %dma_start3A_15 = tpu.memref_slice %arg5[%dma_start3A_13, %dma_start3A_14] : memref<2x10496xi32, #tpu.memory_space<vmem>> -> memref<2x512xi32, #tpu.memory_space<vmem>>
    %dma_start3A_16 = arith.constant 0 : i32
    %dma_start3A_17 = arith.constant 319488 : i32
    %dma_start3A_18 = tpu.memref_slice %arg3[%dma_start3A_16, %dma_start3A_17] : memref<2x320000xi32, #tpu.memory_space<hbm>> -> memref<2x512xi32, #tpu.memory_space<hbm>>
    %dma_start3A_19 = arith.constant 0 : i32
    %dma_start3A_20 = arith.constant 9984 : i32
    %dma_start3A_21 = tpu.memref_slice %arg5[%dma_start3A_19, %dma_start3A_20] : memref<2x10496xi32, #tpu.memory_space<vmem>> -> memref<2x512xi32, #tpu.memory_space<vmem>>
    %dma_start3A_22 = arith.constant 0 : i32
    %dma_start3A_23 = arith.constant 319488 : i32
    %dma_start3A_24 = tpu.memref_slice %arg3[%dma_start3A_22, %dma_start3A_23] : memref<2x320000xi32, #tpu.memory_space<hbm>> -> memref<2x512xi32, #tpu.memory_space<hbm>>
    tpu.enqueue_dma source(%dma_start3A_24 : memref<2x512xi32, #tpu.memory_space<hbm>>) target(%dma_start3A_21 : memref<2x512xi32, #tpu.memory_space<vmem>>) target_semaphore(%arg8 : memref<!tpu.dma_semaphore, #tpu.memory_space<semaphore_mem>>)
    tpu.enqueue_dma source(%arg2 : memref<4x10240xf32, #tpu.memory_space<hbm>>) target(%arg6 : memref<4x10240xf32, #tpu.memory_space<vmem>>) target_semaphore(%arg8 : memref<!tpu.dma_semaphore, #tpu.memory_space<semaphore_mem>>)
    %broadcast_in_dim3A = arith.constant 0.000000e+00 : f32
    %broadcast_in_dim3A_25 = vector.broadcast %broadcast_in_dim3A : f32 to vector<16xf32>
    %parallel_loop3A = arith.constant 0 : i32
    %parallel_loop3A_26 = arith.constant 640 : i32
    %parallel_loop3A_27 = arith.constant 1 : i32
    scf.for %parallel_loop3A_53 = %parallel_loop3A to %parallel_loop3A_26 step %parallel_loop3A_27  : i32 {
      %parallel_loop3A_54 = arith.constant 16 : i32
      %parallel_loop3A_55 = arith.muli %parallel_loop3A_53, %parallel_loop3A_54 : i32
      %parallel_loop3A_56 = arith.constant 0 : i32
      %parallel_loop3A_57 = arith.index_cast %parallel_loop3A_56 : i32 to index
      %parallel_loop3A_58 = arith.index_cast %parallel_loop3A_55 : i32 to index
      %parallel_loop3A_59 = tpu.vector_load %arg7[%parallel_loop3A_57, %parallel_loop3A_58] {strides = array<i32>} : memref<4x10240xf32, #tpu.memory_space<vmem>>, vector<16xf32>,
      tpu.vector_store %arg7[%parallel_loop3A_57, %parallel_loop3A_58], %broadcast_in_dim3A_25 {strides = array<i32>} : memref<4x10240xf32, #tpu.memory_space<vmem>>, vector<16xf32>,
      %parallel_loop3A_60 = arith.constant 16 : i32
      %parallel_loop3A_61 = arith.muli %parallel_loop3A_53, %parallel_loop3A_60 : i32
      %parallel_loop3A_62 = arith.constant 1 : i32
      %parallel_loop3A_63 = arith.index_cast %parallel_loop3A_62 : i32 to index
      %parallel_loop3A_64 = arith.index_cast %parallel_loop3A_61 : i32 to index
      %parallel_loop3A_65 = tpu.vector_load %arg7[%parallel_loop3A_63, %parallel_loop3A_64] {strides = array<i32>} : memref<4x10240xf32, #tpu.memory_space<vmem>>, vector<16xf32>,
      tpu.vector_store %arg7[%parallel_loop3A_63, %parallel_loop3A_64], %broadcast_in_dim3A_25 {strides = array<i32>} : memref<4x10240xf32, #tpu.memory_space<vmem>>, vector<16xf32>,
      %parallel_loop3A_66 = arith.constant 16 : i32
      %parallel_loop3A_67 = arith.muli %parallel_loop3A_53, %parallel_loop3A_66 : i32
      %parallel_loop3A_68 = arith.constant 2 : i32
      %parallel_loop3A_69 = arith.index_cast %parallel_loop3A_68 : i32 to index
      %parallel_loop3A_70 = arith.index_cast %parallel_loop3A_67 : i32 to index
      %parallel_loop3A_71 = tpu.vector_load %arg7[%parallel_loop3A_69, %parallel_loop3A_70] {strides = array<i32>} : memref<4x10240xf32, #tpu.memory_space<vmem>>, vector<16xf32>,
      tpu.vector_store %arg7[%parallel_loop3A_69, %parallel_loop3A_70], %broadcast_in_dim3A_25 {strides = array<i32>} : memref<4x10240xf32, #tpu.memory_space<vmem>>, vector<16xf32>,
      %parallel_loop3A_72 = arith.constant 16 : i32
      %parallel_loop3A_73 = arith.muli %parallel_loop3A_53, %parallel_loop3A_72 : i32
      %parallel_loop3A_74 = arith.constant 3 : i32
      %parallel_loop3A_75 = arith.index_cast %parallel_loop3A_74 : i32 to index
      %parallel_loop3A_76 = arith.index_cast %parallel_loop3A_73 : i32 to index
      %parallel_loop3A_77 = tpu.vector_load %arg7[%parallel_loop3A_75, %parallel_loop3A_76] {strides = array<i32>} : memref<4x10240xf32, #tpu.memory_space<vmem>>, vector<16xf32>,
      tpu.vector_store %arg7[%parallel_loop3A_75, %parallel_loop3A_76], %broadcast_in_dim3A_25 {strides = array<i32>} : memref<4x10240xf32, #tpu.memory_space<vmem>>, vector<16xf32>,
    } {sc.loop_unroll_factor = 8 : i64, sc.parallel_access}
    %dma_wait3A = arith.constant 0 : i32
    %dma_wait3A_28 = arith.constant 0 : i32
    %dma_wait3A_29 = tpu.memref_slice %arg5[%dma_wait3A, %dma_wait3A_28] : memref<2x10496xi32, #tpu.memory_space<vmem>> -> memref<2x9984xi32, #tpu.memory_space<vmem>>
    %dma_wait3A_30 = arith.constant 0 : i32
    %dma_wait3A_31 = tpu.memref_slice %arg3[%dma_wait3A_30, %mul3A_3] : memref<2x320000xi32, #tpu.memory_space<hbm>> -> memref<2x9984xi32, #tpu.memory_space<hbm>>
    %dma_wait3A_32 = arith.constant 0 : i32
    %dma_wait3A_33 = arith.constant 0 : i32
    %dma_wait3A_34 = tpu.memref_slice %arg5[%dma_wait3A_32, %dma_wait3A_33] : memref<2x10496xi32, #tpu.memory_space<vmem>> -> memref<2x9984xi32, #tpu.memory_space<vmem>>
    %dma_wait3A_35 = arith.constant 0 : i32
    %dma_wait3A_36 = tpu.memref_slice %arg3[%dma_wait3A_35, %mul3A_3] : memref<2x320000xi32, #tpu.memory_space<hbm>> -> memref<2x9984xi32, #tpu.memory_space<hbm>>
    tpu.wait_dma2 semaphore(%arg8 : memref<!tpu.dma_semaphore, #tpu.memory_space<semaphore_mem>>) src(%dma_wait3A_36 : memref<2x9984xi32, #tpu.memory_space<hbm>>) dst(%dma_wait3A_34 : memref<2x9984xi32, #tpu.memory_space<vmem>>)
    %dma_wait3A_37 = arith.constant 0 : i32
    %dma_wait3A_38 = arith.constant 9984 : i32
    %dma_wait3A_39 = tpu.memref_slice %arg5[%dma_wait3A_37, %dma_wait3A_38] : memref<2x10496xi32, #tpu.memory_space<vmem>> -> memref<2x512xi32, #tpu.memory_space<vmem>>
    %dma_wait3A_40 = arith.constant 0 : i32
    %dma_wait3A_41 = arith.constant 319488 : i32
    %dma_wait3A_42 = tpu.memref_slice %arg3[%dma_wait3A_40, %dma_wait3A_41] : memref<2x320000xi32, #tpu.memory_space<hbm>> -> memref<2x512xi32, #tpu.memory_space<hbm>>
    %dma_wait3A_43 = arith.constant 0 : i32
    %dma_wait3A_44 = arith.constant 9984 : i32
    %dma_wait3A_45 = tpu.memref_slice %arg5[%dma_wait3A_43, %dma_wait3A_44] : memref<2x10496xi32, #tpu.memory_space<vmem>> -> memref<2x512xi32, #tpu.memory_space<vmem>>
    %dma_wait3A_46 = arith.constant 0 : i32
    %dma_wait3A_47 = arith.constant 319488 : i32
    %dma_wait3A_48 = tpu.memref_slice %arg3[%dma_wait3A_46, %dma_wait3A_47] : memref<2x320000xi32, #tpu.memory_space<hbm>> -> memref<2x512xi32, #tpu.memory_space<hbm>>
    tpu.wait_dma2 semaphore(%arg8 : memref<!tpu.dma_semaphore, #tpu.memory_space<semaphore_mem>>) src(%dma_wait3A_48 : memref<2x512xi32, #tpu.memory_space<hbm>>) dst(%dma_wait3A_45 : memref<2x512xi32, #tpu.memory_space<vmem>>)
    tpu.wait_dma2 semaphore(%arg8 : memref<!tpu.dma_semaphore, #tpu.memory_space<semaphore_mem>>) src(%arg2 : memref<4x10240xf32, #tpu.memory_space<hbm>>) dst(%arg6 : memref<4x10240xf32, #tpu.memory_space<vmem>>)
    %parallel_loop3A_49 = arith.constant 0 : i32
    %parallel_loop3A_50 = arith.constant 624 : i32
    %parallel_loop3A_51 = arith.constant 1 : i32
    scf.for %parallel_loop3A_53 = %parallel_loop3A_49 to %parallel_loop3A_50 step %parallel_loop3A_51  : i32 {
      %parallel_loop3A_54 = arith.constant 16 : i32
      %parallel_loop3A_55 = arith.muli %parallel_loop3A_53, %parallel_loop3A_54 : i32
      %parallel_loop3A_56 = arith.constant 0 : i32
      %parallel_loop3A_57 = arith.index_cast %parallel_loop3A_56 : i32 to index
      %parallel_loop3A_58 = arith.index_cast %parallel_loop3A_55 : i32 to index
      %parallel_loop3A_59 = tpu.vector_load %arg5[%parallel_loop3A_57, %parallel_loop3A_58] {strides = array<i32>} : memref<2x10496xi32, #tpu.memory_space<vmem>>, vector<16xi32>,
      %parallel_loop3A_60 = arith.constant 16 : i32
      %parallel_loop3A_61 = arith.muli %parallel_loop3A_53, %parallel_loop3A_60 : i32
      %parallel_loop3A_62 = arith.constant 1 : i32
      %parallel_loop3A_63 = arith.index_cast %parallel_loop3A_62 : i32 to index
      %parallel_loop3A_64 = arith.index_cast %parallel_loop3A_61 : i32 to index
      %parallel_loop3A_65 = tpu.vector_load %arg5[%parallel_loop3A_63, %parallel_loop3A_64] {strides = array<i32>} : memref<2x10496xi32, #tpu.memory_space<vmem>>, vector<16xi32>,
      %parallel_loop3A_66 = arith.constant 0 : i32
      %parallel_loop3A_67 = vector.broadcast %parallel_loop3A_66 : i32 to vector<16xi32>
      %parallel_loop3A_68 = tpu.vector_load_idx %arg6[%parallel_loop3A_67, %parallel_loop3A_59] : memref<4x10240xf32, #tpu.memory_space<vmem>>[vector<16xi32>, vector<16xi32>], vector<16xf32>,
      tpu.vector_store_idx %arg7[%parallel_loop3A_67, %parallel_loop3A_65], %parallel_loop3A_68 {add = true} : memref<4x10240xf32, #tpu.memory_space<vmem>>[vector<16xi32>, vector<16xi32>], vector<16xf32>,
      %parallel_loop3A_69 = arith.constant 1 : i32
      %parallel_loop3A_70 = vector.broadcast %parallel_loop3A_69 : i32 to vector<16xi32>
      %parallel_loop3A_71 = tpu.vector_load_idx %arg6[%parallel_loop3A_70, %parallel_loop3A_59] : memref<4x10240xf32, #tpu.memory_space<vmem>>[vector<16xi32>, vector<16xi32>], vector<16xf32>,
      tpu.vector_store_idx %arg7[%parallel_loop3A_70, %parallel_loop3A_65], %parallel_loop3A_71 {add = true} : memref<4x10240xf32, #tpu.memory_space<vmem>>[vector<16xi32>, vector<16xi32>], vector<16xf32>,
      %parallel_loop3A_72 = arith.constant 2 : i32
      %parallel_loop3A_73 = vector.broadcast %parallel_loop3A_72 : i32 to vector<16xi32>
      %parallel_loop3A_74 = tpu.vector_load_idx %arg6[%parallel_loop3A_73, %parallel_loop3A_59] : memref<4x10240xf32, #tpu.memory_space<vmem>>[vector<16xi32>, vector<16xi32>], vector<16xf32>,
      tpu.vector_store_idx %arg7[%parallel_loop3A_73, %parallel_loop3A_65], %parallel_loop3A_74 {add = true} : memref<4x10240xf32, #tpu.memory_space<vmem>>[vector<16xi32>, vector<16xi32>], vector<16xf32>,
      %parallel_loop3A_75 = arith.constant 3 : i32
      %parallel_loop3A_76 = vector.broadcast %parallel_loop3A_75 : i32 to vector<16xi32>
      %parallel_loop3A_77 = tpu.vector_load_idx %arg6[%parallel_loop3A_76, %parallel_loop3A_59] : memref<4x10240xf32, #tpu.memory_space<vmem>>[vector<16xi32>, vector<16xi32>], vector<16xf32>,
      tpu.vector_store_idx %arg7[%parallel_loop3A_76, %parallel_loop3A_65], %parallel_loop3A_77 {add = true} : memref<4x10240xf32, #tpu.memory_space<vmem>>[vector<16xi32>, vector<16xi32>], vector<16xf32>,
    } {sc.loop_unroll_factor = 16 : i64, sc.parallel_access}
    %convert_element_type3A = arith.extui %eq3A_1 : i1 to i32
    %cond3A = arith.constant 0 : i32
    %cond3A_52 = arith.cmpi ne, %convert_element_type3A, %cond3A : i32
    scf.if %cond3A_52 {
      %parallel_loop3A_53 = arith.constant 624 : i32
      %parallel_loop3A_54 = arith.constant 656 : i32
      %parallel_loop3A_55 = arith.constant 1 : i32
      scf.for %parallel_loop3A_56 = %parallel_loop3A_53 to %parallel_loop3A_54 step %parallel_loop3A_55  : i32 {
        %parallel_loop3A_57 = arith.constant 16 : i32
        %parallel_loop3A_58 = arith.muli %parallel_loop3A_56, %parallel_loop3A_57 : i32
        %parallel_loop3A_59 = arith.constant 0 : i32
        %parallel_loop3A_60 = arith.index_cast %parallel_loop3A_59 : i32 to index
        %parallel_loop3A_61 = arith.index_cast %parallel_loop3A_58 : i32 to index
        %parallel_loop3A_62 = tpu.vector_load %arg5[%parallel_loop3A_60, %parallel_loop3A_61] {strides = array<i32>} : memref<2x10496xi32, #tpu.memory_space<vmem>>, vector<16xi32>,
        %parallel_loop3A_63 = arith.constant 16 : i32
        %parallel_loop3A_64 = arith.muli %parallel_loop3A_56, %parallel_loop3A_63 : i32
        %parallel_loop3A_65 = arith.constant 1 : i32
        %parallel_loop3A_66 = arith.index_cast %parallel_loop3A_65 : i32 to index
        %parallel_loop3A_67 = arith.index_cast %parallel_loop3A_64 : i32 to index
        %parallel_loop3A_68 = tpu.vector_load %arg5[%parallel_loop3A_66, %parallel_loop3A_67] {strides = array<i32>} : memref<2x10496xi32, #tpu.memory_space<vmem>>, vector<16xi32>,
        %parallel_loop3A_69 = arith.constant 0 : i32
        %parallel_loop3A_70 = vector.broadcast %parallel_loop3A_69 : i32 to vector<16xi32>
        %parallel_loop3A_71 = tpu.vector_load_idx %arg6[%parallel_loop3A_70, %parallel_loop3A_62] : memref<4x10240xf32, #tpu.memory_space<vmem>>[vector<16xi32>, vector<16xi32>], vector<16xf32>,
        tpu.vector_store_idx %arg7[%parallel_loop3A_70, %parallel_loop3A_68], %parallel_loop3A_71 {add = true} : memref<4x10240xf32, #tpu.memory_space<vmem>>[vector<16xi32>, vector<16xi32>], vector<16xf32>,
        %parallel_loop3A_72 = arith.constant 1 : i32
        %parallel_loop3A_73 = vector.broadcast %parallel_loop3A_72 : i32 to vector<16xi32>
        %parallel_loop3A_74 = tpu.vector_load_idx %arg6[%parallel_loop3A_73, %parallel_loop3A_62] : memref<4x10240xf32, #tpu.memory_space<vmem>>[vector<16xi32>, vector<16xi32>], vector<16xf32>,
        tpu.vector_store_idx %arg7[%parallel_loop3A_73, %parallel_loop3A_68], %parallel_loop3A_74 {add = true} : memref<4x10240xf32, #tpu.memory_space<vmem>>[vector<16xi32>, vector<16xi32>], vector<16xf32>,
        %parallel_loop3A_75 = arith.constant 2 : i32
        %parallel_loop3A_76 = vector.broadcast %parallel_loop3A_75 : i32 to vector<16xi32>
        %parallel_loop3A_77 = tpu.vector_load_idx %arg6[%parallel_loop3A_76, %parallel_loop3A_62] : memref<4x10240xf32, #tpu.memory_space<vmem>>[vector<16xi32>, vector<16xi32>], vector<16xf32>,
        tpu.vector_store_idx %arg7[%parallel_loop3A_76, %parallel_loop3A_68], %parallel_loop3A_77 {add = true} : memref<4x10240xf32, #tpu.memory_space<vmem>>[vector<16xi32>, vector<16xi32>], vector<16xf32>,
        %parallel_loop3A_78 = arith.constant 3 : i32
        %parallel_loop3A_79 = vector.broadcast %parallel_loop3A_78 : i32 to vector<16xi32>
        %parallel_loop3A_80 = tpu.vector_load_idx %arg6[%parallel_loop3A_79, %parallel_loop3A_62] : memref<4x10240xf32, #tpu.memory_space<vmem>>[vector<16xi32>, vector<16xi32>], vector<16xf32>,
        tpu.vector_store_idx %arg7[%parallel_loop3A_79, %parallel_loop3A_68], %parallel_loop3A_80 {add = true} : memref<4x10240xf32, #tpu.memory_space<vmem>>[vector<16xi32>, vector<16xi32>], vector<16xf32>,
      } {sc.loop_unroll_factor = 16 : i64, sc.parallel_access}
    } else {
    }
    "tpu.region"() ({
      %run_scoped3A = tpu.sem_alloc : memref<!tpu.dma_semaphore, #tpu.memory_space<semaphore_mem>>
      %dma_start3A_53 = arith.constant 0 : i32
      %dma_start3A_54 = arith.constant 0 : i32
      %dma_start3A_55 = tpu.memref_slice %arg4[%add3A, %dma_start3A_53, %dma_start3A_54] : memref<32x4x10240xf32, #tpu.memory_space<hbm>> -> memref<1x4x10240xf32, #tpu.memory_space<hbm>>
      %dma_start3A_56 = tpu.memref_squeeze %dma_start3A_55 : memref<1x4x10240xf32, #tpu.memory_space<hbm>> -> memref<4x10240xf32, #tpu.memory_space<hbm>>
      %dma_start3A_57 = arith.constant 0 : i32
      %dma_start3A_58 = arith.constant 0 : i32
      %dma_start3A_59 = tpu.memref_slice %arg4[%add3A, %dma_start3A_57, %dma_start3A_58] : memref<32x4x10240xf32, #tpu.memory_space<hbm>> -> memref<1x4x10240xf32, #tpu.memory_space<hbm>>
      %dma_start3A_60 = tpu.memref_squeeze %dma_start3A_59 : memref<1x4x10240xf32, #tpu.memory_space<hbm>> -> memref<4x10240xf32, #tpu.memory_space<hbm>>
      tpu.enqueue_dma source(%arg7 : memref<4x10240xf32, #tpu.memory_space<vmem>>) target(%dma_start3A_60 : memref<4x10240xf32, #tpu.memory_space<hbm>>) target_semaphore(%run_scoped3A : memref<!tpu.dma_semaphore, #tpu.memory_space<semaphore_mem>>)
      %dma_wait3A_61 = arith.constant 0 : i32
      %dma_wait3A_62 = arith.constant 0 : i32
      %dma_wait3A_63 = tpu.memref_slice %arg4[%add3A, %dma_wait3A_61, %dma_wait3A_62] : memref<32x4x10240xf32, #tpu.memory_space<hbm>> -> memref<1x4x10240xf32, #tpu.memory_space<hbm>>
      %dma_wait3A_64 = tpu.memref_squeeze %dma_wait3A_63 : memref<1x4x10240xf32, #tpu.memory_space<hbm>> -> memref<4x10240xf32, #tpu.memory_space<hbm>>
      %dma_wait3A_65 = arith.constant 0 : i32
      %dma_wait3A_66 = arith.constant 0 : i32
      %dma_wait3A_67 = tpu.memref_slice %arg4[%add3A, %dma_wait3A_65, %dma_wait3A_66] : memref<32x4x10240xf32, #tpu.memory_space<hbm>> -> memref<1x4x10240xf32, #tpu.memory_space<hbm>>
      %dma_wait3A_68 = tpu.memref_squeeze %dma_wait3A_67 : memref<1x4x10240xf32, #tpu.memory_space<hbm>> -> memref<4x10240xf32, #tpu.memory_space<hbm>>
      tpu.wait_dma2 semaphore(%run_scoped3A : memref<!tpu.dma_semaphore, #tpu.memory_space<semaphore_mem>>) src(%arg7 : memref<4x10240xf32, #tpu.memory_space<vmem>>) dst(%dma_wait3A_68 : memref<4x10240xf32, #tpu.memory_space<hbm>>)
      tpu.yield
    }) : () -> ()
    return
  }
}

module attributes {stable_mosaic.version = 14 : i64} {
  func.func @body(%arg0: memref<32x2x10240xf32, #tpu.memory_space<vmem>>, %arg1: memref<2x10240xf32, #tpu.memory_space<vmem>>, %arg2: memref<1x10240xf32, #tpu.memory_space<vmem>>, %arg3: memref<2x1xf32, #tpu.memory_space<vmem>>, %arg4: memref<2x1xf32, #tpu.memory_space<vmem>>, %arg5: memref<1x10240xf32, #tpu.memory_space<vmem>>) attributes {dimension_semantics = [], scalar_prefetch = 0 : i64, scratch_operands = 0 : i64, tpu.core_type = #tpu.core_type<tc>} {
    %get3A = arith.constant 0 : index
    %get3A_0 = arith.constant 0 : index
    %get3A_1 = vector.load %arg1[%get3A, %get3A_0] : memref<2x10240xf32, #tpu.memory_space<vmem>>, vector<2x10240xf32>
    %get3A_2 = arith.constant 0 : index
    %get3A_3 = arith.constant 0 : index
    %get3A_4 = arith.constant 0 : index
    %get3A_5 = vector.load %arg0[%get3A_2, %get3A_3, %get3A_4] : memref<32x2x10240xf32, #tpu.memory_space<vmem>>, vector<1x2x10240xf32>
    %get3A_6 = vector.shape_cast %get3A_5 : vector<1x2x10240xf32> to vector<2x10240xf32>
    %add3A = arith.addf %get3A_1, %get3A_6 : vector<2x10240xf32>
    %get3A_7 = arith.constant 1 : index
    %get3A_8 = arith.constant 0 : index
    %get3A_9 = arith.constant 0 : index
    %get3A_10 = vector.load %arg0[%get3A_7, %get3A_8, %get3A_9] : memref<32x2x10240xf32, #tpu.memory_space<vmem>>, vector<1x2x10240xf32>
    %get3A_11 = vector.shape_cast %get3A_10 : vector<1x2x10240xf32> to vector<2x10240xf32>
    %add3A_12 = arith.addf %add3A, %get3A_11 : vector<2x10240xf32>
    %get3A_13 = arith.constant 2 : index
    %get3A_14 = arith.constant 0 : index
    %get3A_15 = arith.constant 0 : index
    %get3A_16 = vector.load %arg0[%get3A_13, %get3A_14, %get3A_15] : memref<32x2x10240xf32, #tpu.memory_space<vmem>>, vector<1x2x10240xf32>
    %get3A_17 = vector.shape_cast %get3A_16 : vector<1x2x10240xf32> to vector<2x10240xf32>
    %add3A_18 = arith.addf %add3A_12, %get3A_17 : vector<2x10240xf32>
    %get3A_19 = arith.constant 3 : index
    %get3A_20 = arith.constant 0 : index
    %get3A_21 = arith.constant 0 : index
    %get3A_22 = vector.load %arg0[%get3A_19, %get3A_20, %get3A_21] : memref<32x2x10240xf32, #tpu.memory_space<vmem>>, vector<1x2x10240xf32>
    %get3A_23 = vector.shape_cast %get3A_22 : vector<1x2x10240xf32> to vector<2x10240xf32>
    %add3A_24 = arith.addf %add3A_18, %get3A_23 : vector<2x10240xf32>
    %get3A_25 = arith.constant 4 : index
    %get3A_26 = arith.constant 0 : index
    %get3A_27 = arith.constant 0 : index
    %get3A_28 = vector.load %arg0[%get3A_25, %get3A_26, %get3A_27] : memref<32x2x10240xf32, #tpu.memory_space<vmem>>, vector<1x2x10240xf32>
    %get3A_29 = vector.shape_cast %get3A_28 : vector<1x2x10240xf32> to vector<2x10240xf32>
    %add3A_30 = arith.addf %add3A_24, %get3A_29 : vector<2x10240xf32>
    %get3A_31 = arith.constant 5 : index
    %get3A_32 = arith.constant 0 : index
    %get3A_33 = arith.constant 0 : index
    %get3A_34 = vector.load %arg0[%get3A_31, %get3A_32, %get3A_33] : memref<32x2x10240xf32, #tpu.memory_space<vmem>>, vector<1x2x10240xf32>
    %get3A_35 = vector.shape_cast %get3A_34 : vector<1x2x10240xf32> to vector<2x10240xf32>
    %add3A_36 = arith.addf %add3A_30, %get3A_35 : vector<2x10240xf32>
    %get3A_37 = arith.constant 6 : index
    %get3A_38 = arith.constant 0 : index
    %get3A_39 = arith.constant 0 : index
    %get3A_40 = vector.load %arg0[%get3A_37, %get3A_38, %get3A_39] : memref<32x2x10240xf32, #tpu.memory_space<vmem>>, vector<1x2x10240xf32>
    %get3A_41 = vector.shape_cast %get3A_40 : vector<1x2x10240xf32> to vector<2x10240xf32>
    %add3A_42 = arith.addf %add3A_36, %get3A_41 : vector<2x10240xf32>
    %get3A_43 = arith.constant 7 : index
    %get3A_44 = arith.constant 0 : index
    %get3A_45 = arith.constant 0 : index
    %get3A_46 = vector.load %arg0[%get3A_43, %get3A_44, %get3A_45] : memref<32x2x10240xf32, #tpu.memory_space<vmem>>, vector<1x2x10240xf32>
    %get3A_47 = vector.shape_cast %get3A_46 : vector<1x2x10240xf32> to vector<2x10240xf32>
    %add3A_48 = arith.addf %add3A_42, %get3A_47 : vector<2x10240xf32>
    %get3A_49 = arith.constant 8 : index
    %get3A_50 = arith.constant 0 : index
    %get3A_51 = arith.constant 0 : index
    %get3A_52 = vector.load %arg0[%get3A_49, %get3A_50, %get3A_51] : memref<32x2x10240xf32, #tpu.memory_space<vmem>>, vector<1x2x10240xf32>
    %get3A_53 = vector.shape_cast %get3A_52 : vector<1x2x10240xf32> to vector<2x10240xf32>
    %add3A_54 = arith.addf %add3A_48, %get3A_53 : vector<2x10240xf32>
    %get3A_55 = arith.constant 9 : index
    %get3A_56 = arith.constant 0 : index
    %get3A_57 = arith.constant 0 : index
    %get3A_58 = vector.load %arg0[%get3A_55, %get3A_56, %get3A_57] : memref<32x2x10240xf32, #tpu.memory_space<vmem>>, vector<1x2x10240xf32>
    %get3A_59 = vector.shape_cast %get3A_58 : vector<1x2x10240xf32> to vector<2x10240xf32>
    %add3A_60 = arith.addf %add3A_54, %get3A_59 : vector<2x10240xf32>
    %get3A_61 = arith.constant 10 : index
    %get3A_62 = arith.constant 0 : index
    %get3A_63 = arith.constant 0 : index
    %get3A_64 = vector.load %arg0[%get3A_61, %get3A_62, %get3A_63] : memref<32x2x10240xf32, #tpu.memory_space<vmem>>, vector<1x2x10240xf32>
    %get3A_65 = vector.shape_cast %get3A_64 : vector<1x2x10240xf32> to vector<2x10240xf32>
    %add3A_66 = arith.addf %add3A_60, %get3A_65 : vector<2x10240xf32>
    %get3A_67 = arith.constant 11 : index
    %get3A_68 = arith.constant 0 : index
    %get3A_69 = arith.constant 0 : index
    %get3A_70 = vector.load %arg0[%get3A_67, %get3A_68, %get3A_69] : memref<32x2x10240xf32, #tpu.memory_space<vmem>>, vector<1x2x10240xf32>
    %get3A_71 = vector.shape_cast %get3A_70 : vector<1x2x10240xf32> to vector<2x10240xf32>
    %add3A_72 = arith.addf %add3A_66, %get3A_71 : vector<2x10240xf32>
    %get3A_73 = arith.constant 12 : index
    %get3A_74 = arith.constant 0 : index
    %get3A_75 = arith.constant 0 : index
    %get3A_76 = vector.load %arg0[%get3A_73, %get3A_74, %get3A_75] : memref<32x2x10240xf32, #tpu.memory_space<vmem>>, vector<1x2x10240xf32>
    %get3A_77 = vector.shape_cast %get3A_76 : vector<1x2x10240xf32> to vector<2x10240xf32>
    %add3A_78 = arith.addf %add3A_72, %get3A_77 : vector<2x10240xf32>
    %get3A_79 = arith.constant 13 : index
    %get3A_80 = arith.constant 0 : index
    %get3A_81 = arith.constant 0 : index
    %get3A_82 = vector.load %arg0[%get3A_79, %get3A_80, %get3A_81] : memref<32x2x10240xf32, #tpu.memory_space<vmem>>, vector<1x2x10240xf32>
    %get3A_83 = vector.shape_cast %get3A_82 : vector<1x2x10240xf32> to vector<2x10240xf32>
    %add3A_84 = arith.addf %add3A_78, %get3A_83 : vector<2x10240xf32>
    %get3A_85 = arith.constant 14 : index
    %get3A_86 = arith.constant 0 : index
    %get3A_87 = arith.constant 0 : index
    %get3A_88 = vector.load %arg0[%get3A_85, %get3A_86, %get3A_87] : memref<32x2x10240xf32, #tpu.memory_space<vmem>>, vector<1x2x10240xf32>
    %get3A_89 = vector.shape_cast %get3A_88 : vector<1x2x10240xf32> to vector<2x10240xf32>
    %add3A_90 = arith.addf %add3A_84, %get3A_89 : vector<2x10240xf32>
    %get3A_91 = arith.constant 15 : index
    %get3A_92 = arith.constant 0 : index
    %get3A_93 = arith.constant 0 : index
    %get3A_94 = vector.load %arg0[%get3A_91, %get3A_92, %get3A_93] : memref<32x2x10240xf32, #tpu.memory_space<vmem>>, vector<1x2x10240xf32>
    %get3A_95 = vector.shape_cast %get3A_94 : vector<1x2x10240xf32> to vector<2x10240xf32>
    %add3A_96 = arith.addf %add3A_90, %get3A_95 : vector<2x10240xf32>
    %get3A_97 = arith.constant 16 : index
    %get3A_98 = arith.constant 0 : index
    %get3A_99 = arith.constant 0 : index
    %get3A_100 = vector.load %arg0[%get3A_97, %get3A_98, %get3A_99] : memref<32x2x10240xf32, #tpu.memory_space<vmem>>, vector<1x2x10240xf32>
    %get3A_101 = vector.shape_cast %get3A_100 : vector<1x2x10240xf32> to vector<2x10240xf32>
    %add3A_102 = arith.addf %add3A_96, %get3A_101 : vector<2x10240xf32>
    %get3A_103 = arith.constant 17 : index
    %get3A_104 = arith.constant 0 : index
    %get3A_105 = arith.constant 0 : index
    %get3A_106 = vector.load %arg0[%get3A_103, %get3A_104, %get3A_105] : memref<32x2x10240xf32, #tpu.memory_space<vmem>>, vector<1x2x10240xf32>
    %get3A_107 = vector.shape_cast %get3A_106 : vector<1x2x10240xf32> to vector<2x10240xf32>
    %add3A_108 = arith.addf %add3A_102, %get3A_107 : vector<2x10240xf32>
    %get3A_109 = arith.constant 18 : index
    %get3A_110 = arith.constant 0 : index
    %get3A_111 = arith.constant 0 : index
    %get3A_112 = vector.load %arg0[%get3A_109, %get3A_110, %get3A_111] : memref<32x2x10240xf32, #tpu.memory_space<vmem>>, vector<1x2x10240xf32>
    %get3A_113 = vector.shape_cast %get3A_112 : vector<1x2x10240xf32> to vector<2x10240xf32>
    %add3A_114 = arith.addf %add3A_108, %get3A_113 : vector<2x10240xf32>
    %get3A_115 = arith.constant 19 : index
    %get3A_116 = arith.constant 0 : index
    %get3A_117 = arith.constant 0 : index
    %get3A_118 = vector.load %arg0[%get3A_115, %get3A_116, %get3A_117] : memref<32x2x10240xf32, #tpu.memory_space<vmem>>, vector<1x2x10240xf32>
    %get3A_119 = vector.shape_cast %get3A_118 : vector<1x2x10240xf32> to vector<2x10240xf32>
    %add3A_120 = arith.addf %add3A_114, %get3A_119 : vector<2x10240xf32>
    %get3A_121 = arith.constant 20 : index
    %get3A_122 = arith.constant 0 : index
    %get3A_123 = arith.constant 0 : index
    %get3A_124 = vector.load %arg0[%get3A_121, %get3A_122, %get3A_123] : memref<32x2x10240xf32, #tpu.memory_space<vmem>>, vector<1x2x10240xf32>
    %get3A_125 = vector.shape_cast %get3A_124 : vector<1x2x10240xf32> to vector<2x10240xf32>
    %add3A_126 = arith.addf %add3A_120, %get3A_125 : vector<2x10240xf32>
    %get3A_127 = arith.constant 21 : index
    %get3A_128 = arith.constant 0 : index
    %get3A_129 = arith.constant 0 : index
    %get3A_130 = vector.load %arg0[%get3A_127, %get3A_128, %get3A_129] : memref<32x2x10240xf32, #tpu.memory_space<vmem>>, vector<1x2x10240xf32>
    %get3A_131 = vector.shape_cast %get3A_130 : vector<1x2x10240xf32> to vector<2x10240xf32>
    %add3A_132 = arith.addf %add3A_126, %get3A_131 : vector<2x10240xf32>
    %get3A_133 = arith.constant 22 : index
    %get3A_134 = arith.constant 0 : index
    %get3A_135 = arith.constant 0 : index
    %get3A_136 = vector.load %arg0[%get3A_133, %get3A_134, %get3A_135] : memref<32x2x10240xf32, #tpu.memory_space<vmem>>, vector<1x2x10240xf32>
    %get3A_137 = vector.shape_cast %get3A_136 : vector<1x2x10240xf32> to vector<2x10240xf32>
    %add3A_138 = arith.addf %add3A_132, %get3A_137 : vector<2x10240xf32>
    %get3A_139 = arith.constant 23 : index
    %get3A_140 = arith.constant 0 : index
    %get3A_141 = arith.constant 0 : index
    %get3A_142 = vector.load %arg0[%get3A_139, %get3A_140, %get3A_141] : memref<32x2x10240xf32, #tpu.memory_space<vmem>>, vector<1x2x10240xf32>
    %get3A_143 = vector.shape_cast %get3A_142 : vector<1x2x10240xf32> to vector<2x10240xf32>
    %add3A_144 = arith.addf %add3A_138, %get3A_143 : vector<2x10240xf32>
    %get3A_145 = arith.constant 24 : index
    %get3A_146 = arith.constant 0 : index
    %get3A_147 = arith.constant 0 : index
    %get3A_148 = vector.load %arg0[%get3A_145, %get3A_146, %get3A_147] : memref<32x2x10240xf32, #tpu.memory_space<vmem>>, vector<1x2x10240xf32>
    %get3A_149 = vector.shape_cast %get3A_148 : vector<1x2x10240xf32> to vector<2x10240xf32>
    %add3A_150 = arith.addf %add3A_144, %get3A_149 : vector<2x10240xf32>
    %get3A_151 = arith.constant 25 : index
    %get3A_152 = arith.constant 0 : index
    %get3A_153 = arith.constant 0 : index
    %get3A_154 = vector.load %arg0[%get3A_151, %get3A_152, %get3A_153] : memref<32x2x10240xf32, #tpu.memory_space<vmem>>, vector<1x2x10240xf32>
    %get3A_155 = vector.shape_cast %get3A_154 : vector<1x2x10240xf32> to vector<2x10240xf32>
    %add3A_156 = arith.addf %add3A_150, %get3A_155 : vector<2x10240xf32>
    %get3A_157 = arith.constant 26 : index
    %get3A_158 = arith.constant 0 : index
    %get3A_159 = arith.constant 0 : index
    %get3A_160 = vector.load %arg0[%get3A_157, %get3A_158, %get3A_159] : memref<32x2x10240xf32, #tpu.memory_space<vmem>>, vector<1x2x10240xf32>
    %get3A_161 = vector.shape_cast %get3A_160 : vector<1x2x10240xf32> to vector<2x10240xf32>
    %add3A_162 = arith.addf %add3A_156, %get3A_161 : vector<2x10240xf32>
    %get3A_163 = arith.constant 27 : index
    %get3A_164 = arith.constant 0 : index
    %get3A_165 = arith.constant 0 : index
    %get3A_166 = vector.load %arg0[%get3A_163, %get3A_164, %get3A_165] : memref<32x2x10240xf32, #tpu.memory_space<vmem>>, vector<1x2x10240xf32>
    %get3A_167 = vector.shape_cast %get3A_166 : vector<1x2x10240xf32> to vector<2x10240xf32>
    %add3A_168 = arith.addf %add3A_162, %get3A_167 : vector<2x10240xf32>
    %get3A_169 = arith.constant 28 : index
    %get3A_170 = arith.constant 0 : index
    %get3A_171 = arith.constant 0 : index
    %get3A_172 = vector.load %arg0[%get3A_169, %get3A_170, %get3A_171] : memref<32x2x10240xf32, #tpu.memory_space<vmem>>, vector<1x2x10240xf32>
    %get3A_173 = vector.shape_cast %get3A_172 : vector<1x2x10240xf32> to vector<2x10240xf32>
    %add3A_174 = arith.addf %add3A_168, %get3A_173 : vector<2x10240xf32>
    %get3A_175 = arith.constant 29 : index
    %get3A_176 = arith.constant 0 : index
    %get3A_177 = arith.constant 0 : index
    %get3A_178 = vector.load %arg0[%get3A_175, %get3A_176, %get3A_177] : memref<32x2x10240xf32, #tpu.memory_space<vmem>>, vector<1x2x10240xf32>
    %get3A_179 = vector.shape_cast %get3A_178 : vector<1x2x10240xf32> to vector<2x10240xf32>
    %add3A_180 = arith.addf %add3A_174, %get3A_179 : vector<2x10240xf32>
    %get3A_181 = arith.constant 30 : index
    %get3A_182 = arith.constant 0 : index
    %get3A_183 = arith.constant 0 : index
    %get3A_184 = vector.load %arg0[%get3A_181, %get3A_182, %get3A_183] : memref<32x2x10240xf32, #tpu.memory_space<vmem>>, vector<1x2x10240xf32>
    %get3A_185 = vector.shape_cast %get3A_184 : vector<1x2x10240xf32> to vector<2x10240xf32>
    %add3A_186 = arith.addf %add3A_180, %get3A_185 : vector<2x10240xf32>
    %get3A_187 = arith.constant 31 : index
    %get3A_188 = arith.constant 0 : index
    %get3A_189 = arith.constant 0 : index
    %get3A_190 = vector.load %arg0[%get3A_187, %get3A_188, %get3A_189] : memref<32x2x10240xf32, #tpu.memory_space<vmem>>, vector<1x2x10240xf32>
    %get3A_191 = vector.shape_cast %get3A_190 : vector<1x2x10240xf32> to vector<2x10240xf32>
    %add3A_192 = arith.addf %add3A_186, %get3A_191 : vector<2x10240xf32>
    %get3A_193 = arith.constant 0 : index
    %get3A_194 = arith.constant 0 : index
    %get3A_195 = vector.load %arg2[%get3A_193, %get3A_194] : memref<1x10240xf32, #tpu.memory_space<vmem>>, vector<1x10240xf32>
    %mul3A = vector.broadcast %get3A_195 : vector<1x10240xf32> to vector<2x10240xf32>
    %mul3A_196 = arith.mulf %mul3A, %add3A_192 : vector<2x10240xf32>
    %get3A_197 = arith.constant 0 : index
    %get3A_198 = arith.constant 0 : index
    %get3A_199 = vector.load %arg3[%get3A_197, %get3A_198] : memref<2x1xf32, #tpu.memory_space<vmem>>, vector<2x1xf32>
    %add3A_200 = vector.broadcast %get3A_199 : vector<2x1xf32> to vector<2x10240xf32>
    %add3A_201 = arith.addf %mul3A_196, %add3A_200 : vector<2x10240xf32>
    %max3A = arith.constant 0.000000e+00 : f32
    %max3A_202 = vector.broadcast %max3A : f32 to vector<2x10240xf32>
    %max3A_203 = arith.maximumf %add3A_201, %max3A_202 : vector<2x10240xf32>
    %get3A_204 = arith.constant 0 : index
    %get3A_205 = arith.constant 0 : index
    %get3A_206 = vector.load %arg4[%get3A_204, %get3A_205] : memref<2x1xf32, #tpu.memory_space<vmem>>, vector<2x1xf32>
    %dot_general3A = arith.constant dense<0.000000e+00> : vector<1x10240xf32>
    %dot_general3A_207 = tpu.matmul %get3A_206, %max3A_203, %dot_general3A {dimension_numbers = #tpu.dot_dimension_numbers<[0], [0], [1], [1], [0, 1, 1, 1], [], []>, precision = #tpu.contract_precision<fp32>, transpose_lhs_hint = false} : vector<2x1xf32>, vector<2x10240xf32>, vector<1x10240xf32> -> vector<1x10240xf32>
    %get3A_208 = arith.constant 0 : index
    %get3A_209 = arith.constant 0 : index
    %get3A_210 = vector.load %arg2[%get3A_208, %get3A_209] : memref<1x10240xf32, #tpu.memory_space<vmem>>, vector<1x10240xf32>
    %mul3A_211 = arith.mulf %dot_general3A_207, %get3A_210 : vector<1x10240xf32>
    %swap3A = arith.constant 0 : index
    %swap3A_212 = arith.constant 0 : index
    %swap3A_213 = vector.load %arg5[%swap3A, %swap3A_212] : memref<1x10240xf32, #tpu.memory_space<vmem>>, vector<1x10240xf32>
    tpu.vector_store %arg5[%swap3A, %swap3A_212], %mul3A_211 {strides = array<i32>} : memref<1x10240xf32, #tpu.memory_space<vmem>>, vector<1x10240xf32>,
    return
  }
}

module attributes {stable_mosaic.version = 14 : i64} {
  func.func @body(%arg0: memref<10000x128xf32, #tpu.memory_space<vmem>>, %arg1: memref<128x4xf32, #tpu.memory_space<vmem>>, %arg2: memref<4x10240xf32, #tpu.memory_space<vmem>>) attributes {dimension_semantics = [], scalar_prefetch = 0 : i64, scratch_operands = 0 : i64, tpu.core_type = #tpu.core_type<tc>} {
    %get3A = arith.constant 0 : index
    %get3A_0 = arith.constant 0 : index
    %get3A_1 = vector.load %arg1[%get3A, %get3A_0] : memref<128x4xf32, #tpu.memory_space<vmem>>, vector<128x4xf32>
    %get3A_2 = arith.constant 0 : index
    %get3A_3 = arith.constant 0 : index
    %get3A_4 = vector.load %arg0[%get3A_2, %get3A_3] : memref<10000x128xf32, #tpu.memory_space<vmem>>, vector<10000x128xf32>
    %dot_general3A = arith.constant dense<0.000000e+00> : vector<4x10000xf32>
    %dot_general3A_5 = tpu.matmul %get3A_1, %get3A_4, %dot_general3A {dimension_numbers = #tpu.dot_dimension_numbers<[0], [1], [1], [0], [0, 1, 1, 0], [], []>, precision = #tpu.contract_precision<fp32>, transpose_lhs_hint = false} : vector<128x4xf32>, vector<10000x128xf32>, vector<4x10000xf32> -> vector<4x10000xf32>
    %swap3A = arith.constant 0 : index
    %swap3A_6 = arith.constant 0 : index
    %swap3A_7 = vector.load %arg2[%swap3A, %swap3A_6] : memref<4x10240xf32, #tpu.memory_space<vmem>>, vector<4x10000xf32>
    tpu.vector_store %arg2[%swap3A, %swap3A_6], %dot_general3A_5 {strides = array<i32>} : memref<4x10240xf32, #tpu.memory_space<vmem>>, vector<4x10000xf32>,
    return
  }
}

module attributes {stable_mosaic.version = 14 : i64} {
  func.func @body(%arg0: memref<32x10240xf32, #tpu.memory_space<vmem>>, %arg1: memref<4x10240xf32, #tpu.memory_space<vmem>>, %arg2: memref<4x10240xf32, #tpu.memory_space<vmem>>, %arg3: memref<1x10240xf32, #tpu.memory_space<vmem>>) attributes {dimension_semantics = [], scalar_prefetch = 0 : i64, scratch_operands = 0 : i64, tpu.core_type = #tpu.core_type<tc>} {
    %get3A = arith.constant 0 : index
    %get3A_0 = arith.constant 0 : index
    %get3A_1 = vector.load %arg0[%get3A, %get3A_0] : memref<32x10240xf32, #tpu.memory_space<vmem>>, vector<32x10240xf32>
    %reduce_sum3A = arith.constant dense<0.000000e+00> : vector<10240xf32>
    %reduce_sum3A_2 = vector.multi_reduction <add>, %get3A_1, %reduce_sum3A [0] : vector<32x10240xf32> to vector<10240xf32>
    %broadcast_in_dim3A = vector.shape_cast %reduce_sum3A_2 : vector<10240xf32> to vector<1x10240xf32>
    %add3A = arith.constant 1.000000e+00 : f32
    %add3A_3 = vector.broadcast %add3A : f32 to vector<1x10240xf32>
    %add3A_4 = arith.addf %broadcast_in_dim3A, %add3A_3 : vector<1x10240xf32>
    %sqrt3A = math.sqrt %add3A_4 : vector<1x10240xf32>
    %div3A = arith.constant 1.000000e+00 : f32
    %div3A_5 = vector.broadcast %div3A : f32 to vector<1x10240xf32>
    %div3A_6 = arith.divf %div3A_5, %sqrt3A : vector<1x10240xf32>
    %get3A_7 = arith.constant 0 : index
    %get3A_8 = arith.constant 0 : index
    %get3A_9 = vector.load %arg1[%get3A_7, %get3A_8] : memref<4x10240xf32, #tpu.memory_space<vmem>>, vector<4x10240xf32>
    %mul3A = vector.broadcast %div3A_6 : vector<1x10240xf32> to vector<4x10240xf32>
    %mul3A_10 = arith.mulf %get3A_9, %mul3A : vector<4x10240xf32>
    %swap3A = arith.constant 0 : index
    %swap3A_11 = arith.constant 0 : index
    %swap3A_12 = vector.load %arg2[%swap3A, %swap3A_11] : memref<4x10240xf32, #tpu.memory_space<vmem>>, vector<4x10240xf32>
    tpu.vector_store %arg2[%swap3A, %swap3A_11], %mul3A_10 {strides = array<i32>} : memref<4x10240xf32, #tpu.memory_space<vmem>>, vector<4x10240xf32>,
    %swap3A_13 = arith.constant 0 : index
    %swap3A_14 = arith.constant 0 : index
    %swap3A_15 = vector.load %arg3[%swap3A_13, %swap3A_14] : memref<1x10240xf32, #tpu.memory_space<vmem>>, vector<1x10240xf32>
    tpu.vector_store %arg3[%swap3A_13, %swap3A_14], %div3A_6 {strides = array<i32>} : memref<1x10240xf32, #tpu.memory_space<vmem>>, vector<1x10240xf32>,
    return
  }
}

module attributes {stable_mosaic.version = 14 : i64} {
  func.func @body(%arg0: memref<32x4x10240xf32, #tpu.memory_space<vmem>>, %arg1: memref<4x10240xf32, #tpu.memory_space<vmem>>, %arg2: memref<1x10240xf32, #tpu.memory_space<vmem>>, %arg3: memref<4x1xf32, #tpu.memory_space<vmem>>, %arg4: memref<4x2xf32, #tpu.memory_space<vmem>>, %arg5: memref<2x10240xf32, #tpu.memory_space<vmem>>) attributes {dimension_semantics = [], scalar_prefetch = 0 : i64, scratch_operands = 0 : i64, tpu.core_type = #tpu.core_type<tc>} {
    %get3A = arith.constant 0 : index
    %get3A_0 = arith.constant 0 : index
    %get3A_1 = vector.load %arg1[%get3A, %get3A_0] : memref<4x10240xf32, #tpu.memory_space<vmem>>, vector<4x10240xf32>
    %get3A_2 = arith.constant 0 : index
    %get3A_3 = arith.constant 0 : index
    %get3A_4 = arith.constant 0 : index
    %get3A_5 = vector.load %arg0[%get3A_2, %get3A_3, %get3A_4] : memref<32x4x10240xf32, #tpu.memory_space<vmem>>, vector<1x4x10240xf32>
    %get3A_6 = vector.shape_cast %get3A_5 : vector<1x4x10240xf32> to vector<4x10240xf32>
    %add3A = arith.addf %get3A_1, %get3A_6 : vector<4x10240xf32>
    %get3A_7 = arith.constant 1 : index
    %get3A_8 = arith.constant 0 : index
    %get3A_9 = arith.constant 0 : index
    %get3A_10 = vector.load %arg0[%get3A_7, %get3A_8, %get3A_9] : memref<32x4x10240xf32, #tpu.memory_space<vmem>>, vector<1x4x10240xf32>
    %get3A_11 = vector.shape_cast %get3A_10 : vector<1x4x10240xf32> to vector<4x10240xf32>
    %add3A_12 = arith.addf %add3A, %get3A_11 : vector<4x10240xf32>
    %get3A_13 = arith.constant 2 : index
    %get3A_14 = arith.constant 0 : index
    %get3A_15 = arith.constant 0 : index
    %get3A_16 = vector.load %arg0[%get3A_13, %get3A_14, %get3A_15] : memref<32x4x10240xf32, #tpu.memory_space<vmem>>, vector<1x4x10240xf32>
    %get3A_17 = vector.shape_cast %get3A_16 : vector<1x4x10240xf32> to vector<4x10240xf32>
    %add3A_18 = arith.addf %add3A_12, %get3A_17 : vector<4x10240xf32>
    %get3A_19 = arith.constant 3 : index
    %get3A_20 = arith.constant 0 : index
    %get3A_21 = arith.constant 0 : index
    %get3A_22 = vector.load %arg0[%get3A_19, %get3A_20, %get3A_21] : memref<32x4x10240xf32, #tpu.memory_space<vmem>>, vector<1x4x10240xf32>
    %get3A_23 = vector.shape_cast %get3A_22 : vector<1x4x10240xf32> to vector<4x10240xf32>
    %add3A_24 = arith.addf %add3A_18, %get3A_23 : vector<4x10240xf32>
    %get3A_25 = arith.constant 4 : index
    %get3A_26 = arith.constant 0 : index
    %get3A_27 = arith.constant 0 : index
    %get3A_28 = vector.load %arg0[%get3A_25, %get3A_26, %get3A_27] : memref<32x4x10240xf32, #tpu.memory_space<vmem>>, vector<1x4x10240xf32>
    %get3A_29 = vector.shape_cast %get3A_28 : vector<1x4x10240xf32> to vector<4x10240xf32>
    %add3A_30 = arith.addf %add3A_24, %get3A_29 : vector<4x10240xf32>
    %get3A_31 = arith.constant 5 : index
    %get3A_32 = arith.constant 0 : index
    %get3A_33 = arith.constant 0 : index
    %get3A_34 = vector.load %arg0[%get3A_31, %get3A_32, %get3A_33] : memref<32x4x10240xf32, #tpu.memory_space<vmem>>, vector<1x4x10240xf32>
    %get3A_35 = vector.shape_cast %get3A_34 : vector<1x4x10240xf32> to vector<4x10240xf32>
    %add3A_36 = arith.addf %add3A_30, %get3A_35 : vector<4x10240xf32>
    %get3A_37 = arith.constant 6 : index
    %get3A_38 = arith.constant 0 : index
    %get3A_39 = arith.constant 0 : index
    %get3A_40 = vector.load %arg0[%get3A_37, %get3A_38, %get3A_39] : memref<32x4x10240xf32, #tpu.memory_space<vmem>>, vector<1x4x10240xf32>
    %get3A_41 = vector.shape_cast %get3A_40 : vector<1x4x10240xf32> to vector<4x10240xf32>
    %add3A_42 = arith.addf %add3A_36, %get3A_41 : vector<4x10240xf32>
    %get3A_43 = arith.constant 7 : index
    %get3A_44 = arith.constant 0 : index
    %get3A_45 = arith.constant 0 : index
    %get3A_46 = vector.load %arg0[%get3A_43, %get3A_44, %get3A_45] : memref<32x4x10240xf32, #tpu.memory_space<vmem>>, vector<1x4x10240xf32>
    %get3A_47 = vector.shape_cast %get3A_46 : vector<1x4x10240xf32> to vector<4x10240xf32>
    %add3A_48 = arith.addf %add3A_42, %get3A_47 : vector<4x10240xf32>
    %get3A_49 = arith.constant 8 : index
    %get3A_50 = arith.constant 0 : index
    %get3A_51 = arith.constant 0 : index
    %get3A_52 = vector.load %arg0[%get3A_49, %get3A_50, %get3A_51] : memref<32x4x10240xf32, #tpu.memory_space<vmem>>, vector<1x4x10240xf32>
    %get3A_53 = vector.shape_cast %get3A_52 : vector<1x4x10240xf32> to vector<4x10240xf32>
    %add3A_54 = arith.addf %add3A_48, %get3A_53 : vector<4x10240xf32>
    %get3A_55 = arith.constant 9 : index
    %get3A_56 = arith.constant 0 : index
    %get3A_57 = arith.constant 0 : index
    %get3A_58 = vector.load %arg0[%get3A_55, %get3A_56, %get3A_57] : memref<32x4x10240xf32, #tpu.memory_space<vmem>>, vector<1x4x10240xf32>
    %get3A_59 = vector.shape_cast %get3A_58 : vector<1x4x10240xf32> to vector<4x10240xf32>
    %add3A_60 = arith.addf %add3A_54, %get3A_59 : vector<4x10240xf32>
    %get3A_61 = arith.constant 10 : index
    %get3A_62 = arith.constant 0 : index
    %get3A_63 = arith.constant 0 : index
    %get3A_64 = vector.load %arg0[%get3A_61, %get3A_62, %get3A_63] : memref<32x4x10240xf32, #tpu.memory_space<vmem>>, vector<1x4x10240xf32>
    %get3A_65 = vector.shape_cast %get3A_64 : vector<1x4x10240xf32> to vector<4x10240xf32>
    %add3A_66 = arith.addf %add3A_60, %get3A_65 : vector<4x10240xf32>
    %get3A_67 = arith.constant 11 : index
    %get3A_68 = arith.constant 0 : index
    %get3A_69 = arith.constant 0 : index
    %get3A_70 = vector.load %arg0[%get3A_67, %get3A_68, %get3A_69] : memref<32x4x10240xf32, #tpu.memory_space<vmem>>, vector<1x4x10240xf32>
    %get3A_71 = vector.shape_cast %get3A_70 : vector<1x4x10240xf32> to vector<4x10240xf32>
    %add3A_72 = arith.addf %add3A_66, %get3A_71 : vector<4x10240xf32>
    %get3A_73 = arith.constant 12 : index
    %get3A_74 = arith.constant 0 : index
    %get3A_75 = arith.constant 0 : index
    %get3A_76 = vector.load %arg0[%get3A_73, %get3A_74, %get3A_75] : memref<32x4x10240xf32, #tpu.memory_space<vmem>>, vector<1x4x10240xf32>
    %get3A_77 = vector.shape_cast %get3A_76 : vector<1x4x10240xf32> to vector<4x10240xf32>
    %add3A_78 = arith.addf %add3A_72, %get3A_77 : vector<4x10240xf32>
    %get3A_79 = arith.constant 13 : index
    %get3A_80 = arith.constant 0 : index
    %get3A_81 = arith.constant 0 : index
    %get3A_82 = vector.load %arg0[%get3A_79, %get3A_80, %get3A_81] : memref<32x4x10240xf32, #tpu.memory_space<vmem>>, vector<1x4x10240xf32>
    %get3A_83 = vector.shape_cast %get3A_82 : vector<1x4x10240xf32> to vector<4x10240xf32>
    %add3A_84 = arith.addf %add3A_78, %get3A_83 : vector<4x10240xf32>
    %get3A_85 = arith.constant 14 : index
    %get3A_86 = arith.constant 0 : index
    %get3A_87 = arith.constant 0 : index
    %get3A_88 = vector.load %arg0[%get3A_85, %get3A_86, %get3A_87] : memref<32x4x10240xf32, #tpu.memory_space<vmem>>, vector<1x4x10240xf32>
    %get3A_89 = vector.shape_cast %get3A_88 : vector<1x4x10240xf32> to vector<4x10240xf32>
    %add3A_90 = arith.addf %add3A_84, %get3A_89 : vector<4x10240xf32>
    %get3A_91 = arith.constant 15 : index
    %get3A_92 = arith.constant 0 : index
    %get3A_93 = arith.constant 0 : index
    %get3A_94 = vector.load %arg0[%get3A_91, %get3A_92, %get3A_93] : memref<32x4x10240xf32, #tpu.memory_space<vmem>>, vector<1x4x10240xf32>
    %get3A_95 = vector.shape_cast %get3A_94 : vector<1x4x10240xf32> to vector<4x10240xf32>
    %add3A_96 = arith.addf %add3A_90, %get3A_95 : vector<4x10240xf32>
    %get3A_97 = arith.constant 16 : index
    %get3A_98 = arith.constant 0 : index
    %get3A_99 = arith.constant 0 : index
    %get3A_100 = vector.load %arg0[%get3A_97, %get3A_98, %get3A_99] : memref<32x4x10240xf32, #tpu.memory_space<vmem>>, vector<1x4x10240xf32>
    %get3A_101 = vector.shape_cast %get3A_100 : vector<1x4x10240xf32> to vector<4x10240xf32>
    %add3A_102 = arith.addf %add3A_96, %get3A_101 : vector<4x10240xf32>
    %get3A_103 = arith.constant 17 : index
    %get3A_104 = arith.constant 0 : index
    %get3A_105 = arith.constant 0 : index
    %get3A_106 = vector.load %arg0[%get3A_103, %get3A_104, %get3A_105] : memref<32x4x10240xf32, #tpu.memory_space<vmem>>, vector<1x4x10240xf32>
    %get3A_107 = vector.shape_cast %get3A_106 : vector<1x4x10240xf32> to vector<4x10240xf32>
    %add3A_108 = arith.addf %add3A_102, %get3A_107 : vector<4x10240xf32>
    %get3A_109 = arith.constant 18 : index
    %get3A_110 = arith.constant 0 : index
    %get3A_111 = arith.constant 0 : index
    %get3A_112 = vector.load %arg0[%get3A_109, %get3A_110, %get3A_111] : memref<32x4x10240xf32, #tpu.memory_space<vmem>>, vector<1x4x10240xf32>
    %get3A_113 = vector.shape_cast %get3A_112 : vector<1x4x10240xf32> to vector<4x10240xf32>
    %add3A_114 = arith.addf %add3A_108, %get3A_113 : vector<4x10240xf32>
    %get3A_115 = arith.constant 19 : index
    %get3A_116 = arith.constant 0 : index
    %get3A_117 = arith.constant 0 : index
    %get3A_118 = vector.load %arg0[%get3A_115, %get3A_116, %get3A_117] : memref<32x4x10240xf32, #tpu.memory_space<vmem>>, vector<1x4x10240xf32>
    %get3A_119 = vector.shape_cast %get3A_118 : vector<1x4x10240xf32> to vector<4x10240xf32>
    %add3A_120 = arith.addf %add3A_114, %get3A_119 : vector<4x10240xf32>
    %get3A_121 = arith.constant 20 : index
    %get3A_122 = arith.constant 0 : index
    %get3A_123 = arith.constant 0 : index
    %get3A_124 = vector.load %arg0[%get3A_121, %get3A_122, %get3A_123] : memref<32x4x10240xf32, #tpu.memory_space<vmem>>, vector<1x4x10240xf32>
    %get3A_125 = vector.shape_cast %get3A_124 : vector<1x4x10240xf32> to vector<4x10240xf32>
    %add3A_126 = arith.addf %add3A_120, %get3A_125 : vector<4x10240xf32>
    %get3A_127 = arith.constant 21 : index
    %get3A_128 = arith.constant 0 : index
    %get3A_129 = arith.constant 0 : index
    %get3A_130 = vector.load %arg0[%get3A_127, %get3A_128, %get3A_129] : memref<32x4x10240xf32, #tpu.memory_space<vmem>>, vector<1x4x10240xf32>
    %get3A_131 = vector.shape_cast %get3A_130 : vector<1x4x10240xf32> to vector<4x10240xf32>
    %add3A_132 = arith.addf %add3A_126, %get3A_131 : vector<4x10240xf32>
    %get3A_133 = arith.constant 22 : index
    %get3A_134 = arith.constant 0 : index
    %get3A_135 = arith.constant 0 : index
    %get3A_136 = vector.load %arg0[%get3A_133, %get3A_134, %get3A_135] : memref<32x4x10240xf32, #tpu.memory_space<vmem>>, vector<1x4x10240xf32>
    %get3A_137 = vector.shape_cast %get3A_136 : vector<1x4x10240xf32> to vector<4x10240xf32>
    %add3A_138 = arith.addf %add3A_132, %get3A_137 : vector<4x10240xf32>
    %get3A_139 = arith.constant 23 : index
    %get3A_140 = arith.constant 0 : index
    %get3A_141 = arith.constant 0 : index
    %get3A_142 = vector.load %arg0[%get3A_139, %get3A_140, %get3A_141] : memref<32x4x10240xf32, #tpu.memory_space<vmem>>, vector<1x4x10240xf32>
    %get3A_143 = vector.shape_cast %get3A_142 : vector<1x4x10240xf32> to vector<4x10240xf32>
    %add3A_144 = arith.addf %add3A_138, %get3A_143 : vector<4x10240xf32>
    %get3A_145 = arith.constant 24 : index
    %get3A_146 = arith.constant 0 : index
    %get3A_147 = arith.constant 0 : index
    %get3A_148 = vector.load %arg0[%get3A_145, %get3A_146, %get3A_147] : memref<32x4x10240xf32, #tpu.memory_space<vmem>>, vector<1x4x10240xf32>
    %get3A_149 = vector.shape_cast %get3A_148 : vector<1x4x10240xf32> to vector<4x10240xf32>
    %add3A_150 = arith.addf %add3A_144, %get3A_149 : vector<4x10240xf32>
    %get3A_151 = arith.constant 25 : index
    %get3A_152 = arith.constant 0 : index
    %get3A_153 = arith.constant 0 : index
    %get3A_154 = vector.load %arg0[%get3A_151, %get3A_152, %get3A_153] : memref<32x4x10240xf32, #tpu.memory_space<vmem>>, vector<1x4x10240xf32>
    %get3A_155 = vector.shape_cast %get3A_154 : vector<1x4x10240xf32> to vector<4x10240xf32>
    %add3A_156 = arith.addf %add3A_150, %get3A_155 : vector<4x10240xf32>
    %get3A_157 = arith.constant 26 : index
    %get3A_158 = arith.constant 0 : index
    %get3A_159 = arith.constant 0 : index
    %get3A_160 = vector.load %arg0[%get3A_157, %get3A_158, %get3A_159] : memref<32x4x10240xf32, #tpu.memory_space<vmem>>, vector<1x4x10240xf32>
    %get3A_161 = vector.shape_cast %get3A_160 : vector<1x4x10240xf32> to vector<4x10240xf32>
    %add3A_162 = arith.addf %add3A_156, %get3A_161 : vector<4x10240xf32>
    %get3A_163 = arith.constant 27 : index
    %get3A_164 = arith.constant 0 : index
    %get3A_165 = arith.constant 0 : index
    %get3A_166 = vector.load %arg0[%get3A_163, %get3A_164, %get3A_165] : memref<32x4x10240xf32, #tpu.memory_space<vmem>>, vector<1x4x10240xf32>
    %get3A_167 = vector.shape_cast %get3A_166 : vector<1x4x10240xf32> to vector<4x10240xf32>
    %add3A_168 = arith.addf %add3A_162, %get3A_167 : vector<4x10240xf32>
    %get3A_169 = arith.constant 28 : index
    %get3A_170 = arith.constant 0 : index
    %get3A_171 = arith.constant 0 : index
    %get3A_172 = vector.load %arg0[%get3A_169, %get3A_170, %get3A_171] : memref<32x4x10240xf32, #tpu.memory_space<vmem>>, vector<1x4x10240xf32>
    %get3A_173 = vector.shape_cast %get3A_172 : vector<1x4x10240xf32> to vector<4x10240xf32>
    %add3A_174 = arith.addf %add3A_168, %get3A_173 : vector<4x10240xf32>
    %get3A_175 = arith.constant 29 : index
    %get3A_176 = arith.constant 0 : index
    %get3A_177 = arith.constant 0 : index
    %get3A_178 = vector.load %arg0[%get3A_175, %get3A_176, %get3A_177] : memref<32x4x10240xf32, #tpu.memory_space<vmem>>, vector<1x4x10240xf32>
    %get3A_179 = vector.shape_cast %get3A_178 : vector<1x4x10240xf32> to vector<4x10240xf32>
    %add3A_180 = arith.addf %add3A_174, %get3A_179 : vector<4x10240xf32>
    %get3A_181 = arith.constant 30 : index
    %get3A_182 = arith.constant 0 : index
    %get3A_183 = arith.constant 0 : index
    %get3A_184 = vector.load %arg0[%get3A_181, %get3A_182, %get3A_183] : memref<32x4x10240xf32, #tpu.memory_space<vmem>>, vector<1x4x10240xf32>
    %get3A_185 = vector.shape_cast %get3A_184 : vector<1x4x10240xf32> to vector<4x10240xf32>
    %add3A_186 = arith.addf %add3A_180, %get3A_185 : vector<4x10240xf32>
    %get3A_187 = arith.constant 31 : index
    %get3A_188 = arith.constant 0 : index
    %get3A_189 = arith.constant 0 : index
    %get3A_190 = vector.load %arg0[%get3A_187, %get3A_188, %get3A_189] : memref<32x4x10240xf32, #tpu.memory_space<vmem>>, vector<1x4x10240xf32>
    %get3A_191 = vector.shape_cast %get3A_190 : vector<1x4x10240xf32> to vector<4x10240xf32>
    %add3A_192 = arith.addf %add3A_186, %get3A_191 : vector<4x10240xf32>
    %get3A_193 = arith.constant 0 : index
    %get3A_194 = arith.constant 0 : index
    %get3A_195 = vector.load %arg2[%get3A_193, %get3A_194] : memref<1x10240xf32, #tpu.memory_space<vmem>>, vector<1x10240xf32>
    %mul3A = vector.broadcast %get3A_195 : vector<1x10240xf32> to vector<4x10240xf32>
    %mul3A_196 = arith.mulf %mul3A, %add3A_192 : vector<4x10240xf32>
    %get3A_197 = arith.constant 0 : index
    %get3A_198 = arith.constant 0 : index
    %get3A_199 = vector.load %arg3[%get3A_197, %get3A_198] : memref<4x1xf32, #tpu.memory_space<vmem>>, vector<4x1xf32>
    %add3A_200 = vector.broadcast %get3A_199 : vector<4x1xf32> to vector<4x10240xf32>
    %add3A_201 = arith.addf %mul3A_196, %add3A_200 : vector<4x10240xf32>
    %max3A = arith.constant 0.000000e+00 : f32
    %max3A_202 = vector.broadcast %max3A : f32 to vector<4x10240xf32>
    %max3A_203 = arith.maximumf %add3A_201, %max3A_202 : vector<4x10240xf32>
    %get3A_204 = arith.constant 0 : index
    %get3A_205 = arith.constant 0 : index
    %get3A_206 = vector.load %arg4[%get3A_204, %get3A_205] : memref<4x2xf32, #tpu.memory_space<vmem>>, vector<4x2xf32>
    %dot_general3A = arith.constant dense<0.000000e+00> : vector<2x10240xf32>
    %dot_general3A_207 = tpu.matmul %get3A_206, %max3A_203, %dot_general3A {dimension_numbers = #tpu.dot_dimension_numbers<[0], [0], [1], [1], [0, 1, 1, 1], [], []>, precision = #tpu.contract_precision<fp32>, transpose_lhs_hint = false} : vector<4x2xf32>, vector<4x10240xf32>, vector<2x10240xf32> -> vector<2x10240xf32>
    %get3A_208 = arith.constant 0 : index
    %get3A_209 = arith.constant 0 : index
    %get3A_210 = vector.load %arg2[%get3A_208, %get3A_209] : memref<1x10240xf32, #tpu.memory_space<vmem>>, vector<1x10240xf32>
    %mul3A_211 = vector.broadcast %get3A_210 : vector<1x10240xf32> to vector<2x10240xf32>
    %mul3A_212 = arith.mulf %dot_general3A_207, %mul3A_211 : vector<2x10240xf32>
    %swap3A = arith.constant 0 : index
    %swap3A_213 = arith.constant 0 : index
    %swap3A_214 = vector.load %arg5[%swap3A, %swap3A_213] : memref<2x10240xf32, #tpu.memory_space<vmem>>, vector<2x10240xf32>
    tpu.vector_store %arg5[%swap3A, %swap3A_213], %mul3A_212 {strides = array<i32>} : memref<2x10240xf32, #tpu.memory_space<vmem>>, vector<2x10240xf32>,
    return
  }
}

module attributes {stable_mosaic.version = 14 : i64} {
  func.func @body(%arg0: memref<32x1x10240xf32, #tpu.memory_space<vmem>>, %arg1: memref<1x10240xf32, #tpu.memory_space<vmem>>, %arg2: memref<1x10240xf32, #tpu.memory_space<vmem>>, %arg3: memref<1x1xf32, #tpu.memory_space<vmem>>, %arg4: memref<1x10240xf32, #tpu.memory_space<vmem>>) attributes {dimension_semantics = [], scalar_prefetch = 0 : i64, scratch_operands = 0 : i64, tpu.core_type = #tpu.core_type<tc>} {
    %get3A = arith.constant 0 : index
    %get3A_0 = arith.constant 0 : index
    %get3A_1 = vector.load %arg1[%get3A, %get3A_0] : memref<1x10240xf32, #tpu.memory_space<vmem>>, vector<1x10240xf32>
    %get3A_2 = arith.constant 0 : index
    %get3A_3 = arith.constant 0 : index
    %get3A_4 = arith.constant 0 : index
    %get3A_5 = vector.load %arg0[%get3A_2, %get3A_3, %get3A_4] : memref<32x1x10240xf32, #tpu.memory_space<vmem>>, vector<1x1x10240xf32>
    %get3A_6 = vector.shape_cast %get3A_5 : vector<1x1x10240xf32> to vector<1x10240xf32>
    %add3A = arith.addf %get3A_1, %get3A_6 : vector<1x10240xf32>
    %get3A_7 = arith.constant 1 : index
    %get3A_8 = arith.constant 0 : index
    %get3A_9 = arith.constant 0 : index
    %get3A_10 = vector.load %arg0[%get3A_7, %get3A_8, %get3A_9] : memref<32x1x10240xf32, #tpu.memory_space<vmem>>, vector<1x1x10240xf32>
    %get3A_11 = vector.shape_cast %get3A_10 : vector<1x1x10240xf32> to vector<1x10240xf32>
    %add3A_12 = arith.addf %add3A, %get3A_11 : vector<1x10240xf32>
    %get3A_13 = arith.constant 2 : index
    %get3A_14 = arith.constant 0 : index
    %get3A_15 = arith.constant 0 : index
    %get3A_16 = vector.load %arg0[%get3A_13, %get3A_14, %get3A_15] : memref<32x1x10240xf32, #tpu.memory_space<vmem>>, vector<1x1x10240xf32>
    %get3A_17 = vector.shape_cast %get3A_16 : vector<1x1x10240xf32> to vector<1x10240xf32>
    %add3A_18 = arith.addf %add3A_12, %get3A_17 : vector<1x10240xf32>
    %get3A_19 = arith.constant 3 : index
    %get3A_20 = arith.constant 0 : index
    %get3A_21 = arith.constant 0 : index
    %get3A_22 = vector.load %arg0[%get3A_19, %get3A_20, %get3A_21] : memref<32x1x10240xf32, #tpu.memory_space<vmem>>, vector<1x1x10240xf32>
    %get3A_23 = vector.shape_cast %get3A_22 : vector<1x1x10240xf32> to vector<1x10240xf32>
    %add3A_24 = arith.addf %add3A_18, %get3A_23 : vector<1x10240xf32>
    %get3A_25 = arith.constant 4 : index
    %get3A_26 = arith.constant 0 : index
    %get3A_27 = arith.constant 0 : index
    %get3A_28 = vector.load %arg0[%get3A_25, %get3A_26, %get3A_27] : memref<32x1x10240xf32, #tpu.memory_space<vmem>>, vector<1x1x10240xf32>
    %get3A_29 = vector.shape_cast %get3A_28 : vector<1x1x10240xf32> to vector<1x10240xf32>
    %add3A_30 = arith.addf %add3A_24, %get3A_29 : vector<1x10240xf32>
    %get3A_31 = arith.constant 5 : index
    %get3A_32 = arith.constant 0 : index
    %get3A_33 = arith.constant 0 : index
    %get3A_34 = vector.load %arg0[%get3A_31, %get3A_32, %get3A_33] : memref<32x1x10240xf32, #tpu.memory_space<vmem>>, vector<1x1x10240xf32>
    %get3A_35 = vector.shape_cast %get3A_34 : vector<1x1x10240xf32> to vector<1x10240xf32>
    %add3A_36 = arith.addf %add3A_30, %get3A_35 : vector<1x10240xf32>
    %get3A_37 = arith.constant 6 : index
    %get3A_38 = arith.constant 0 : index
    %get3A_39 = arith.constant 0 : index
    %get3A_40 = vector.load %arg0[%get3A_37, %get3A_38, %get3A_39] : memref<32x1x10240xf32, #tpu.memory_space<vmem>>, vector<1x1x10240xf32>
    %get3A_41 = vector.shape_cast %get3A_40 : vector<1x1x10240xf32> to vector<1x10240xf32>
    %add3A_42 = arith.addf %add3A_36, %get3A_41 : vector<1x10240xf32>
    %get3A_43 = arith.constant 7 : index
    %get3A_44 = arith.constant 0 : index
    %get3A_45 = arith.constant 0 : index
    %get3A_46 = vector.load %arg0[%get3A_43, %get3A_44, %get3A_45] : memref<32x1x10240xf32, #tpu.memory_space<vmem>>, vector<1x1x10240xf32>
    %get3A_47 = vector.shape_cast %get3A_46 : vector<1x1x10240xf32> to vector<1x10240xf32>
    %add3A_48 = arith.addf %add3A_42, %get3A_47 : vector<1x10240xf32>
    %get3A_49 = arith.constant 8 : index
    %get3A_50 = arith.constant 0 : index
    %get3A_51 = arith.constant 0 : index
    %get3A_52 = vector.load %arg0[%get3A_49, %get3A_50, %get3A_51] : memref<32x1x10240xf32, #tpu.memory_space<vmem>>, vector<1x1x10240xf32>
    %get3A_53 = vector.shape_cast %get3A_52 : vector<1x1x10240xf32> to vector<1x10240xf32>
    %add3A_54 = arith.addf %add3A_48, %get3A_53 : vector<1x10240xf32>
    %get3A_55 = arith.constant 9 : index
    %get3A_56 = arith.constant 0 : index
    %get3A_57 = arith.constant 0 : index
    %get3A_58 = vector.load %arg0[%get3A_55, %get3A_56, %get3A_57] : memref<32x1x10240xf32, #tpu.memory_space<vmem>>, vector<1x1x10240xf32>
    %get3A_59 = vector.shape_cast %get3A_58 : vector<1x1x10240xf32> to vector<1x10240xf32>
    %add3A_60 = arith.addf %add3A_54, %get3A_59 : vector<1x10240xf32>
    %get3A_61 = arith.constant 10 : index
    %get3A_62 = arith.constant 0 : index
    %get3A_63 = arith.constant 0 : index
    %get3A_64 = vector.load %arg0[%get3A_61, %get3A_62, %get3A_63] : memref<32x1x10240xf32, #tpu.memory_space<vmem>>, vector<1x1x10240xf32>
    %get3A_65 = vector.shape_cast %get3A_64 : vector<1x1x10240xf32> to vector<1x10240xf32>
    %add3A_66 = arith.addf %add3A_60, %get3A_65 : vector<1x10240xf32>
    %get3A_67 = arith.constant 11 : index
    %get3A_68 = arith.constant 0 : index
    %get3A_69 = arith.constant 0 : index
    %get3A_70 = vector.load %arg0[%get3A_67, %get3A_68, %get3A_69] : memref<32x1x10240xf32, #tpu.memory_space<vmem>>, vector<1x1x10240xf32>
    %get3A_71 = vector.shape_cast %get3A_70 : vector<1x1x10240xf32> to vector<1x10240xf32>
    %add3A_72 = arith.addf %add3A_66, %get3A_71 : vector<1x10240xf32>
    %get3A_73 = arith.constant 12 : index
    %get3A_74 = arith.constant 0 : index
    %get3A_75 = arith.constant 0 : index
    %get3A_76 = vector.load %arg0[%get3A_73, %get3A_74, %get3A_75] : memref<32x1x10240xf32, #tpu.memory_space<vmem>>, vector<1x1x10240xf32>
    %get3A_77 = vector.shape_cast %get3A_76 : vector<1x1x10240xf32> to vector<1x10240xf32>
    %add3A_78 = arith.addf %add3A_72, %get3A_77 : vector<1x10240xf32>
    %get3A_79 = arith.constant 13 : index
    %get3A_80 = arith.constant 0 : index
    %get3A_81 = arith.constant 0 : index
    %get3A_82 = vector.load %arg0[%get3A_79, %get3A_80, %get3A_81] : memref<32x1x10240xf32, #tpu.memory_space<vmem>>, vector<1x1x10240xf32>
    %get3A_83 = vector.shape_cast %get3A_82 : vector<1x1x10240xf32> to vector<1x10240xf32>
    %add3A_84 = arith.addf %add3A_78, %get3A_83 : vector<1x10240xf32>
    %get3A_85 = arith.constant 14 : index
    %get3A_86 = arith.constant 0 : index
    %get3A_87 = arith.constant 0 : index
    %get3A_88 = vector.load %arg0[%get3A_85, %get3A_86, %get3A_87] : memref<32x1x10240xf32, #tpu.memory_space<vmem>>, vector<1x1x10240xf32>
    %get3A_89 = vector.shape_cast %get3A_88 : vector<1x1x10240xf32> to vector<1x10240xf32>
    %add3A_90 = arith.addf %add3A_84, %get3A_89 : vector<1x10240xf32>
    %get3A_91 = arith.constant 15 : index
    %get3A_92 = arith.constant 0 : index
    %get3A_93 = arith.constant 0 : index
    %get3A_94 = vector.load %arg0[%get3A_91, %get3A_92, %get3A_93] : memref<32x1x10240xf32, #tpu.memory_space<vmem>>, vector<1x1x10240xf32>
    %get3A_95 = vector.shape_cast %get3A_94 : vector<1x1x10240xf32> to vector<1x10240xf32>
    %add3A_96 = arith.addf %add3A_90, %get3A_95 : vector<1x10240xf32>
    %get3A_97 = arith.constant 16 : index
    %get3A_98 = arith.constant 0 : index
    %get3A_99 = arith.constant 0 : index
    %get3A_100 = vector.load %arg0[%get3A_97, %get3A_98, %get3A_99] : memref<32x1x10240xf32, #tpu.memory_space<vmem>>, vector<1x1x10240xf32>
    %get3A_101 = vector.shape_cast %get3A_100 : vector<1x1x10240xf32> to vector<1x10240xf32>
    %add3A_102 = arith.addf %add3A_96, %get3A_101 : vector<1x10240xf32>
    %get3A_103 = arith.constant 17 : index
    %get3A_104 = arith.constant 0 : index
    %get3A_105 = arith.constant 0 : index
    %get3A_106 = vector.load %arg0[%get3A_103, %get3A_104, %get3A_105] : memref<32x1x10240xf32, #tpu.memory_space<vmem>>, vector<1x1x10240xf32>
    %get3A_107 = vector.shape_cast %get3A_106 : vector<1x1x10240xf32> to vector<1x10240xf32>
    %add3A_108 = arith.addf %add3A_102, %get3A_107 : vector<1x10240xf32>
    %get3A_109 = arith.constant 18 : index
    %get3A_110 = arith.constant 0 : index
    %get3A_111 = arith.constant 0 : index
    %get3A_112 = vector.load %arg0[%get3A_109, %get3A_110, %get3A_111] : memref<32x1x10240xf32, #tpu.memory_space<vmem>>, vector<1x1x10240xf32>
    %get3A_113 = vector.shape_cast %get3A_112 : vector<1x1x10240xf32> to vector<1x10240xf32>
    %add3A_114 = arith.addf %add3A_108, %get3A_113 : vector<1x10240xf32>
    %get3A_115 = arith.constant 19 : index
    %get3A_116 = arith.constant 0 : index
    %get3A_117 = arith.constant 0 : index
    %get3A_118 = vector.load %arg0[%get3A_115, %get3A_116, %get3A_117] : memref<32x1x10240xf32, #tpu.memory_space<vmem>>, vector<1x1x10240xf32>
    %get3A_119 = vector.shape_cast %get3A_118 : vector<1x1x10240xf32> to vector<1x10240xf32>
    %add3A_120 = arith.addf %add3A_114, %get3A_119 : vector<1x10240xf32>
    %get3A_121 = arith.constant 20 : index
    %get3A_122 = arith.constant 0 : index
    %get3A_123 = arith.constant 0 : index
    %get3A_124 = vector.load %arg0[%get3A_121, %get3A_122, %get3A_123] : memref<32x1x10240xf32, #tpu.memory_space<vmem>>, vector<1x1x10240xf32>
    %get3A_125 = vector.shape_cast %get3A_124 : vector<1x1x10240xf32> to vector<1x10240xf32>
    %add3A_126 = arith.addf %add3A_120, %get3A_125 : vector<1x10240xf32>
    %get3A_127 = arith.constant 21 : index
    %get3A_128 = arith.constant 0 : index
    %get3A_129 = arith.constant 0 : index
    %get3A_130 = vector.load %arg0[%get3A_127, %get3A_128, %get3A_129] : memref<32x1x10240xf32, #tpu.memory_space<vmem>>, vector<1x1x10240xf32>
    %get3A_131 = vector.shape_cast %get3A_130 : vector<1x1x10240xf32> to vector<1x10240xf32>
    %add3A_132 = arith.addf %add3A_126, %get3A_131 : vector<1x10240xf32>
    %get3A_133 = arith.constant 22 : index
    %get3A_134 = arith.constant 0 : index
    %get3A_135 = arith.constant 0 : index
    %get3A_136 = vector.load %arg0[%get3A_133, %get3A_134, %get3A_135] : memref<32x1x10240xf32, #tpu.memory_space<vmem>>, vector<1x1x10240xf32>
    %get3A_137 = vector.shape_cast %get3A_136 : vector<1x1x10240xf32> to vector<1x10240xf32>
    %add3A_138 = arith.addf %add3A_132, %get3A_137 : vector<1x10240xf32>
    %get3A_139 = arith.constant 23 : index
    %get3A_140 = arith.constant 0 : index
    %get3A_141 = arith.constant 0 : index
    %get3A_142 = vector.load %arg0[%get3A_139, %get3A_140, %get3A_141] : memref<32x1x10240xf32, #tpu.memory_space<vmem>>, vector<1x1x10240xf32>
    %get3A_143 = vector.shape_cast %get3A_142 : vector<1x1x10240xf32> to vector<1x10240xf32>
    %add3A_144 = arith.addf %add3A_138, %get3A_143 : vector<1x10240xf32>
    %get3A_145 = arith.constant 24 : index
    %get3A_146 = arith.constant 0 : index
    %get3A_147 = arith.constant 0 : index
    %get3A_148 = vector.load %arg0[%get3A_145, %get3A_146, %get3A_147] : memref<32x1x10240xf32, #tpu.memory_space<vmem>>, vector<1x1x10240xf32>
    %get3A_149 = vector.shape_cast %get3A_148 : vector<1x1x10240xf32> to vector<1x10240xf32>
    %add3A_150 = arith.addf %add3A_144, %get3A_149 : vector<1x10240xf32>
    %get3A_151 = arith.constant 25 : index
    %get3A_152 = arith.constant 0 : index
    %get3A_153 = arith.constant 0 : index
    %get3A_154 = vector.load %arg0[%get3A_151, %get3A_152, %get3A_153] : memref<32x1x10240xf32, #tpu.memory_space<vmem>>, vector<1x1x10240xf32>
    %get3A_155 = vector.shape_cast %get3A_154 : vector<1x1x10240xf32> to vector<1x10240xf32>
    %add3A_156 = arith.addf %add3A_150, %get3A_155 : vector<1x10240xf32>
    %get3A_157 = arith.constant 26 : index
    %get3A_158 = arith.constant 0 : index
    %get3A_159 = arith.constant 0 : index
    %get3A_160 = vector.load %arg0[%get3A_157, %get3A_158, %get3A_159] : memref<32x1x10240xf32, #tpu.memory_space<vmem>>, vector<1x1x10240xf32>
    %get3A_161 = vector.shape_cast %get3A_160 : vector<1x1x10240xf32> to vector<1x10240xf32>
    %add3A_162 = arith.addf %add3A_156, %get3A_161 : vector<1x10240xf32>
    %get3A_163 = arith.constant 27 : index
    %get3A_164 = arith.constant 0 : index
    %get3A_165 = arith.constant 0 : index
    %get3A_166 = vector.load %arg0[%get3A_163, %get3A_164, %get3A_165] : memref<32x1x10240xf32, #tpu.memory_space<vmem>>, vector<1x1x10240xf32>
    %get3A_167 = vector.shape_cast %get3A_166 : vector<1x1x10240xf32> to vector<1x10240xf32>
    %add3A_168 = arith.addf %add3A_162, %get3A_167 : vector<1x10240xf32>
    %get3A_169 = arith.constant 28 : index
    %get3A_170 = arith.constant 0 : index
    %get3A_171 = arith.constant 0 : index
    %get3A_172 = vector.load %arg0[%get3A_169, %get3A_170, %get3A_171] : memref<32x1x10240xf32, #tpu.memory_space<vmem>>, vector<1x1x10240xf32>
    %get3A_173 = vector.shape_cast %get3A_172 : vector<1x1x10240xf32> to vector<1x10240xf32>
    %add3A_174 = arith.addf %add3A_168, %get3A_173 : vector<1x10240xf32>
    %get3A_175 = arith.constant 29 : index
    %get3A_176 = arith.constant 0 : index
    %get3A_177 = arith.constant 0 : index
    %get3A_178 = vector.load %arg0[%get3A_175, %get3A_176, %get3A_177] : memref<32x1x10240xf32, #tpu.memory_space<vmem>>, vector<1x1x10240xf32>
    %get3A_179 = vector.shape_cast %get3A_178 : vector<1x1x10240xf32> to vector<1x10240xf32>
    %add3A_180 = arith.addf %add3A_174, %get3A_179 : vector<1x10240xf32>
    %get3A_181 = arith.constant 30 : index
    %get3A_182 = arith.constant 0 : index
    %get3A_183 = arith.constant 0 : index
    %get3A_184 = vector.load %arg0[%get3A_181, %get3A_182, %get3A_183] : memref<32x1x10240xf32, #tpu.memory_space<vmem>>, vector<1x1x10240xf32>
    %get3A_185 = vector.shape_cast %get3A_184 : vector<1x1x10240xf32> to vector<1x10240xf32>
    %add3A_186 = arith.addf %add3A_180, %get3A_185 : vector<1x10240xf32>
    %get3A_187 = arith.constant 31 : index
    %get3A_188 = arith.constant 0 : index
    %get3A_189 = arith.constant 0 : index
    %get3A_190 = vector.load %arg0[%get3A_187, %get3A_188, %get3A_189] : memref<32x1x10240xf32, #tpu.memory_space<vmem>>, vector<1x1x10240xf32>
    %get3A_191 = vector.shape_cast %get3A_190 : vector<1x1x10240xf32> to vector<1x10240xf32>
    %add3A_192 = arith.addf %add3A_186, %get3A_191 : vector<1x10240xf32>
    %get3A_193 = arith.constant 0 : index
    %get3A_194 = arith.constant 0 : index
    %get3A_195 = vector.load %arg2[%get3A_193, %get3A_194] : memref<1x10240xf32, #tpu.memory_space<vmem>>, vector<1x10240xf32>
    %mul3A = arith.mulf %get3A_195, %add3A_192 : vector<1x10240xf32>
    %get3A_196 = arith.constant 0 : index
    %get3A_197 = arith.constant 0 : index
    %get3A_198 = vector.load %arg3[%get3A_196, %get3A_197] : memref<1x1xf32, #tpu.memory_space<vmem>>, vector<1x1xf32>
    %add3A_199 = vector.broadcast %get3A_198 : vector<1x1xf32> to vector<1x10240xf32>
    %add3A_200 = arith.addf %mul3A, %add3A_199 : vector<1x10240xf32>
    %logistic3A = arith.negf %add3A_200 : vector<1x10240xf32>
    %logistic3A_201 = math.exp %logistic3A : vector<1x10240xf32>
    %logistic3A_202 = arith.constant 1.000000e+00 : f32
    %logistic3A_203 = vector.broadcast %logistic3A_202 : f32 to vector<1x10240xf32>
    %logistic3A_204 = arith.addf %logistic3A_203, %logistic3A_201 : vector<1x10240xf32>
    %logistic3A_205 = arith.divf %logistic3A_203, %logistic3A_204 : vector<1x10240xf32>
    %swap3A = arith.constant 0 : index
    %swap3A_206 = arith.constant 0 : index
    %swap3A_207 = vector.load %arg4[%swap3A, %swap3A_206] : memref<1x10240xf32, #tpu.memory_space<vmem>>, vector<1x10240xf32>
    tpu.vector_store %arg4[%swap3A, %swap3A_206], %logistic3A_205 {strides = array<i32>} : memref<1x10240xf32, #tpu.memory_space<vmem>>, vector<1x10240xf32>,
    return
  }
}

</mosaic_0001>

<sc_bundles>
// kernel: kernel.11.cloned.1.call-start
scs
__scs_entry_jumppad:
0x0: {  	(pc) =	sbr.rel $0x88, $3  }
0x1: {  	(tag) =	ssettag $0x0;
	lr =	simm.s32 $0x1  }
0x2: {  	[smem:$0x3F99] =	sst lr;
	_ =	strace $0xD0000000  }
0x3: {  	_ = 	snop  }
0x4: {  	_ = 	snop  }
0x5: {  	_ = 	snop  }
0x6: {  	_ = 	snop  }
0x7: {  	_ = 	snop  }
__scs_overlays_trampoline_lowered:
0x8: {  	[smem:$0x3FA8] =	sst s0  }
0x9: {  	[smem:$0x3FA9] =	sst s1  }
0xa: {  	[smem:$0x3FAA] =	sst s2  }
0xb: {  	[smem:$0x3FAB] =	sst s3  }
0xc: {  	[smem:$0x3FAC] =	sst s4  }
0xd: {  	[smem:$0x3FAD] =	sst s5  }
0xe: {  	[smem:$0x3FAE] =	sst s6  }
0xf: {  	[smem:$0x3FAF] =	sst s7  }
0x10: {  	[smem:$0x3FB0] =	sst s8  }
0x11: {  	[smem:$0x3FB1] =	sst s9;
	s0 =	simm.s32 @!p0 $0x0  }
0x12: {  	s1 =	sld [smem:$0x3F97];
	s0 =	simm.s32 @p0 $0x1  }
0x13: {  	[smem:$0x3FB2] =	sst s0;
	s0 =	simm.s32 @!p1 $0x0  }
0x14: {  	s2 =	sld [smem:$0x3F96];
	s0 =	simm.s32 @p1 $0x1  }
0x15: {  	[smem:$0x3FB3] =	sst s0;
	s0 =	simm.s32 @!p2 $0x0  }
0x16: {  	s3 =	sld [smem:$0x3FDB];
	s0 =	simm.s32 @p2 $0x1  }
0x17: {  	s4 =	simm.s32 $0x1BF5;
	[smem:$0x3FB5] =	sst s0  }
0x18: {  	s0 =	sld [smem:$0x3F98];
	_ =	swait.ge [sflag:s4], $0x0  }
0x19: {  	s7 =	sld [smem:$0x3F99]  }
0x1a: {  	s8 =	sadd.s32 $0xFFFFE003, lr  }
0x1b: {  	s9 =	sadd.s32 $0xFFFFFEF7, lr;
	s5 =	simm.s32 $0xFFFFFFFF;
	p2 =	slt.u32 s8, $0xFFFFF086  }
0x1c: {  	p1 =	slt.u32 s9, $0xF7A;
	s5 =	simm.s32 @!p2 $0x0  }
0x1d: {  	s5 =	simm.s32 @p1 $0x1;
	p0 =	seq.s32 s7, s2  }
0x1e: {  	s7 =	smul.u32 @!p0 $0xF7A, s2;
	p2 =	seq.s32 @!p0 s5, $0x0  }
0x1f: {  	s9 =	smul.u32 $0xF7A, s1;
	s8 =	simm.s32 @!p0 $0x1BF5;
	p2 =	por !p2, p0  }
0x20: {  	[sflag:s8] =	ssyncset.s32 @!p0 $0xFFFFF086;
	s6 =	sadd.s32 @!p0 s3, s7;
	s7 =	simm.s32 @!p0 $0x108  }
0x21: {  	s3 =	sadd.s32 s3, s9;
	s6 =	sadd.s32 @!p0 $0x88, s6;
	s7 =	simm.s32 @p2 $0x1082  }
0x22: {  	[simem:s7], [sflag:s8] =	dma.local @!p0 [hbm:s6], $0xF7A  }
0x23: {  	s9 =	sor.u32 $0xD0000000, s2;
	s6 =	simm.s32 $0x108;
	_ =	swait.ge @!p0 [sflag:s8], $0x0  }
0x24: {  	s3 =	sadd.s32 $0x88, s3;
	s6 =	simm.s32 @!p1 $0x1082;
	[sflag:s4] =	ssyncset.s32 $0xFFFFF086  }
0x25: {  	[simem:s6], [sflag:s4] =	dma.local [hbm:s3], $0xF7A  }
0x26: {  	[smem:$0x3F99] =	sst s1;
	(tag) =	ssettag s2;
	_ =	strace s9  }
0x27: {  	s1 =	sld [smem:$0x3FA9]  }
0x28: {  	s2 =	sld [smem:$0x3FAA]  }
0x29: {  	s4 =	sld [smem:$0x3FAC]  }
0x2a: {  	p0 =	seq.s32 s5, $0x0;
	s5 =	sld [smem:$0x3FAD]  }
0x2b: {  	s6 =	sld [smem:$0x3FAE]  }
0x2c: {  	s7 =	sld [smem:$0x3FAF]  }
0x2d: {  	s3 =	simm.s32 $0x108;
	s8 =	sld [smem:$0x3FB0]  }
0x2e: {  	s3 =	simm.s32 @!p0 $0x1082;
	s9 =	sld [smem:$0x3FB1]  }
0x2f: {  	lr =	sadd.s32 s0, s3;
	s0 =	sld [smem:$0x3FA8]  }
0x30: {  	s3 =	sld [smem:$0x3FAB]  }
0x31: {  	[smem:$0x3FB4] =	sst s10  }
0x32: {  	s10 =	sld [smem:$0x3FB2];
	_ =	sdelay $0x3  }
0x33: {  	p0 =	seq.s32 s10, $0x1;
	s10 =	sld [smem:$0x3FB4];
	_ =	sdelay $0x3  }
0x34: {  	[smem:$0x3FB4] =	sst s10  }
0x35: {  	s10 =	sld [smem:$0x3FB3];
	_ =	sdelay $0x3  }
0x36: {  	p1 =	seq.s32 s10, $0x1;
	s10 =	sld [smem:$0x3FB4];
	_ =	sdelay $0x3  }
0x37: {  	[smem:$0x3FB4] =	sst s10  }
0x38: {  	s10 =	sld [smem:$0x3FB5]  }
0x39: {  	_ = 	snop;
	(pc) =	sbr.ind lr, $3  }
0x3a: {  	_ = 	snop  }
0x3b: {  	_ = 	snop  }
0x3c: {  	p2 =	seq.s32 s10, $0x1;
	s10 =	sld [smem:$0x3FB4]  }
0x3d: {  	_ =	shalt  }
0x3e: {  	_ =	shalt  }
0x3f: {  	_ =	shalt  }
0x40: {  	_ =	shalt  }
0x41: {  	_ =	shalt  }
0x42: {  	_ =	shalt  }
0x43: {  	_ =	shalt  }
0x44: {  	_ =	shalt  }
0x45: {  	_ =	shalt  }
0x46: {  	_ =	shalt  }
0x47: {  	_ =	shalt  }
0x48: {  	_ =	shalt  }
0x49: {  	_ =	shalt  }
0x4a: {  	_ =	shalt  }
0x4b: {  	_ =	shalt  }
0x4c: {  	_ =	shalt  }
0x4d: {  	_ =	shalt  }
0x4e: {  	_ =	shalt  }
0x4f: {  	_ =	shalt  }
0x50: {  	_ =	shalt  }
0x51: {  	_ =	shalt  }
0x52: {  	_ =	shalt  }
0x53: {  	_ =	shalt  }
0x54: {  	_ =	shalt  }
0x55: {  	_ =	shalt  }
0x56: {  	_ =	shalt  }
0x57: {  	_ =	shalt  }
0x58: {  	_ =	shalt  }
0x59: {  	_ =	shalt  }
0x5a: {  	_ =	shalt  }
0x5b: {  	_ =	shalt  }
0x5c: {  	_ =	shalt  }
0x5d: {  	_ =	shalt  }
0x5e: {  	_ =	shalt  }
0x5f: {  	_ =	shalt  }
0x60: {  	_ =	shalt  }
0x61: {  	_ =	shalt  }
0x62: {  	_ =	shalt  }
0x63: {  	_ =	shalt  }
0x64: {  	_ =	shalt  }
0x65: {  	_ =	shalt  }
0x66: {  	_ =	shalt  }
0x67: {  	_ =	shalt  }
0x68: {  	_ =	shalt  }
0x69: {  	_ =	shalt  }
0x6a: {  	_ =	shalt  }
0x6b: {  	_ =	shalt  }
0x6c: {  	_ =	shalt  }
0x6d: {  	_ =	shalt  }
0x6e: {  	_ =	shalt  }
0x6f: {  	_ =	shalt  }
0x70: {  	_ =	shalt  }
0x71: {  	_ =	shalt  }
0x72: {  	_ =	shalt  }
0x73: {  	_ =	shalt  }
0x74: {  	_ =	shalt  }
0x75: {  	_ =	shalt  }
0x76: {  	_ =	shalt  }
0x77: {  	_ =	shalt  }
0x78: {  	_ =	shalt  }
0x79: {  	_ =	shalt  }
0x7a: {  	_ =	shalt  }
0x7b: {  	_ =	shalt  }
0x7c: {  	_ =	shalt  }
0x7d: {  	_ =	shalt  }
0x7e: {  	_ =	shalt  }
0x7f: {  	_ =	shalt  }
0x80: {  	_ =	shalt  }
0x81: {  	_ =	shalt  }
0x82: {  	_ =	shalt  }
0x83: {  	_ =	shalt  }
0x84: {  	_ =	shalt  }
0x85: {  	_ =	shalt  }
0x86: {  	_ =	shalt  }
0x87: {  	_ =	shalt  }
.Lfunc_end0:
.L_simem_size_0:
called_computation_lowered:
.L_overlay_start_0:
0x88: {  	s2 =	sld [smem:$0x3FD9]  }
0x89: {  	s3 =	sld [smem:$0x3FFE];
	_ =	sdelay $0x1  }
0x8a: {  	s1 =	srdreg.scid  }
0x8b: {  	s0 =	sand.u32 $0x1, s1  }
0x8c: {  	s17 =	sshll.u32 s0, $0xA;
	s2 =	sadd.s32 s3, s2  }
0x8d: {  	s2 =	sadd.s32 s2, s17  }
0x8e: {  	[smem:$0x3FC0] =	sst s2  }
0x8f: {  	_ = 	snop  }
0x90: {  	s2 =	sld [smem:$0x3FC8];
	(tm) =	ssettm $0x1  }
0x91: {  	s18 =	sld [smem:$0x3FFB];
	_ =	sdelay $0x3  }
0x92: {  	_ =	strace s18  }
0x93: {  	s3 =	sld [smem:$0x3FFC];
	_ =	sdelay $0x3  }
0x94: {  	_ =	strace s3  }
0x95: {  	s3 =	sld [smem:$0x3FFD];
	_ =	sdelay $0x3  }
0x96: {  	_ =	strace s3  }
0x97: {  	_ =	strace $0x8FFFFFFF  }
0x98: {  	s19 =	sld [smem:$0x3FDB];
	_ =	sdelay $0x1  }
0x99: {  	s4 =	simm.s32 $_scs_section_size  }
0x9a: {  	s5 =	simm.s32 $_size__tile_overlayer_lowered;
	s6 =	simm.s32 $_tile_overlayer_lowered  }
0x9b: {  	s22 =	simm.s32 $0x1BFF;
	s21 =	sshll.u32 s6, $0x1;
	s3 =	sadd.s32 s4, s19  }
0x9c: {  	s7 =	simm.s32 $0x0;
	s20 =	sshll.u32 s5, $0x1;
	s5 =	sadd.s32 s21, s3  }
0x9d: {  	[timem:s7], [sflag:s22] =	dma.local [hbm:s5], s20  }
0x9e: {  	_ =	swait.ge [sflag:s22], s20  }
0x9f: {  	s4 =	ssub.s32 $0x0, s20;
	[sflag:s22] =	ssyncset.done $0x0  }
0xa0: {  	[sflag:s22] =	ssyncadd.s32 s4;
	_ =	sdelay $0x1  }
0xa1: {  	s23 =	simm.s32 $0x1B8B  }
0xa2: {  	_ =	swait.ge [sflag:s23], $0x1  }
0xa3: {  	[sflag:s23] =	ssyncset.done $0x0  }
0xa4: {  	s25 =	simm.s32 $0x1B8E;
	s24 =	sld [smem:$0x3FFE];
	[sflag:s23] =	ssyncadd.s32 $0xFFFFFFFF  }
0xa5: {  	s26 =	simm.s32 $execute0_lowered;
	[smem:$0x3FD2] =	sst s25  }
0xa6: {  	s5 =	sshll.u32 s26, $0x1;
	_ =	strace $0x80000046;
	[dreg:$0x1] =	wrdreg $0xFFFFFFFF  }
0xa7: {  	s28 =	simm.s32 $_size_execute0_lowered;
	s3 =	sadd.s32 s3, s5;
	[dreg:$0x0] =	wrdreg $0x0  }
0xa8: {  	s5 =	sshll.u32 s28, $0x1;
	[dreg:$0x2] =	wrdreg s3  }
0xa9: {  	[dreg:$0x3] =	wrdreg s5  }
0xaa: {  	[dreg:$0x4] =	wrdreg $0xC0  }
0xab: {  	_ =	task [dreg:s7], $0x5FFFF  }
0xac: {  	[dreg:$0x1] =	wrdreg $0xFFFFFFFF  }
0xad: {  	[dreg:$0x0] =	wrdreg $0x60  }
0xae: {  	[dreg:$0x2] =	wrdreg s2  }
0xaf: {  	[dreg:$0x3] =	wrdreg s24  }
0xb0: {  	[dreg:$0x4] =	wrdreg $0x9  }
0xb1: {  	_ =	task.clear_ibuf [dreg:s7], $0x5FFFF;
	_ =	strace $0x90000046  }
0xb2: {  	s29 =	simm.s32 $0x9;
	_ =	strace $0x80000048  }
0xb3: {  	_ =	swait.ge [sflag:s29], $0x1  }
0xb4: {  	[sflag:s29] =	ssyncadd.s32 $0xFFFFFFFF  }
0xb5: {  	_ =	strace $0x90000048  }
0xb6: {  	_ =	sfence  }
0xb7: {  	s30 =	sld [smem:$0x0];
	_ =	sdelay $0x2  }
0xb8: {  	s31 =	sshll.u32 s1, $0xD;
	s1 =	sshrl.u32 s1, $0x2  }
0xb9: {  	s3 =	sand.u32 $0x4000, s31;
	s1 =	sadd.s32 s1, s30  }
0xba: {  	s0 =	sor.u32 s3, s0;
	s1 =	sshll.u32 s1, $0x11  }
0xbb: {  	s0 =	sor.u32 s1, s0  }
0xbc: {  	s0 =	sadd.s32 $0x8F2B, s0  }
0xbd: {  	[sflag:s0] =	ssyncadd.remote.s32 $0x1  }
0xbe: {  	_ =	sfence.sel $0xFFFF  }
0xbf: {  	[dreg:$0x0] =	wrdreg $0xFFFFFFFF;
	(pc) =	sbr.abs _section_cstart, $3  }
0xc0: {  	[dreg:$0x1] =	wrdreg $0xFFFFFFFF  }
0xc1: {  	_ =	task.clear_ibuf [dreg:s7], $0x2FFFF;
	_ =	strace $0x9FFFFFFF  }
0xc2: {  	(tm) =	ssettm $0x7FFFFFFF  }
0xc3: {  	_ =	shalt  }
tec
execute0_lowered:
.L_overlay_start_1:
0x0: {  	(tag) =	ssettag $0x1  }
0x1: {  	s1 =	srdreg.scid;
	s4 =	rddreg [dreg:$0x0]  }
0x2: {  	s0 =	stileid.u32;
	s5 =	rddreg [dreg:$0x1];
	s2 =	simm.s32 $0x0  }
0x3: {  	s9 =	simm.s32 $0x5200;
	s11 =	simm.s32 $0x400;
	s12 =	simm.s32 $0x2  }
0x4: {  	s13 =	simm.s32 $0x0;
	s3 =	sand.u32 $0x1, s1;
	s1 =	rddreg [dreg:$0x2]  }
0x5: {  	s28 =	sshll.u32 s0, $0x1;
	s29 =	sshrl.u32 s0, $0x2;
	[smem:$0x7FF] =	sst s2  }
0x6: {  	s10 =	sor.u32 s3, s28;
	s6 =	smul.u32 $0x14000, s29;
	s3 =	ssub.s32 $0x2, s3  }
0x7: {  	_ =	strace $0x80000047;
	s7 =	sshll.u32 s10, $0x7;
	s8 =	smul.u32 $0x9C0, s10  }
.Ltmp0:
0x8: {  	s30 =	sshrl.u32 s3, $0x1;
	s7 =	sand.u32 $0x380, s7;
	(pc) =	sbr.rel .LBB2_1-.Ltmp0, $4  }
0x9: {  	p0 =	sne.s32 s10, $0x1F;
	s10 =	simm.s32 $0x80;
	s6 =	sor.u32 s6, s7  }
0xa: {  	s31 =	ssub.s32 s3, s30;
	s3 =	sadd.s32 s4, s8;
	s6 =	sshrl.u32 s6, $0x3  }
0xb: {  	s4 =	sadd.s32 $0x13800, s4;
	s7 =	simm.s32 $0x4E00;
	s5 =	sadd.s32 s6, s5  }
0xc: {  	v0 =	vimm.f32 $0.0e+00;
	v1 =	vimm.f32 $1.000000000e+00;
	s8 =	simm.s32 $0x1;
	s6 =	smax.u32 s31, $0x1;
	s5 =	sadd.s32 $0x3800, s5  }
.LBB2_8:
0xd: {  	_ =	sdelay $0x3  }
0xe: {  	[tilespmem:v2+s9+$0x0] =	vst.idx.add.f32.msk $0xffff, v1  }
.LBB2_9:
0xf: {  	s13 =	sadd.s32 $0x1, s13  }
0x10: {  	p1 =	sne.s32 s13, s6  }
.Ltmp1:
0x11: {  	_ = 	snop;
	(pc) =	sbr.rel @!p1 .LBB2_10-.Ltmp1, $4  }
0x12: {  	[hbm4b:s5+s10] =	stream.strided.scatter [tilespmem:s9], [sflag:$0x2], $0x2800, s11, s10, $0x38;
	[tilespmem:$0x7A00] =	vst v63  }
0x13: {  	_ =	swait.ge [sflag:s12], $0x2800  }
0x14: {  	[sflag:s12] =	ssyncset.done $0x0  }
0x15: {  	[sflag:s12] =	ssyncadd.s32 $0xFFFFD800  }
.LBB2_1:
0x16: {  	[tilespmem:s2], [sflag:$0x1] =	stream.linear.gather [hbm4b:s3+s2], $0x4E00, $0x38;
	[tilespmem:$0x7A00] =	vst v63  }
0x17: {  	s14 =	simm.s32 $0x5240  }
0x18: {  	[tilespmem:s7], [sflag:$0x1] =	stream.linear.gather [hbm4b:s4+s2], $0x400, $0x38;
	[tilespmem:$0x7A00] =	vst v63  }
0x19: {  	[tilespmem:s14+$0xFFFFFFC0] =	vst v0  }
0x1a: {  	[tilespmem:s14+$0x30] =	vst v0  }
0x1b: {  	[tilespmem:s14+$0x20] =	vst v0  }
0x1c: {  	[tilespmem:s14+$0x10] =	vst v0  }
0x1d: {  	[tilespmem:s14+$0x0] =	vst v0  }
0x1e: {  	[tilespmem:s14+$0xFFFFFFF0] =	vst v0  }
0x1f: {  	s15 =	simm.s32 $0x0;
	[tilespmem:s14+$0xFFFFFFE0] =	vst v0  }
.LBB2_2:
0x20: {  	s15 =	sadd.s32 $0x8, s15;
	[tilespmem:s14+$0xFFFFFFD0] =	vst v0;
	s14 =	sadd.s32 $0x80, s14  }
0x21: {  	[tilespmem:s14+$0xFFFFFFC0] =	vst v0;
	p1 =	slt.u32 s15, $0x278  }
0x22: {  	[tilespmem:s14+$0x30] =	vst v0  }
.Ltmp2:
0x23: {  	[tilespmem:s14+$0x20] =	vst v0;
	(pc) =	sbr.rel @p1 .LBB2_2-.Ltmp2, $4  }
0x24: {  	[tilespmem:s14+$0x10] =	vst v0  }
0x25: {  	[tilespmem:s14+$0x0] =	vst v0  }
0x26: {  	[tilespmem:s14+$0xFFFFFFF0] =	vst v0  }
0x27: {  	[tilespmem:s14+$0xFFFFFFE0] =	vst v0  }
0x28: {  	[tilespmem:s14+$0xFFFFFFD0] =	vst v0  }
0x29: {  	_ =	swait.ge [sflag:s8], $0x4E00  }
0x2a: {  	[sflag:s8] =	ssyncset.done $0x0  }
0x2b: {  	[sflag:s8] =	ssyncadd.s32 $0xFFFFB200  }
0x2c: {  	_ =	swait.ge [sflag:s8], $0x400  }
0x2d: {  	[sflag:s8] =	ssyncset.done $0x0  }
0x2e: {  	s14 =	simm.s32 $0xF0;
	[sflag:s8] =	ssyncadd.s32 $0xFFFFFC00  }
0x2f: {  	v3 =	vld [tilespmem:s14+$0xFFFFFF90]  }
0x30: {  	v4 =	vld [tilespmem:s14+$0x0]  }
0x31: {  	v5 =	vld [tilespmem:s14+$0xFFFFFFF0]  }
0x32: {  	v6 =	vld [tilespmem:s14+$0xFFFFFFE0]  }
0x33: {  	v7 =	vld [tilespmem:s14+$0xFFFFFFD0]  }
0x34: {  	v8 =	vld [tilespmem:s14+$0xFFFFFFC0]  }
0x35: {  	v9 =	vld [tilespmem:s14+$0xFFFFFFB0]  }
0x36: {  	v2 =	vld [tilespmem:s14+$0xFFFFFFA0]  }
0x37: {  	[tilespmem:v3+s9+$0x0] =	vst.idx.add.f32.msk $0xffff, v1  }
0x38: {  	[tilespmem:v4+s9+$0x0] =	vst.idx.add.f32.msk $0xffff, v1  }
0x39: {  	[tilespmem:v5+s9+$0x0] =	vst.idx.add.f32.msk $0xffff, v1  }
0x3a: {  	[tilespmem:v6+s9+$0x0] =	vst.idx.add.f32.msk $0xffff, v1  }
0x3b: {  	[tilespmem:v7+s9+$0x0] =	vst.idx.add.f32.msk $0xffff, v1  }
0x3c: {  	[tilespmem:v8+s9+$0x0] =	vst.idx.add.f32.msk $0xffff, v1  }
0x3d: {  	s15 =	simm.s32 $0x0;
	[tilespmem:v9+s9+$0x0] =	vst.idx.add.f32.msk $0xffff, v1  }
.LBB2_4:
0x3e: {  	s15 =	sadd.s32 $0x8, s15;
	[tilespmem:v2+s9+$0x0] =	vst.idx.add.f32.msk $0xffff, v1;
	s14 =	sadd.s32 $0x100, s14  }
0x3f: {  	v3 =	vld [tilespmem:s14+$0xFFFFFF90];
	p1 =	slt.u32 s15, $0x268  }
0x40: {  	v4 =	vld [tilespmem:s14+$0x0]  }
0x41: {  	v5 =	vld [tilespmem:s14+$0xFFFFFFF0]  }
0x42: {  	v6 =	vld [tilespmem:s14+$0xFFFFFFE0]  }
0x43: {  	v7 =	vld [tilespmem:s14+$0xFFFFFFD0]  }
0x44: {  	v8 =	vld [tilespmem:s14+$0xFFFFFFC0]  }
0x45: {  	v9 =	vld [tilespmem:s14+$0xFFFFFFB0]  }
0x46: {  	v2 =	vld [tilespmem:s14+$0xFFFFFFA0]  }
0x47: {  	[tilespmem:v3+s9+$0x0] =	vst.idx.add.f32.msk $0xffff, v1  }
0x48: {  	[tilespmem:v4+s9+$0x0] =	vst.idx.add.f32.msk $0xffff, v1  }
.Ltmp3:
0x49: {  	[tilespmem:v5+s9+$0x0] =	vst.idx.add.f32.msk $0xffff, v1;
	(pc) =	sbr.rel @p1 .LBB2_4-.Ltmp3, $4  }
0x4a: {  	[tilespmem:v6+s9+$0x0] =	vst.idx.add.f32.msk $0xffff, v1  }
0x4b: {  	[tilespmem:v7+s9+$0x0] =	vst.idx.add.f32.msk $0xffff, v1  }
0x4c: {  	[tilespmem:v8+s9+$0x0] =	vst.idx.add.f32.msk $0xffff, v1  }
0x4d: {  	[tilespmem:v9+s9+$0x0] =	vst.idx.add.f32.msk $0xffff, v1  }
.Ltmp4:
0x4e: {  	_ = 	snop;
	(pc) =	sbr.rel @p0 .LBB2_9-.Ltmp4, $2  }
0x4f: {  	_ =	sdelay $0x2  }
0x50: {  	[tilespmem:v2+s9+$0x0] =	vst.idx.add.f32.msk $0xffff, v1  }
0x51: {  	s14 =	simm.s32 $0x4EF0  }
0x52: {  	v3 =	vld [tilespmem:s14+$0xFFFFFF90]  }
0x53: {  	v4 =	vld [tilespmem:s14+$0x0]  }
0x54: {  	v5 =	vld [tilespmem:s14+$0xFFFFFFF0]  }
0x55: {  	v6 =	vld [tilespmem:s14+$0xFFFFFFE0]  }
0x56: {  	v7 =	vld [tilespmem:s14+$0xFFFFFFD0]  }
0x57: {  	v8 =	vld [tilespmem:s14+$0xFFFFFFC0]  }
0x58: {  	v9 =	vld [tilespmem:s14+$0xFFFFFFB0]  }
0x59: {  	v2 =	vld [tilespmem:s14+$0xFFFFFFA0]  }
0x5a: {  	[tilespmem:v3+s9+$0x0] =	vst.idx.add.f32.msk $0xffff, v1  }
0x5b: {  	[tilespmem:v4+s9+$0x0] =	vst.idx.add.f32.msk $0xffff, v1  }
0x5c: {  	[tilespmem:v5+s9+$0x0] =	vst.idx.add.f32.msk $0xffff, v1  }
0x5d: {  	[tilespmem:v6+s9+$0x0] =	vst.idx.add.f32.msk $0xffff, v1  }
0x5e: {  	[tilespmem:v7+s9+$0x0] =	vst.idx.add.f32.msk $0xffff, v1  }
0x5f: {  	[tilespmem:v8+s9+$0x0] =	vst.idx.add.f32.msk $0xffff, v1  }
0x60: {  	s15 =	simm.s32 $0x270;
	[tilespmem:v9+s9+$0x0] =	vst.idx.add.f32.msk $0xffff, v1  }
.LBB2_7:
0x61: {  	s15 =	sadd.s32 $0x8, s15;
	[tilespmem:v2+s9+$0x0] =	vst.idx.add.f32.msk $0xffff, v1;
	s14 =	sadd.s32 $0x100, s14  }
0x62: {  	v3 =	vld [tilespmem:s14+$0xFFFFFF90];
	p1 =	slt.u32 s15, $0x288  }
0x63: {  	v4 =	vld [tilespmem:s14+$0x0]  }
0x64: {  	v5 =	vld [tilespmem:s14+$0xFFFFFFF0]  }
0x65: {  	v6 =	vld [tilespmem:s14+$0xFFFFFFE0]  }
0x66: {  	v7 =	vld [tilespmem:s14+$0xFFFFFFD0]  }
0x67: {  	v8 =	vld [tilespmem:s14+$0xFFFFFFC0]  }
0x68: {  	v9 =	vld [tilespmem:s14+$0xFFFFFFB0]  }
0x69: {  	v2 =	vld [tilespmem:s14+$0xFFFFFFA0]  }
0x6a: {  	[tilespmem:v3+s9+$0x0] =	vst.idx.add.f32.msk $0xffff, v1  }
0x6b: {  	[tilespmem:v4+s9+$0x0] =	vst.idx.add.f32.msk $0xffff, v1  }
.Ltmp5:
0x6c: {  	[tilespmem:v5+s9+$0x0] =	vst.idx.add.f32.msk $0xffff, v1;
	(pc) =	sbr.rel @p1 .LBB2_7-.Ltmp5, $4  }
0x6d: {  	[tilespmem:v6+s9+$0x0] =	vst.idx.add.f32.msk $0xffff, v1  }
0x6e: {  	[tilespmem:v7+s9+$0x0] =	vst.idx.add.f32.msk $0xffff, v1  }
0x6f: {  	[tilespmem:v8+s9+$0x0] =	vst.idx.add.f32.msk $0xffff, v1  }
0x70: {  	[tilespmem:v9+s9+$0x0] =	vst.idx.add.f32.msk $0xffff, v1  }
.Ltmp6:
0x71: {  	_ = 	snop;
	(pc) =	sbr.rel .LBB2_8-.Ltmp6, $1  }
0x72: {  	_ =	sdelay $0x3  }
.LBB2_10:
0x73: {  	_ =	sfence.sel $0x180000  }
0x74: {  	[bflag:$0x0] =	sbarrier.arrive $0xFFFF  }
0x75: {  	p0 =	sne.s32 s0, $0x0;
	_ =	strace $0x90000047  }
0x76: {  	s0 =	sadd.s32 @!p0 $0x100000, s1;
	[bflag:$0x2] =	sbarrier.arrive $0xFFFF  }
0x77: {  	[sflag:s0] =	ssyncadd.tile.s32 @!p0 $0x1;
	_ =	shalt  }
.Lfunc_end2:
_tile_overlayer_lowered:
.L_overlay_start_2:
0x78: {  	(tag) =	ssettag $0x2  }
0x79: {  	s0 =	rddreg [dreg:$0x0];
	s2 =	stileid.u32  }
0x7a: {  	s1 =	rddreg [dreg:$0x1];
	p0 =	sne.s32 s2, $0x0  }
0x7b: {  	s3 =	rddreg [dreg:$0x2];
	[bflag:$0x3] =	sbarrier.arrive $0xFFFF;
	s2 =	simm.s32 @!p0 $0x1C02  }
0x7c: {  	[timem:s3], [sflag:s2] =	dma.local @!p0 [hbm:s0], s1  }
0x7d: {  	s0 =	simm.s32 @!p0 $0x2  }
0x7e: {  	_ =	swait.ge @!p0 [sflag:s0], s1  }
0x7f: {  	s1 =	ssub.s32 @!p0 $0x0, s1;
	[sflag:s0] =	ssyncset.done @!p0 $0x0  }
0x80: {  	[sflag:s0] =	ssyncadd.s32 @!p0 s1  }
0x81: {  	[bflag:$0x3] =	sbarrier.arrive $0xFFFF  }
0x82: {  	_ =	shalt  }

// kernel: kernel.14.cloned.1.call-start
scs
__scs_entry_jumppad:
0x0: {  	(pc) =	sbr.rel $0x88, $3  }
0x1: {  	(tag) =	ssettag $0x0;
	lr =	simm.s32 $0x1  }
0x2: {  	[smem:$0x3F99] =	sst lr;
	_ =	strace $0xD0000000  }
0x3: {  	_ = 	snop  }
0x4: {  	_ = 	snop  }
0x5: {  	_ = 	snop  }
0x6: {  	_ = 	snop  }
0x7: {  	_ = 	snop  }
__scs_overlays_trampoline_lowered:
0x8: {  	[smem:$0x3FA8] =	sst s0  }
0x9: {  	[smem:$0x3FA9] =	sst s1  }
0xa: {  	[smem:$0x3FAA] =	sst s2  }
0xb: {  	[smem:$0x3FAB] =	sst s3  }
0xc: {  	[smem:$0x3FAC] =	sst s4  }
0xd: {  	[smem:$0x3FAD] =	sst s5  }
0xe: {  	[smem:$0x3FAE] =	sst s6  }
0xf: {  	[smem:$0x3FAF] =	sst s7  }
0x10: {  	[smem:$0x3FB0] =	sst s8  }
0x11: {  	[smem:$0x3FB1] =	sst s9;
	s0 =	simm.s32 @!p0 $0x0  }
0x12: {  	s1 =	sld [smem:$0x3F97];
	s0 =	simm.s32 @p0 $0x1  }
0x13: {  	[smem:$0x3FB2] =	sst s0;
	s0 =	simm.s32 @!p1 $0x0  }
0x14: {  	s2 =	sld [smem:$0x3F96];
	s0 =	simm.s32 @p1 $0x1  }
0x15: {  	[smem:$0x3FB3] =	sst s0;
	s0 =	simm.s32 @!p2 $0x0  }
0x16: {  	s3 =	sld [smem:$0x3FDB];
	s0 =	simm.s32 @p2 $0x1  }
0x17: {  	s4 =	simm.s32 $0x1BF5;
	[smem:$0x3FB5] =	sst s0  }
0x18: {  	s0 =	sld [smem:$0x3F98];
	_ =	swait.ge [sflag:s4], $0x0  }
0x19: {  	s7 =	sld [smem:$0x3F99]  }
0x1a: {  	s8 =	sadd.s32 $0xFFFFE003, lr  }
0x1b: {  	s9 =	sadd.s32 $0xFFFFFEF7, lr;
	s5 =	simm.s32 $0xFFFFFFFF;
	p2 =	slt.u32 s8, $0xFFFFF086  }
0x1c: {  	p1 =	slt.u32 s9, $0xF7A;
	s5 =	simm.s32 @!p2 $0x0  }
0x1d: {  	s5 =	simm.s32 @p1 $0x1;
	p0 =	seq.s32 s7, s2  }
0x1e: {  	s7 =	smul.u32 @!p0 $0xF7A, s2;
	p2 =	seq.s32 @!p0 s5, $0x0  }
0x1f: {  	s9 =	smul.u32 $0xF7A, s1;
	s8 =	simm.s32 @!p0 $0x1BF5;
	p2 =	por !p2, p0  }
0x20: {  	[sflag:s8] =	ssyncset.s32 @!p0 $0xFFFFF086;
	s6 =	sadd.s32 @!p0 s3, s7;
	s7 =	simm.s32 @!p0 $0x108  }
0x21: {  	s3 =	sadd.s32 s3, s9;
	s6 =	sadd.s32 @!p0 $0x88, s6;
	s7 =	simm.s32 @p2 $0x1082  }
0x22: {  	[simem:s7], [sflag:s8] =	dma.local @!p0 [hbm:s6], $0xF7A  }
0x23: {  	s9 =	sor.u32 $0xD0000000, s2;
	s6 =	simm.s32 $0x108;
	_ =	swait.ge @!p0 [sflag:s8], $0x0  }
0x24: {  	s3 =	sadd.s32 $0x88, s3;
	s6 =	simm.s32 @!p1 $0x1082;
	[sflag:s4] =	ssyncset.s32 $0xFFFFF086  }
0x25: {  	[simem:s6], [sflag:s4] =	dma.local [hbm:s3], $0xF7A  }
0x26: {  	[smem:$0x3F99] =	sst s1;
	(tag) =	ssettag s2;
	_ =	strace s9  }
0x27: {  	s1 =	sld [smem:$0x3FA9]  }
0x28: {  	s2 =	sld [smem:$0x3FAA]  }
0x29: {  	s4 =	sld [smem:$0x3FAC]  }
0x2a: {  	p0 =	seq.s32 s5, $0x0;
	s5 =	sld [smem:$0x3FAD]  }
0x2b: {  	s6 =	sld [smem:$0x3FAE]  }
0x2c: {  	s7 =	sld [smem:$0x3FAF]  }
0x2d: {  	s3 =	simm.s32 $0x108;
	s8 =	sld [smem:$0x3FB0]  }
0x2e: {  	s3 =	simm.s32 @!p0 $0x1082;
	s9 =	sld [smem:$0x3FB1]  }
0x2f: {  	lr =	sadd.s32 s0, s3;
	s0 =	sld [smem:$0x3FA8]  }
0x30: {  	s3 =	sld [smem:$0x3FAB]  }
0x31: {  	[smem:$0x3FB4] =	sst s10  }
0x32: {  	s10 =	sld [smem:$0x3FB2];
	_ =	sdelay $0x3  }
0x33: {  	p0 =	seq.s32 s10, $0x1;
	s10 =	sld [smem:$0x3FB4];
	_ =	sdelay $0x3  }
0x34: {  	[smem:$0x3FB4] =	sst s10  }
0x35: {  	s10 =	sld [smem:$0x3FB3];
	_ =	sdelay $0x3  }
0x36: {  	p1 =	seq.s32 s10, $0x1;
	s10 =	sld [smem:$0x3FB4];
	_ =	sdelay $0x3  }
0x37: {  	[smem:$0x3FB4] =	sst s10  }
0x38: {  	s10 =	sld [smem:$0x3FB5]  }
0x39: {  	_ = 	snop;
	(pc) =	sbr.ind lr, $3  }
0x3a: {  	_ = 	snop  }
0x3b: {  	_ = 	snop  }
0x3c: {  	p2 =	seq.s32 s10, $0x1;
	s10 =	sld [smem:$0x3FB4]  }
0x3d: {  	_ =	shalt  }
0x3e: {  	_ =	shalt  }
0x3f: {  	_ =	shalt  }
0x40: {  	_ =	shalt  }
0x41: {  	_ =	shalt  }
0x42: {  	_ =	shalt  }
0x43: {  	_ =	shalt  }
0x44: {  	_ =	shalt  }
0x45: {  	_ =	shalt  }
0x46: {  	_ =	shalt  }
0x47: {  	_ =	shalt  }
0x48: {  	_ =	shalt  }
0x49: {  	_ =	shalt  }
0x4a: {  	_ =	shalt  }
0x4b: {  	_ =	shalt  }
0x4c: {  	_ =	shalt  }
0x4d: {  	_ =	shalt  }
0x4e: {  	_ =	shalt  }
0x4f: {  	_ =	shalt  }
0x50: {  	_ =	shalt  }
0x51: {  	_ =	shalt  }
0x52: {  	_ =	shalt  }
0x53: {  	_ =	shalt  }
0x54: {  	_ =	shalt  }
0x55: {  	_ =	shalt  }
0x56: {  	_ =	shalt  }
0x57: {  	_ =	shalt  }
0x58: {  	_ =	shalt  }
0x59: {  	_ =	shalt  }
0x5a: {  	_ =	shalt  }
0x5b: {  	_ =	shalt  }
0x5c: {  	_ =	shalt  }
0x5d: {  	_ =	shalt  }
0x5e: {  	_ =	shalt  }
0x5f: {  	_ =	shalt  }
0x60: {  	_ =	shalt  }
0x61: {  	_ =	shalt  }
0x62: {  	_ =	shalt  }
0x63: {  	_ =	shalt  }
0x64: {  	_ =	shalt  }
0x65: {  	_ =	shalt  }
0x66: {  	_ =	shalt  }
0x67: {  	_ =	shalt  }
0x68: {  	_ =	shalt  }
0x69: {  	_ =	shalt  }
0x6a: {  	_ =	shalt  }
0x6b: {  	_ =	shalt  }
0x6c: {  	_ =	shalt  }
0x6d: {  	_ =	shalt  }
0x6e: {  	_ =	shalt  }
0x6f: {  	_ =	shalt  }
0x70: {  	_ =	shalt  }
0x71: {  	_ =	shalt  }
0x72: {  	_ =	shalt  }
0x73: {  	_ =	shalt  }
0x74: {  	_ =	shalt  }
0x75: {  	_ =	shalt  }
0x76: {  	_ =	shalt  }
0x77: {  	_ =	shalt  }
0x78: {  	_ =	shalt  }
0x79: {  	_ =	shalt  }
0x7a: {  	_ =	shalt  }
0x7b: {  	_ =	shalt  }
0x7c: {  	_ =	shalt  }
0x7d: {  	_ =	shalt  }
0x7e: {  	_ =	shalt  }
0x7f: {  	_ =	shalt  }
0x80: {  	_ =	shalt  }
0x81: {  	_ =	shalt  }
0x82: {  	_ =	shalt  }
0x83: {  	_ =	shalt  }
0x84: {  	_ =	shalt  }
0x85: {  	_ =	shalt  }
0x86: {  	_ =	shalt  }
0x87: {  	_ =	shalt  }
.Lfunc_end0:
.L_simem_size_0:
called_computation.1_lowered:
.L_overlay_start_0:
0x88: {  	s2 =	sld [smem:$0x3FD9]  }
0x89: {  	s3 =	sld [smem:$0x3FFE];
	_ =	sdelay $0x1  }
0x8a: {  	s1 =	srdreg.scid  }
0x8b: {  	s0 =	sand.u32 $0x1, s1  }
0x8c: {  	s17 =	sshll.u32 s0, $0xA;
	s2 =	sadd.s32 s3, s2  }
0x8d: {  	s2 =	sadd.s32 s2, s17  }
0x8e: {  	[smem:$0x3FC0] =	sst s2  }
0x8f: {  	_ = 	snop  }
0x90: {  	s2 =	sld [smem:$0x3FC8];
	(tm) =	ssettm $0x1  }
0x91: {  	s18 =	sld [smem:$0x3FFB];
	_ =	sdelay $0x3  }
0x92: {  	_ =	strace s18  }
0x93: {  	s3 =	sld [smem:$0x3FFC];
	_ =	sdelay $0x3  }
0x94: {  	_ =	strace s3  }
0x95: {  	s3 =	sld [smem:$0x3FFD];
	_ =	sdelay $0x3  }
0x96: {  	_ =	strace s3  }
0x97: {  	_ =	strace $0x8FFFFFFF  }
0x98: {  	s19 =	sld [smem:$0x3FDB];
	_ =	sdelay $0x1  }
0x99: {  	s4 =	simm.s32 $_scs_section_size  }
0x9a: {  	s5 =	simm.s32 $_size__tile_overlayer_lowered;
	s6 =	simm.s32 $_tile_overlayer_lowered  }
0x9b: {  	s22 =	simm.s32 $0x1BFF;
	s21 =	sshll.u32 s6, $0x1;
	s3 =	sadd.s32 s4, s19  }
0x9c: {  	s7 =	simm.s32 $0x0;
	s20 =	sshll.u32 s5, $0x1;
	s5 =	sadd.s32 s21, s3  }
0x9d: {  	[timem:s7], [sflag:s22] =	dma.local [hbm:s5], s20  }
0x9e: {  	_ =	swait.ge [sflag:s22], s20  }
0x9f: {  	s4 =	ssub.s32 $0x0, s20;
	[sflag:s22] =	ssyncset.done $0x0  }
0xa0: {  	[sflag:s22] =	ssyncadd.s32 s4;
	_ =	sdelay $0x1  }
0xa1: {  	s23 =	simm.s32 $0x1B8B  }
0xa2: {  	_ =	swait.ge [sflag:s23], $0x1  }
0xa3: {  	[sflag:s23] =	ssyncset.done $0x0  }
0xa4: {  	s25 =	simm.s32 $0x1B8E;
	s24 =	sld [smem:$0x3FFE];
	[sflag:s23] =	ssyncadd.s32 $0xFFFFFFFF  }
0xa5: {  	s26 =	simm.s32 $execute0_lowered;
	[smem:$0x3FD2] =	sst s25  }
0xa6: {  	s5 =	sshll.u32 s26, $0x1;
	_ =	strace $0x80000049;
	[dreg:$0x1] =	wrdreg $0xFFFFFFFF  }
0xa7: {  	s28 =	simm.s32 $_size_execute0_lowered;
	s3 =	sadd.s32 s3, s5;
	[dreg:$0x0] =	wrdreg $0x0  }
0xa8: {  	s5 =	sshll.u32 s28, $0x1;
	[dreg:$0x2] =	wrdreg s3  }
0xa9: {  	[dreg:$0x3] =	wrdreg s5  }
0xaa: {  	[dreg:$0x4] =	wrdreg $0xC0  }
0xab: {  	_ =	task [dreg:s7], $0x5FFFF  }
0xac: {  	[dreg:$0x1] =	wrdreg $0xFFFFFFFF  }
0xad: {  	[dreg:$0x0] =	wrdreg $0x60  }
0xae: {  	[dreg:$0x2] =	wrdreg s24  }
0xaf: {  	[dreg:$0x3] =	wrdreg s2  }
0xb0: {  	[dreg:$0x4] =	wrdreg $0x9  }
0xb1: {  	_ =	task.clear_ibuf [dreg:s7], $0x5FFFF;
	_ =	strace $0x90000049  }
0xb2: {  	s29 =	simm.s32 $0x9;
	_ =	strace $0x8000004B  }
0xb3: {  	_ =	swait.ge [sflag:s29], $0x1  }
0xb4: {  	[sflag:s29] =	ssyncadd.s32 $0xFFFFFFFF  }
0xb5: {  	_ =	strace $0x9000004B  }
0xb6: {  	_ =	sfence  }
0xb7: {  	s30 =	sld [smem:$0x0];
	_ =	sdelay $0x2  }
0xb8: {  	s31 =	sshll.u32 s1, $0xD;
	s1 =	sshrl.u32 s1, $0x2  }
0xb9: {  	s3 =	sand.u32 $0x4000, s31;
	s1 =	sadd.s32 s1, s30  }
0xba: {  	s0 =	sor.u32 s3, s0;
	s1 =	sshll.u32 s1, $0x11  }
0xbb: {  	s0 =	sor.u32 s1, s0  }
0xbc: {  	s0 =	sadd.s32 $0x8F2B, s0  }
0xbd: {  	[sflag:s0] =	ssyncadd.remote.s32 $0x1  }
0xbe: {  	_ =	sfence.sel $0xFFFF  }
0xbf: {  	[dreg:$0x0] =	wrdreg $0xFFFFFFFF;
	(pc) =	sbr.abs _section_cstart, $3  }
0xc0: {  	[dreg:$0x1] =	wrdreg $0xFFFFFFFF  }
0xc1: {  	_ =	task.clear_ibuf [dreg:s7], $0x2FFFF;
	_ =	strace $0x9FFFFFFF  }
0xc2: {  	(tm) =	ssettm $0x7FFFFFFF  }
0xc3: {  	_ =	shalt  }
tec
execute0_lowered:
.L_overlay_start_1:
0x0: {  	(tag) =	ssettag $0x1  }
0x1: {  	s4 =	rddreg [dreg:$0x0]  }
0x2: {  	s1 =	srdreg.scid;
	s0 =	stileid.u32  }
0x3: {  	s5 =	rddreg [dreg:$0x1];
	s2 =	simm.s32 $0x0;
	s9 =	simm.s32 $0x5200  }
0x4: {  	s10 =	simm.s32 $0x1;
	s3 =	sand.u32 $0x1, s1;
	s6 =	sshll.u32 s0, $0x1  }
0x5: {  	s11 =	simm.s32 $0xF200;
	s1 =	rddreg [dreg:$0x2];
	s12 =	sor.u32 s3, s6  }
0x6: {  	s13 =	simm.s32 $0x0;
	[smem:$0x7FF] =	sst s2;
	s6 =	smul.u32 $0x1400, s12  }
.Ltmp0:
0x7: {  	_ =	strace $0x8000004A;
	s7 =	ssub.s32 $0x2, s3;
	(pc) =	sbr.rel .LBB2_1-.Ltmp0, $4  }
0x8: {  	s3 =	sadd.s32 $0x3800, s4;
	s8 =	smul.u32 $0x9C0, s12;
	s31 =	sshrl.u32 s7, $0x1  }
0x9: {  	p0 =	sne.s32 s12, $0x1F;
	s12 =	simm.s32 $0x2;
	s7 =	ssub.s32 s7, s31  }
0xa: {  	s6 =	sadd.s32 s6, s4;
	s4 =	sadd.s32 s5, s8;
	s5 =	sadd.s32 $0x13800, s5  }
0xb: {  	v0 =	vimm.f32 $0.0e+00;
	s7 =	smax.u32 s7, $0x1;
	s8 =	simm.s32 $0x4E00;
	s6 =	sadd.s32 $0x4C00, s6  }
.LBB2_8:
0xc: {  	s13 =	sadd.s32 $0x1, s13  }
0xd: {  	p1 =	sne.s32 s13, s7  }
.Ltmp1:
0xe: {  	_ = 	snop;
	(pc) =	sbr.rel @!p1 .LBB2_9-.Ltmp1, $4  }
0xf: {  	[hbm4b:s6+s2] =	stream.linear.scatter [tilespmem:s11], [sflag:$0x2], $0xA000, $0x38;
	[tilespmem:$0x19200] =	vst v63  }
0x10: {  	_ =	swait.ge [sflag:s12], $0xA000  }
0x11: {  	[sflag:s12] =	ssyncset.done $0x0  }
0x12: {  	[sflag:s12] =	ssyncadd.s32 $0xFFFF6000  }
.LBB2_1:
0x13: {  	[tilespmem:s2], [sflag:$0x1] =	stream.linear.gather [hbm4b:s4+s2], $0x4E00, $0x38;
	[tilespmem:$0x19200] =	vst v63  }
0x14: {  	_ = 	snop  }
0x15: {  	[tilespmem:s8], [sflag:$0x1] =	stream.linear.gather [hbm4b:s5+s2], $0x400, $0x38;
	[tilespmem:$0x19200] =	vst v63  }
0x16: {  	s14 =	simm.s32 $0xF300  }
0x17: {  	[tilespmem:s9], [sflag:$0x1] =	stream.linear.gather [hbm4b:s3+s2], $0xA000, $0x38;
	[tilespmem:$0x19200] =	vst v63  }
0x18: {  	[tilespmem:s14+$0xFFFFFF00] =	vst v0  }
0x19: {  	[tilespmem:s14+$0xF0] =	vst v0  }
0x1a: {  	[tilespmem:s14+$0x70] =	vst v0  }
0x1b: {  	[tilespmem:s14+$0xFFFFFFF0] =	vst v0  }
0x1c: {  	[tilespmem:s14+$0xFFFFFF70] =	vst v0  }
0x1d: {  	[tilespmem:s14+$0xE0] =	vst v0  }
0x1e: {  	[tilespmem:s14+$0x60] =	vst v0  }
0x1f: {  	[tilespmem:s14+$0xFFFFFFE0] =	vst v0  }
0x20: {  	[tilespmem:s14+$0xFFFFFF60] =	vst v0  }
0x21: {  	[tilespmem:s14+$0xD0] =	vst v0  }
0x22: {  	[tilespmem:s14+$0x50] =	vst v0  }
0x23: {  	[tilespmem:s14+$0xFFFFFFD0] =	vst v0  }
0x24: {  	[tilespmem:s14+$0xFFFFFF50] =	vst v0  }
0x25: {  	[tilespmem:s14+$0xC0] =	vst v0  }
0x26: {  	[tilespmem:s14+$0x40] =	vst v0  }
0x27: {  	[tilespmem:s14+$0xFFFFFFC0] =	vst v0  }
0x28: {  	[tilespmem:s14+$0xFFFFFF40] =	vst v0  }
0x29: {  	[tilespmem:s14+$0xB0] =	vst v0  }
0x2a: {  	[tilespmem:s14+$0x30] =	vst v0  }
0x2b: {  	[tilespmem:s14+$0xFFFFFFB0] =	vst v0  }
0x2c: {  	[tilespmem:s14+$0xFFFFFF30] =	vst v0  }
0x2d: {  	[tilespmem:s14+$0xA0] =	vst v0  }
0x2e: {  	[tilespmem:s14+$0x20] =	vst v0  }
0x2f: {  	[tilespmem:s14+$0xFFFFFFA0] =	vst v0  }
0x30: {  	[tilespmem:s14+$0xFFFFFF20] =	vst v0  }
0x31: {  	[tilespmem:s14+$0x90] =	vst v0  }
0x32: {  	[tilespmem:s14+$0x10] =	vst v0  }
0x33: {  	[tilespmem:s14+$0xFFFFFF90] =	vst v0  }
0x34: {  	[tilespmem:s14+$0xFFFFFF10] =	vst v0  }
0x35: {  	[tilespmem:s14+$0x80] =	vst v0  }
0x36: {  	s15 =	simm.s32 $0x0;
	[tilespmem:s14+$0x0] =	vst v0  }
.LBB2_2:
0x37: {  	s15 =	sadd.s32 $0x8, s15;
	[tilespmem:s14+$0xFFFFFF80] =	vst v0;
	s14 =	sadd.s32 $0x200, s14  }
0x38: {  	[tilespmem:s14+$0xFFFFFF00] =	vst v0;
	p1 =	slt.u32 s15, $0x278  }
0x39: {  	[tilespmem:s14+$0xF0] =	vst v0  }
0x3a: {  	[tilespmem:s14+$0x70] =	vst v0  }
0x3b: {  	[tilespmem:s14+$0xFFFFFFF0] =	vst v0  }
0x3c: {  	[tilespmem:s14+$0xFFFFFF70] =	vst v0  }
0x3d: {  	[tilespmem:s14+$0xE0] =	vst v0  }
0x3e: {  	[tilespmem:s14+$0x60] =	vst v0  }
0x3f: {  	[tilespmem:s14+$0xFFFFFFE0] =	vst v0  }
0x40: {  	[tilespmem:s14+$0xFFFFFF60] =	vst v0  }
0x41: {  	[tilespmem:s14+$0xD0] =	vst v0  }
0x42: {  	[tilespmem:s14+$0x50] =	vst v0  }
0x43: {  	[tilespmem:s14+$0xFFFFFFD0] =	vst v0  }
0x44: {  	[tilespmem:s14+$0xFFFFFF50] =	vst v0  }
0x45: {  	[tilespmem:s14+$0xC0] =	vst v0  }
0x46: {  	[tilespmem:s14+$0x40] =	vst v0  }
0x47: {  	[tilespmem:s14+$0xFFFFFFC0] =	vst v0  }
0x48: {  	[tilespmem:s14+$0xFFFFFF40] =	vst v0  }
0x49: {  	[tilespmem:s14+$0xB0] =	vst v0  }
0x4a: {  	[tilespmem:s14+$0x30] =	vst v0  }
0x4b: {  	[tilespmem:s14+$0xFFFFFFB0] =	vst v0  }
0x4c: {  	[tilespmem:s14+$0xFFFFFF30] =	vst v0  }
0x4d: {  	[tilespmem:s14+$0xA0] =	vst v0  }
0x4e: {  	[tilespmem:s14+$0x20] =	vst v0  }
0x4f: {  	[tilespmem:s14+$0xFFFFFFA0] =	vst v0  }
0x50: {  	[tilespmem:s14+$0xFFFFFF20] =	vst v0  }
0x51: {  	[tilespmem:s14+$0x90] =	vst v0  }
.Ltmp2:
0x52: {  	[tilespmem:s14+$0x10] =	vst v0;
	(pc) =	sbr.rel @p1 .LBB2_2-.Ltmp2, $4  }
0x53: {  	[tilespmem:s14+$0xFFFFFF90] =	vst v0  }
0x54: {  	[tilespmem:s14+$0xFFFFFF10] =	vst v0  }
0x55: {  	[tilespmem:s14+$0x80] =	vst v0  }
0x56: {  	[tilespmem:s14+$0x0] =	vst v0  }
0x57: {  	[tilespmem:s14+$0xFFFFFF80] =	vst v0  }
0x58: {  	_ =	swait.ge [sflag:s10], $0x4E00  }
0x59: {  	[sflag:s10] =	ssyncset.done $0x0  }
0x5a: {  	[sflag:s10] =	ssyncadd.s32 $0xFFFFB200  }
0x5b: {  	_ =	swait.ge [sflag:s10], $0x400  }
0x5c: {  	[sflag:s10] =	ssyncset.done $0x0  }
0x5d: {  	[sflag:s10] =	ssyncadd.s32 $0xFFFFFC00  }
0x5e: {  	_ =	swait.ge [sflag:s10], $0xA000  }
0x5f: {  	[sflag:s10] =	ssyncset.done $0x0  }
0x60: {  	s14 =	simm.s32 $0xFFFFFFF0;
	s15 =	simm.s32 $0x100;
	[sflag:s10] =	ssyncadd.s32 $0xFFFF6000  }
.LBB2_4:
0x61: {  	v1 =	vld [tilespmem:s15+$0xFFFFFF00];
	_ =	sdelay $0x4  }
0x62: {  	v2 =	vld [tilespmem:s15+$0xFFFFFF80];
	v3 =	vshll.u32 v1, $0x2  }
0x63: {  	v1 =	vand.u32 $0x7F, v1;
	v3 =	vand.u32 $0xFFFFFE00, v3  }
0x64: {  	v1 =	vor.u32 v1, v3  }
0x65: {  	v4 =	vld [tilespmem:s15+$0xFFFFFF10]  }
0x66: {  	v6 =	vld [tilespmem:s15+$0xFFFFFF90]  }
0x67: {  	v9 =	vld [tilespmem:s15+$0xFFFFFF20];
	v3 =	vshll.u32 v2, $0x2  }
0x68: {  	v29 =	vld [tilespmem:s15+$0xFFFFFFA0];
	v2 =	vand.u32 $0x7F, v2;
	v3 =	vand.u32 $0xFFFFFE00, v3  }
0x69: {  	v2 =	vor.u32 v2, v3;
	v5 =	vld.idx.msk [tilespmem:v1+s9+$0x0], $0xffff  }
0x6a: {  	v33 =	vld [tilespmem:s15+$0xFFFFFF30];
	v3 =	vor.u32 $0x80, v1  }
0x6b: {  	v35 =	vld [tilespmem:s15+$0xFFFFFFB0]  }
0x6c: {  	v40 =	vld [tilespmem:s15+$0xFFFFFF40];
	v7 =	vshll.u32 v4, $0x2  }
0x6d: {  	v43 =	vld [tilespmem:s15+$0xFFFFFFC0];
	v4 =	vand.u32 $0x7F, v4;
	v7 =	vand.u32 $0xFFFFFE00, v7  }
0x6e: {  	v4 =	vor.u32 v4, v7;
	[tilespmem:v2+s11+$0x0] =	vst.idx.add.f32.msk $0xffff, v5  }
0x6f: {  	v26 =	vor.u32 $0x80, v2;
	v3 =	vld.idx.msk [tilespmem:v3+s9+$0x0], $0xffff  }
0x70: {  	v50 =	vld [tilespmem:s15+$0xFFFFFF50]  }
0x71: {  	v53 =	vld [tilespmem:s15+$0xFFFFFFD0];
	v8 =	vshll.u32 v6, $0x2;
	v27 =	vor.u32 $0x100, v1  }
0x72: {  	v59 =	vld [tilespmem:s15+$0xFFFFFF60];
	v6 =	vand.u32 $0x7F, v6;
	v8 =	vand.u32 $0xFFFFFE00, v8  }
0x73: {  	v6 =	vor.u32 v6, v8;
	v10 =	vld.idx.msk [tilespmem:v4+s9+$0x0], $0xffff  }
0x74: {  	[tilespmem:v26+s11+$0x0] =	vst.idx.add.f32.msk $0xffff, v3;
	v3 =	vor.u32 $0x80, v4  }
0x75: {  	v62 =	vld [tilespmem:s15+$0xFFFFFFE0]  }
0x76: {  	v11 =	vshll.u32 v9, $0x2;
	v28 =	vor.u32 $0x100, v2;
	v5 =	vld.idx.msk [tilespmem:v27+s9+$0x0], $0xffff  }
0x77: {  	v19 =	vld [tilespmem:s15+$0xFFFFFF70];
	v9 =	vand.u32 $0x7F, v9;
	v11 =	vand.u32 $0xFFFFFE00, v11;
	v1 =	vor.u32 $0x180, v1  }
0x78: {  	v9 =	vor.u32 v9, v11;
	[tilespmem:v6+s11+$0x0] =	vst.idx.add.f32.msk $0xffff, v10  }
0x79: {  	v30 =	vor.u32 $0x80, v6;
	v3 =	vld.idx.msk [tilespmem:v3+s9+$0x0], $0xffff  }
0x7a: {  	v22 =	vld [tilespmem:s15+$0xFFFFFFF0]  }
0x7b: {  	v32 =	vshll.u32 v29, $0x2;
	v31 =	vor.u32 $0x100, v4;
	[tilespmem:v28+s11+$0x0] =	vst.idx.add.f32.msk $0xffff, v5  }
0x7c: {  	v8 =	vand.u32 $0x7F, v29;
	v7 =	vand.u32 $0xFFFFFE00, v32;
	v2 =	vor.u32 $0x180, v2;
	v1 =	vld.idx.msk [tilespmem:v1+s9+$0x0], $0xffff  }
0x7d: {  	v7 =	vor.u32 v8, v7;
	v12 =	vld.idx.msk [tilespmem:v9+s9+$0x0], $0xffff  }
0x7e: {  	[tilespmem:v30+s11+$0x0] =	vst.idx.add.f32.msk $0xffff, v3;
	v3 =	vor.u32 $0x80, v9  }
0x7f: {  	v63 =	vshll.u32 v59, $0x2;
	v14 =	vand.u32 $0x7F, v59;
	v59 =	vld [tilespmem:s15+$0x30]  }
0x80: {  	v13 =	vshll.u32 v33, $0x2;
	v34 =	vor.u32 $0x100, v6;
	v5 =	vld.idx.msk [tilespmem:v31+s9+$0x0], $0xffff  }
0x81: {  	v36 =	vand.u32 $0xFFFFFE00, v13;
	[tilespmem:v2+s11+$0x0] =	vst.idx.add.f32.msk $0xffff, v1;
	v1 =	vor.u32 $0x180, v4;
	v2 =	vand.u32 $0x7F, v33  }
0x82: {  	[tilespmem:v7+s11+$0x0] =	vst.idx.add.f32.msk $0xffff, v12;
	v2 =	vor.u32 v2, v36  }
0x83: {  	v44 =	vshll.u32 v40, $0x2;
	v37 =	vor.u32 $0x80, v7;
	v3 =	vld.idx.msk [tilespmem:v3+s9+$0x0], $0xffff  }
0x84: {  	v46 =	vand.u32 $0xFFFFFE00, v44;
	v44 =	vld [tilespmem:s15+$0xA0]  }
0x85: {  	v39 =	vshll.u32 v35, $0x2;
	v38 =	vor.u32 $0x100, v9;
	[tilespmem:v34+s11+$0x0] =	vst.idx.add.f32.msk $0xffff, v5  }
0x86: {  	v8 =	vand.u32 $0xFFFFFE00, v39;
	v6 =	vor.u32 $0x180, v6;
	v10 =	vand.u32 $0x7F, v35;
	v1 =	vld.idx.msk [tilespmem:v1+s9+$0x0], $0xffff  }
0x87: {  	v8 =	vor.u32 v10, v8;
	v41 =	vld.idx.msk [tilespmem:v2+s9+$0x0], $0xffff  }
0x88: {  	[tilespmem:v37+s11+$0x0] =	vst.idx.add.f32.msk $0xffff, v3;
	v3 =	vor.u32 $0x80, v2  }
0x89: {  	v39 =	vld [tilespmem:s15+$0x20]  }
0x8a: {  	v42 =	vor.u32 $0x100, v7;
	v4 =	vld.idx.msk [tilespmem:v38+s9+$0x0], $0xffff  }
0x8b: {  	v45 =	vand.u32 $0x7F, v40;
	[tilespmem:v6+s11+$0x0] =	vst.idx.add.f32.msk $0xffff, v1;
	v1 =	vor.u32 $0x180, v9  }
0x8c: {  	v6 =	vor.u32 v45, v46;
	[tilespmem:v8+s11+$0x0] =	vst.idx.add.f32.msk $0xffff, v41  }
0x8d: {  	v47 =	vor.u32 $0x80, v8;
	v3 =	vld.idx.msk [tilespmem:v3+s9+$0x0], $0xffff  }
0x8e: {  	v28 =	vld [tilespmem:s15+$0x0]  }
0x8f: {  	v49 =	vshll.u32 v43, $0x2;
	v48 =	vor.u32 $0x100, v2;
	[tilespmem:v42+s11+$0x0] =	vst.idx.add.f32.msk $0xffff, v4  }
0x90: {  	v7 =	vor.u32 $0x180, v7;
	v10 =	vand.u32 $0x7F, v43;
	v5 =	vand.u32 $0xFFFFFE00, v49;
	v1 =	vld.idx.msk [tilespmem:v1+s9+$0x0], $0xffff  }
0x91: {  	v5 =	vor.u32 v10, v5;
	v51 =	vld.idx.msk [tilespmem:v6+s9+$0x0], $0xffff  }
0x92: {  	[tilespmem:v47+s11+$0x0] =	vst.idx.add.f32.msk $0xffff, v3;
	v3 =	vor.u32 $0x80, v6  }
0x93: {  	v31 =	vld [tilespmem:s15+$0x80]  }
0x94: {  	v54 =	vshll.u32 v50, $0x2;
	v52 =	vor.u32 $0x100, v8;
	v4 =	vld.idx.msk [tilespmem:v48+s9+$0x0], $0xffff  }
0x95: {  	v55 =	vand.u32 $0xFFFFFE00, v54;
	[tilespmem:v7+s11+$0x0] =	vst.idx.add.f32.msk $0xffff, v1;
	v1 =	vor.u32 $0x180, v2;
	v2 =	vand.u32 $0x7F, v50  }
0x96: {  	[tilespmem:v5+s11+$0x0] =	vst.idx.add.f32.msk $0xffff, v51;
	v2 =	vor.u32 v2, v55  }
0x97: {  	v32 =	vshll.u32 v28, $0x2;
	v56 =	vor.u32 $0x80, v5;
	v3 =	vld.idx.msk [tilespmem:v3+s9+$0x0], $0xffff  }
0x98: {  	v33 =	vand.u32 $0xFFFFFE00, v32;
	v32 =	vld [tilespmem:s15+$0x70]  }
0x99: {  	v58 =	vshll.u32 v53, $0x2;
	v57 =	vor.u32 $0x100, v6;
	[tilespmem:v52+s11+$0x0] =	vst.idx.add.f32.msk $0xffff, v4  }
0x9a: {  	v10 =	vand.u32 $0x7F, v53;
	v9 =	vand.u32 $0xFFFFFE00, v58;
	v8 =	vor.u32 $0x180, v8;
	v1 =	vld.idx.msk [tilespmem:v1+s9+$0x0], $0xffff  }
0x9b: {  	v9 =	vor.u32 v10, v9;
	v60 =	vld.idx.msk [tilespmem:v2+s9+$0x0], $0xffff  }
0x9c: {  	[tilespmem:v56+s11+$0x0] =	vst.idx.add.f32.msk $0xffff, v3;
	v3 =	vor.u32 $0x80, v2  }
0x9d: {  	v37 =	vld [tilespmem:s15+$0x10]  }
0x9e: {  	v61 =	vor.u32 $0x100, v5;
	v4 =	vld.idx.msk [tilespmem:v57+s9+$0x0], $0xffff  }
0x9f: {  	v15 =	vand.u32 $0xFFFFFE00, v63;
	[tilespmem:v8+s11+$0x0] =	vst.idx.add.f32.msk $0xffff, v1;
	v1 =	vor.u32 $0x180, v6  }
0xa0: {  	v6 =	vor.u32 v14, v15;
	[tilespmem:v9+s11+$0x0] =	vst.idx.add.f32.msk $0xffff, v60  }
0xa1: {  	v16 =	vor.u32 $0x80, v9;
	v3 =	vld.idx.msk [tilespmem:v3+s9+$0x0], $0xffff  }
0xa2: {  	v41 =	vld [tilespmem:s15+$0x90]  }
0xa3: {  	v18 =	vshll.u32 v62, $0x2;
	v17 =	vor.u32 $0x100, v2;
	[tilespmem:v61+s11+$0x0] =	vst.idx.add.f32.msk $0xffff, v4  }
0xa4: {  	v10 =	vand.u32 $0x7F, v62;
	v5 =	vor.u32 $0x180, v5;
	v7 =	vand.u32 $0xFFFFFE00, v18;
	v1 =	vld.idx.msk [tilespmem:v1+s9+$0x0], $0xffff  }
0xa5: {  	v7 =	vor.u32 v10, v7;
	v20 =	vld.idx.msk [tilespmem:v6+s9+$0x0], $0xffff  }
0xa6: {  	[tilespmem:v16+s11+$0x0] =	vst.idx.add.f32.msk $0xffff, v3;
	v3 =	vor.u32 $0x80, v6  }
0xa7: {  	v49 =	vand.u32 $0x7F, v41;
	v48 =	vshll.u32 v41, $0x2;
	v41 =	vld [tilespmem:s15+$0xF0]  }
0xa8: {  	v23 =	vshll.u32 v19, $0x2;
	v21 =	vor.u32 $0x100, v9;
	v4 =	vld.idx.msk [tilespmem:v17+s9+$0x0], $0xffff  }
0xa9: {  	v24 =	vand.u32 $0xFFFFFE00, v23;
	[tilespmem:v5+s11+$0x0] =	vst.idx.add.f32.msk $0xffff, v1;
	v1 =	vor.u32 $0x180, v2;
	v2 =	vand.u32 $0x7F, v19  }
0xaa: {  	v27 =	vshll.u32 v22, $0x2;
	v14 =	vshll.u32 v37, $0x2;
	[tilespmem:v7+s11+$0x0] =	vst.idx.add.f32.msk $0xffff, v20;
	v2 =	vor.u32 v2, v24  }
0xab: {  	v11 =	vand.u32 $0x7F, v37;
	v25 =	vor.u32 $0x80, v7;
	v42 =	vand.u32 $0xFFFFFE00, v14;
	v3 =	vld.idx.msk [tilespmem:v3+s9+$0x0], $0xffff  }
0xac: {  	v8 =	vand.u32 $0xFFFFFE00, v27;
	v27 =	vld [tilespmem:s15+$0x60];
	v11 =	vor.u32 v11, v42  }
0xad: {  	v26 =	vor.u32 $0x100, v6;
	[tilespmem:v21+s11+$0x0] =	vst.idx.add.f32.msk $0xffff, v4  }
0xae: {  	v10 =	vand.u32 $0x7F, v22;
	v9 =	vor.u32 $0x180, v9;
	v1 =	vld.idx.msk [tilespmem:v1+s9+$0x0], $0xffff  }
0xaf: {  	v8 =	vor.u32 v10, v8;
	v29 =	vld.idx.msk [tilespmem:v2+s9+$0x0], $0xffff  }
0xb0: {  	[tilespmem:v25+s11+$0x0] =	vst.idx.add.f32.msk $0xffff, v3;
	v3 =	vor.u32 $0x80, v2  }
0xb1: {  	v50 =	vld.idx.msk [tilespmem:v11+s9+$0x0], $0xffff  }
0xb2: {  	v30 =	vor.u32 $0x100, v7;
	v4 =	vld.idx.msk [tilespmem:v26+s9+$0x0], $0xffff  }
0xb3: {  	v6 =	vor.u32 $0x180, v6;
	[tilespmem:v9+s11+$0x0] =	vst.idx.add.f32.msk $0xffff, v1;
	v1 =	vand.u32 $0x7F, v28  }
0xb4: {  	[tilespmem:v8+s11+$0x0] =	vst.idx.add.f32.msk $0xffff, v29;
	v1 =	vor.u32 v1, v33  }
0xb5: {  	v34 =	vor.u32 $0x80, v8;
	v3 =	vld.idx.msk [tilespmem:v3+s9+$0x0], $0xffff  }
0xb6: {  	v16 =	vld [tilespmem:s15+$0xB0];
	v35 =	vor.u32 $0x100, v2  }
0xb7: {  	v36 =	vshll.u32 v31, $0x2;
	[tilespmem:v30+s11+$0x0] =	vst.idx.add.f32.msk $0xffff, v4  }
0xb8: {  	v10 =	vand.u32 $0x7F, v31;
	v7 =	vor.u32 $0x180, v7;
	v4 =	vld.idx.msk [tilespmem:v6+s9+$0x0], $0xffff;
	v6 =	vand.u32 $0xFFFFFE00, v36  }
0xb9: {  	v38 =	vld.idx.msk [tilespmem:v1+s9+$0x0], $0xffff;
	v6 =	vor.u32 v10, v6  }
0xba: {  	[tilespmem:v34+s11+$0x0] =	vst.idx.add.f32.msk $0xffff, v3;
	v3 =	vor.u32 $0x80, v1  }
0xbb: {  	v40 =	vor.u32 $0x100, v8;
	v5 =	vld.idx.msk [tilespmem:v35+s9+$0x0], $0xffff  }
0xbc: {  	v17 =	vld [tilespmem:s15+$0x40];
	v2 =	vor.u32 $0x180, v2  }
0xbd: {  	[tilespmem:v7+s11+$0x0] =	vst.idx.add.f32.msk $0xffff, v4  }
0xbe: {  	v15 =	vshll.u32 v39, $0x2;
	[tilespmem:v6+s11+$0x0] =	vst.idx.add.f32.msk $0xffff, v38  }
0xbf: {  	v46 =	vand.u32 $0x7F, v39;
	v47 =	vand.u32 $0xFFFFFE00, v15;
	v43 =	vor.u32 $0x80, v6;
	v3 =	vld.idx.msk [tilespmem:v3+s9+$0x0], $0xffff  }
0xc0: {  	v7 =	vor.u32 v46, v47;
	[tilespmem:v40+s11+$0x0] =	vst.idx.add.f32.msk $0xffff, v5  }
0xc1: {  	v8 =	vor.u32 $0x180, v8;
	v2 =	vld.idx.msk [tilespmem:v2+s9+$0x0], $0xffff  }
0xc2: {  	v24 =	vld [tilespmem:s15+$0x50];
	v45 =	vor.u32 $0x100, v1;
	v5 =	vand.u32 $0xFFFFFE00, v48  }
0xc3: {  	v51 =	vshll.u32 v44, $0x2;
	v21 =	vld [tilespmem:s15+$0xC0];
	v5 =	vor.u32 v49, v5  }
0xc4: {  	v53 =	vand.u32 $0x7F, v44;
	v9 =	vand.u32 $0xFFFFFE00, v51;
	[tilespmem:v43+s11+$0x0] =	vst.idx.add.f32.msk $0xffff, v3;
	v3 =	vor.u32 $0x80, v11  }
0xc5: {  	v9 =	vor.u32 v53, v9;
	v54 =	vld.idx.msk [tilespmem:v7+s9+$0x0], $0xffff  }
0xc6: {  	[tilespmem:v8+s11+$0x0] =	vst.idx.add.f32.msk $0xffff, v2;
	v2 =	vor.u32 $0x80, v7  }
0xc7: {  	v52 =	vor.u32 $0x100, v6;
	v4 =	vld.idx.msk [tilespmem:v45+s9+$0x0], $0xffff  }
0xc8: {  	v1 =	vor.u32 $0x180, v1;
	[tilespmem:v5+s11+$0x0] =	vst.idx.add.f32.msk $0xffff, v50  }
0xc9: {  	v55 =	vor.u32 $0x80, v5;
	v3 =	vld.idx.msk [tilespmem:v3+s9+$0x0], $0xffff  }
0xca: {  	v56 =	vor.u32 $0x100, v11;
	[tilespmem:v9+s11+$0x0] =	vst.idx.add.f32.msk $0xffff, v54  }
0xcb: {  	v57 =	vor.u32 $0x80, v9;
	v2 =	vld.idx.msk [tilespmem:v2+s9+$0x0], $0xffff  }
0xcc: {  	v58 =	vor.u32 $0x100, v7;
	[tilespmem:v52+s11+$0x0] =	vst.idx.add.f32.msk $0xffff, v4  }
0xcd: {  	v1 =	vld.idx.msk [tilespmem:v1+s9+$0x0], $0xffff  }
0xce: {  	v6 =	vor.u32 $0x180, v6;
	[tilespmem:v55+s11+$0x0] =	vst.idx.add.f32.msk $0xffff, v3  }
0xcf: {  	v60 =	vor.u32 $0x100, v5;
	v3 =	vld.idx.msk [tilespmem:v56+s9+$0x0], $0xffff  }
0xd0: {  	v61 =	vor.u32 $0x180, v11;
	[tilespmem:v57+s11+$0x0] =	vst.idx.add.f32.msk $0xffff, v2  }
0xd1: {  	v62 =	vor.u32 $0x100, v9;
	v2 =	vld.idx.msk [tilespmem:v58+s9+$0x0], $0xffff  }
0xd2: {  	v63 =	vshll.u32 v59, $0x2;
	v30 =	vld [tilespmem:s15+$0xD0];
	v7 =	vor.u32 $0x180, v7  }
0xd3: {  	v13 =	vand.u32 $0x7F, v59;
	v42 =	vand.u32 $0x7F, v32;
	v11 =	vand.u32 $0xFFFFFE00, v63;
	[tilespmem:v6+s11+$0x0] =	vst.idx.add.f32.msk $0xffff, v1  }
0xd4: {  	v18 =	vshll.u32 v16, $0x2;
	v22 =	vshll.u32 v17, $0x2;
	[tilespmem:v60+s11+$0x0] =	vst.idx.add.f32.msk $0xffff, v3;
	v3 =	vor.u32 v13, v11  }
0xd5: {  	v23 =	vand.u32 $0xFFFFFE00, v22;
	v5 =	vor.u32 $0x180, v5;
	v1 =	vand.u32 $0x7F, v17;
	v8 =	vld.idx.msk [tilespmem:v61+s9+$0x0], $0xffff  }
0xd6: {  	v20 =	vand.u32 $0x7F, v16;
	v17 =	vshll.u32 v32, $0x2;
	v1 =	vor.u32 v1, v23;
	[tilespmem:v62+s11+$0x0] =	vst.idx.add.f32.msk $0xffff, v2  }
0xd7: {  	v31 =	vshll.u32 v24, $0x2;
	v9 =	vor.u32 $0x180, v9;
	v43 =	vand.u32 $0xFFFFFE00, v17;
	v2 =	vld.idx.msk [tilespmem:v7+s9+$0x0], $0xffff  }
0xd8: {  	v34 =	vld [tilespmem:s15+$0xE0];
	v4 =	vand.u32 $0x7F, v24;
	v10 =	vor.u32 v42, v43;
	v11 =	vand.u32 $0xFFFFFE00, v31  }
0xd9: {  	v25 =	vshll.u32 v21, $0x2;
	v4 =	vor.u32 v4, v11;
	v7 =	vand.u32 $0xFFFFFE00, v18;
	v19 =	vld.idx.msk [tilespmem:v3+s9+$0x0], $0xffff  }
0xda: {  	v26 =	vand.u32 $0x7F, v21;
	v7 =	vor.u32 v20, v7;
	[tilespmem:v5+s11+$0x0] =	vst.idx.add.f32.msk $0xffff, v8;
	v5 =	vand.u32 $0xFFFFFE00, v25  }
0xdb: {  	v35 =	vshll.u32 v27, $0x2;
	v28 =	vld.idx.msk [tilespmem:v1+s9+$0x0], $0xffff;
	v5 =	vor.u32 v26, v5  }
0xdc: {  	v37 =	vand.u32 $0xFFFFFE00, v35;
	v8 =	vand.u32 $0x7F, v27;
	[tilespmem:v9+s11+$0x0] =	vst.idx.add.f32.msk $0xffff, v2;
	v2 =	vor.u32 $0x80, v3  }
0xdd: {  	v16 =	vshll.u32 v30, $0x2;
	v49 =	vld.idx.msk [tilespmem:v10+s9+$0x0], $0xffff;
	v8 =	vor.u32 v8, v37  }
0xde: {  	v39 =	vand.u32 $0x7F, v30;
	v40 =	vand.u32 $0xFFFFFE00, v16;
	v29 =	vor.u32 $0x80, v1;
	v18 =	vld.idx.msk [tilespmem:v4+s9+$0x0], $0xffff  }
0xdf: {  	v9 =	vor.u32 v39, v40;
	[tilespmem:v7+s11+$0x0] =	vst.idx.add.f32.msk $0xffff, v19  }
0xe0: {  	v44 =	vor.u32 $0x80, v4;
	[tilespmem:v5+s11+$0x0] =	vst.idx.add.f32.msk $0xffff, v28  }
0xe1: {  	v33 =	vor.u32 $0x80, v7;
	v2 =	vld.idx.msk [tilespmem:v2+s9+$0x0], $0xffff  }
0xe2: {  	v36 =	vor.u32 $0x100, v3;
	v45 =	vld.idx.msk [tilespmem:v8+s9+$0x0], $0xffff  }
0xe3: {  	v38 =	vor.u32 $0x80, v5;
	v6 =	vld.idx.msk [tilespmem:v29+s9+$0x0], $0xffff  }
0xe4: {  	v48 =	vor.u32 $0x100, v1;
	[tilespmem:v9+s11+$0x0] =	vst.idx.add.f32.msk $0xffff, v18  }
0xe5: {  	v51 =	vor.u32 $0x80, v9;
	v12 =	vld.idx.msk [tilespmem:v44+s9+$0x0], $0xffff  }
0xe6: {  	v19 =	vor.u32 $0x100, v4;
	[tilespmem:v33+s11+$0x0] =	vst.idx.add.f32.msk $0xffff, v2;
	v2 =	vshll.u32 v34, $0x2  }
0xe7: {  	v13 =	vand.u32 $0x7F, v34;
	v55 =	vor.u32 $0x100, v7;
	v11 =	vld.idx.msk [tilespmem:v36+s9+$0x0], $0xffff;
	v2 =	vand.u32 $0xFFFFFE00, v2  }
0xe8: {  	v47 =	vshll.u32 v41, $0x2;
	[tilespmem:v38+s11+$0x0] =	vst.idx.add.f32.msk $0xffff, v6;
	v2 =	vor.u32 v13, v2  }
0xe9: {  	v16 =	vand.u32 $0x7F, v41;
	v46 =	vor.u32 $0x80, v8;
	v14 =	vld.idx.msk [tilespmem:v48+s9+$0x0], $0xffff;
	v13 =	vand.u32 $0xFFFFFE00, v47  }
0xea: {  	[tilespmem:v51+s11+$0x0] =	vst.idx.add.f32.msk $0xffff, v12;
	v13 =	vor.u32 v16, v13  }
0xeb: {  	v50 =	vor.u32 $0x80, v10;
	v57 =	vld.idx.msk [tilespmem:v19+s9+$0x0], $0xffff  }
0xec: {  	v56 =	vor.u32 $0x100, v5;
	[tilespmem:v55+s11+$0x0] =	vst.idx.add.f32.msk $0xffff, v11  }
0xed: {  	v58 =	vor.u32 $0x100, v9;
	[tilespmem:v2+s11+$0x0] =	vst.idx.add.f32.msk $0xffff, v45  }
0xee: {  	v52 =	vor.u32 $0x80, v2;
	v6 =	vld.idx.msk [tilespmem:v46+s9+$0x0], $0xffff  }
0xef: {  	v20 =	vor.u32 $0x100, v8;
	[tilespmem:v13+s11+$0x0] =	vst.idx.add.f32.msk $0xffff, v49  }
0xf0: {  	v53 =	vor.u32 $0x80, v13;
	v16 =	vld.idx.msk [tilespmem:v50+s9+$0x0], $0xffff  }
0xf1: {  	v54 =	vor.u32 $0x100, v10;
	[tilespmem:v56+s11+$0x0] =	vst.idx.add.f32.msk $0xffff, v14  }
0xf2: {  	v3 =	vor.u32 $0x180, v3;
	[tilespmem:v58+s11+$0x0] =	vst.idx.add.f32.msk $0xffff, v57  }
0xf3: {  	v1 =	vor.u32 $0x180, v1;
	[tilespmem:v52+s11+$0x0] =	vst.idx.add.f32.msk $0xffff, v6  }
0xf4: {  	v4 =	vor.u32 $0x180, v4;
	v20 =	vld.idx.msk [tilespmem:v20+s9+$0x0], $0xffff  }
0xf5: {  	v59 =	vor.u32 $0x100, v2;
	[tilespmem:v53+s11+$0x0] =	vst.idx.add.f32.msk $0xffff, v16  }
0xf6: {  	v60 =	vor.u32 $0x100, v13;
	v12 =	vld.idx.msk [tilespmem:v54+s9+$0x0], $0xffff  }
0xf7: {  	v61 =	vor.u32 $0x180, v8;
	v3 =	vld.idx.msk [tilespmem:v3+s9+$0x0], $0xffff  }
0xf8: {  	v62 =	vor.u32 $0x180, v10;
	v1 =	vld.idx.msk [tilespmem:v1+s9+$0x0], $0xffff  }
0xf9: {  	v7 =	vor.u32 $0x180, v7;
	v4 =	vld.idx.msk [tilespmem:v4+s9+$0x0], $0xffff  }
0xfa: {  	v5 =	vor.u32 $0x180, v5;
	[tilespmem:v59+s11+$0x0] =	vst.idx.add.f32.msk $0xffff, v20  }
0xfb: {  	v9 =	vor.u32 $0x180, v9;
	[tilespmem:v60+s11+$0x0] =	vst.idx.add.f32.msk $0xffff, v12  }
0xfc: {  	s14 =	sadd.s32 $0x10, s14;
	v2 =	vor.u32 $0x180, v2;
	v6 =	vld.idx.msk [tilespmem:v61+s9+$0x0], $0xffff  }
0xfd: {  	p1 =	slt.u32 s14, $0x260;
	v63 =	vor.u32 $0x180, v13;
	v8 =	vld.idx.msk [tilespmem:v62+s9+$0x0], $0xffff  }
.Ltmp3:
0xfe: {  	[tilespmem:v7+s11+$0x0] =	vst.idx.add.f32.msk $0xffff, v3;
	(pc) =	sbr.rel @p1 .LBB2_4-.Ltmp3, $4  }
0xff: {  	[tilespmem:v5+s11+$0x0] =	vst.idx.add.f32.msk $0xffff, v1  }
0x100: {  	[tilespmem:v9+s11+$0x0] =	vst.idx.add.f32.msk $0xffff, v4  }
0x101: {  	[tilespmem:v2+s11+$0x0] =	vst.idx.add.f32.msk $0xffff, v6  }
0x102: {  	s15 =	sadd.s32 $0x200, s15;
	[tilespmem:v63+s11+$0x0] =	vst.idx.add.f32.msk $0xffff, v8  }
.Ltmp4:
0x103: {  	(pc) =	sbr.rel @p0 .LBB2_8-.Ltmp4, $1  }
0x104: {  	_ =	sdelay $0x3  }
0x105: {  	s14 =	simm.s32 $0x260;
	s15 =	simm.s32 $0x4E00  }
.LBB2_7:
0x106: {  	v1 =	vld [tilespmem:s15+$0x0];
	_ =	sdelay $0x4  }
0x107: {  	v2 =	vld [tilespmem:s15+$0x80];
	v3 =	vshll.u32 v1, $0x2  }
0x108: {  	v1 =	vand.u32 $0x7F, v1;
	v3 =	vand.u32 $0xFFFFFE00, v3  }
0x109: {  	v1 =	vor.u32 v1, v3  }
0x10a: {  	v4 =	vld [tilespmem:s15+$0x10]  }
0x10b: {  	v6 =	vld [tilespmem:s15+$0x90]  }
0x10c: {  	v9 =	vld [tilespmem:s15+$0x20];
	v3 =	vshll.u32 v2, $0x2  }
0x10d: {  	v29 =	vld [tilespmem:s15+$0xA0];
	v2 =	vand.u32 $0x7F, v2;
	v3 =	vand.u32 $0xFFFFFE00, v3  }
0x10e: {  	v2 =	vor.u32 v2, v3;
	v5 =	vld.idx.msk [tilespmem:v1+s9+$0x0], $0xffff  }
0x10f: {  	v33 =	vld [tilespmem:s15+$0x30];
	v3 =	vor.u32 $0x80, v1  }
0x110: {  	v35 =	vld [tilespmem:s15+$0xB0]  }
0x111: {  	v40 =	vld [tilespmem:s15+$0x40];
	v7 =	vshll.u32 v4, $0x2  }
0x112: {  	v43 =	vld [tilespmem:s15+$0xC0];
	v4 =	vand.u32 $0x7F, v4;
	v7 =	vand.u32 $0xFFFFFE00, v7  }
0x113: {  	v4 =	vor.u32 v4, v7;
	[tilespmem:v2+s11+$0x0] =	vst.idx.add.f32.msk $0xffff, v5  }
0x114: {  	v26 =	vor.u32 $0x80, v2;
	v3 =	vld.idx.msk [tilespmem:v3+s9+$0x0], $0xffff  }
0x115: {  	v50 =	vld [tilespmem:s15+$0x50]  }
0x116: {  	v53 =	vld [tilespmem:s15+$0xD0];
	v8 =	vshll.u32 v6, $0x2;
	v27 =	vor.u32 $0x100, v1  }
0x117: {  	v59 =	vld [tilespmem:s15+$0x60];
	v6 =	vand.u32 $0x7F, v6;
	v8 =	vand.u32 $0xFFFFFE00, v8  }
0x118: {  	v6 =	vor.u32 v6, v8;
	v10 =	vld.idx.msk [tilespmem:v4+s9+$0x0], $0xffff  }
0x119: {  	[tilespmem:v26+s11+$0x0] =	vst.idx.add.f32.msk $0xffff, v3;
	v3 =	vor.u32 $0x80, v4  }
0x11a: {  	v62 =	vld [tilespmem:s15+$0xE0]  }
0x11b: {  	v11 =	vshll.u32 v9, $0x2;
	v28 =	vor.u32 $0x100, v2;
	v5 =	vld.idx.msk [tilespmem:v27+s9+$0x0], $0xffff  }
0x11c: {  	v19 =	vld [tilespmem:s15+$0x70];
	v9 =	vand.u32 $0x7F, v9;
	v11 =	vand.u32 $0xFFFFFE00, v11;
	v1 =	vor.u32 $0x180, v1  }
0x11d: {  	v9 =	vor.u32 v9, v11;
	[tilespmem:v6+s11+$0x0] =	vst.idx.add.f32.msk $0xffff, v10  }
0x11e: {  	v30 =	vor.u32 $0x80, v6;
	v3 =	vld.idx.msk [tilespmem:v3+s9+$0x0], $0xffff  }
0x11f: {  	v22 =	vld [tilespmem:s15+$0xF0]  }
0x120: {  	v32 =	vshll.u32 v29, $0x2;
	v31 =	vor.u32 $0x100, v4;
	[tilespmem:v28+s11+$0x0] =	vst.idx.add.f32.msk $0xffff, v5  }
0x121: {  	v8 =	vand.u32 $0x7F, v29;
	v7 =	vand.u32 $0xFFFFFE00, v32;
	v2 =	vor.u32 $0x180, v2;
	v1 =	vld.idx.msk [tilespmem:v1+s9+$0x0], $0xffff  }
0x122: {  	v7 =	vor.u32 v8, v7;
	v12 =	vld.idx.msk [tilespmem:v9+s9+$0x0], $0xffff  }
0x123: {  	[tilespmem:v30+s11+$0x0] =	vst.idx.add.f32.msk $0xffff, v3;
	v3 =	vor.u32 $0x80, v9  }
0x124: {  	v63 =	vshll.u32 v59, $0x2;
	v14 =	vand.u32 $0x7F, v59;
	v59 =	vld [tilespmem:s15+$0x130]  }
0x125: {  	v13 =	vshll.u32 v33, $0x2;
	v34 =	vor.u32 $0x100, v6;
	v5 =	vld.idx.msk [tilespmem:v31+s9+$0x0], $0xffff  }
0x126: {  	v36 =	vand.u32 $0xFFFFFE00, v13;
	[tilespmem:v2+s11+$0x0] =	vst.idx.add.f32.msk $0xffff, v1;
	v1 =	vor.u32 $0x180, v4;
	v2 =	vand.u32 $0x7F, v33  }
0x127: {  	[tilespmem:v7+s11+$0x0] =	vst.idx.add.f32.msk $0xffff, v12;
	v2 =	vor.u32 v2, v36  }
0x128: {  	v44 =	vshll.u32 v40, $0x2;
	v37 =	vor.u32 $0x80, v7;
	v3 =	vld.idx.msk [tilespmem:v3+s9+$0x0], $0xffff  }
0x129: {  	v46 =	vand.u32 $0xFFFFFE00, v44;
	v44 =	vld [tilespmem:s15+$0x1A0]  }
0x12a: {  	v39 =	vshll.u32 v35, $0x2;
	v38 =	vor.u32 $0x100, v9;
	[tilespmem:v34+s11+$0x0] =	vst.idx.add.f32.msk $0xffff, v5  }
0x12b: {  	v8 =	vand.u32 $0xFFFFFE00, v39;
	v6 =	vor.u32 $0x180, v6;
	v10 =	vand.u32 $0x7F, v35;
	v1 =	vld.idx.msk [tilespmem:v1+s9+$0x0], $0xffff  }
0x12c: {  	v8 =	vor.u32 v10, v8;
	v41 =	vld.idx.msk [tilespmem:v2+s9+$0x0], $0xffff  }
0x12d: {  	[tilespmem:v37+s11+$0x0] =	vst.idx.add.f32.msk $0xffff, v3;
	v3 =	vor.u32 $0x80, v2  }
0x12e: {  	v39 =	vld [tilespmem:s15+$0x120]  }
0x12f: {  	v42 =	vor.u32 $0x100, v7;
	v4 =	vld.idx.msk [tilespmem:v38+s9+$0x0], $0xffff  }
0x130: {  	v45 =	vand.u32 $0x7F, v40;
	[tilespmem:v6+s11+$0x0] =	vst.idx.add.f32.msk $0xffff, v1;
	v1 =	vor.u32 $0x180, v9  }
0x131: {  	v6 =	vor.u32 v45, v46;
	[tilespmem:v8+s11+$0x0] =	vst.idx.add.f32.msk $0xffff, v41  }
0x132: {  	v47 =	vor.u32 $0x80, v8;
	v3 =	vld.idx.msk [tilespmem:v3+s9+$0x0], $0xffff  }
0x133: {  	v28 =	vld [tilespmem:s15+$0x100]  }
0x134: {  	v49 =	vshll.u32 v43, $0x2;
	v48 =	vor.u32 $0x100, v2;
	[tilespmem:v42+s11+$0x0] =	vst.idx.add.f32.msk $0xffff, v4  }
0x135: {  	v7 =	vor.u32 $0x180, v7;
	v10 =	vand.u32 $0x7F, v43;
	v5 =	vand.u32 $0xFFFFFE00, v49;
	v1 =	vld.idx.msk [tilespmem:v1+s9+$0x0], $0xffff  }
0x136: {  	v5 =	vor.u32 v10, v5;
	v51 =	vld.idx.msk [tilespmem:v6+s9+$0x0], $0xffff  }
0x137: {  	[tilespmem:v47+s11+$0x0] =	vst.idx.add.f32.msk $0xffff, v3;
	v3 =	vor.u32 $0x80, v6  }
0x138: {  	v31 =	vld [tilespmem:s15+$0x180]  }
0x139: {  	v54 =	vshll.u32 v50, $0x2;
	v52 =	vor.u32 $0x100, v8;
	v4 =	vld.idx.msk [tilespmem:v48+s9+$0x0], $0xffff  }
0x13a: {  	v55 =	vand.u32 $0xFFFFFE00, v54;
	[tilespmem:v7+s11+$0x0] =	vst.idx.add.f32.msk $0xffff, v1;
	v1 =	vor.u32 $0x180, v2;
	v2 =	vand.u32 $0x7F, v50  }
0x13b: {  	[tilespmem:v5+s11+$0x0] =	vst.idx.add.f32.msk $0xffff, v51;
	v2 =	vor.u32 v2, v55  }
0x13c: {  	v32 =	vshll.u32 v28, $0x2;
	v56 =	vor.u32 $0x80, v5;
	v3 =	vld.idx.msk [tilespmem:v3+s9+$0x0], $0xffff  }
0x13d: {  	v33 =	vand.u32 $0xFFFFFE00, v32;
	v32 =	vld [tilespmem:s15+$0x170]  }
0x13e: {  	v58 =	vshll.u32 v53, $0x2;
	v57 =	vor.u32 $0x100, v6;
	[tilespmem:v52+s11+$0x0] =	vst.idx.add.f32.msk $0xffff, v4  }
0x13f: {  	v10 =	vand.u32 $0x7F, v53;
	v9 =	vand.u32 $0xFFFFFE00, v58;
	v8 =	vor.u32 $0x180, v8;
	v1 =	vld.idx.msk [tilespmem:v1+s9+$0x0], $0xffff  }
0x140: {  	v9 =	vor.u32 v10, v9;
	v60 =	vld.idx.msk [tilespmem:v2+s9+$0x0], $0xffff  }
0x141: {  	[tilespmem:v56+s11+$0x0] =	vst.idx.add.f32.msk $0xffff, v3;
	v3 =	vor.u32 $0x80, v2  }
0x142: {  	v37 =	vld [tilespmem:s15+$0x110]  }
0x143: {  	v61 =	vor.u32 $0x100, v5;
	v4 =	vld.idx.msk [tilespmem:v57+s9+$0x0], $0xffff  }
0x144: {  	v15 =	vand.u32 $0xFFFFFE00, v63;
	[tilespmem:v8+s11+$0x0] =	vst.idx.add.f32.msk $0xffff, v1;
	v1 =	vor.u32 $0x180, v6  }
0x145: {  	v6 =	vor.u32 v14, v15;
	[tilespmem:v9+s11+$0x0] =	vst.idx.add.f32.msk $0xffff, v60  }
0x146: {  	v16 =	vor.u32 $0x80, v9;
	v3 =	vld.idx.msk [tilespmem:v3+s9+$0x0], $0xffff  }
0x147: {  	v41 =	vld [tilespmem:s15+$0x190]  }
0x148: {  	v18 =	vshll.u32 v62, $0x2;
	v17 =	vor.u32 $0x100, v2;
	[tilespmem:v61+s11+$0x0] =	vst.idx.add.f32.msk $0xffff, v4  }
0x149: {  	v10 =	vand.u32 $0x7F, v62;
	v5 =	vor.u32 $0x180, v5;
	v7 =	vand.u32 $0xFFFFFE00, v18;
	v1 =	vld.idx.msk [tilespmem:v1+s9+$0x0], $0xffff  }
0x14a: {  	v7 =	vor.u32 v10, v7;
	v20 =	vld.idx.msk [tilespmem:v6+s9+$0x0], $0xffff  }
0x14b: {  	[tilespmem:v16+s11+$0x0] =	vst.idx.add.f32.msk $0xffff, v3;
	v3 =	vor.u32 $0x80, v6  }
0x14c: {  	v49 =	vand.u32 $0x7F, v41;
	v48 =	vshll.u32 v41, $0x2;
	v41 =	vld [tilespmem:s15+$0x1F0]  }
0x14d: {  	v23 =	vshll.u32 v19, $0x2;
	v21 =	vor.u32 $0x100, v9;
	v4 =	vld.idx.msk [tilespmem:v17+s9+$0x0], $0xffff  }
0x14e: {  	v24 =	vand.u32 $0xFFFFFE00, v23;
	[tilespmem:v5+s11+$0x0] =	vst.idx.add.f32.msk $0xffff, v1;
	v1 =	vor.u32 $0x180, v2;
	v2 =	vand.u32 $0x7F, v19  }
0x14f: {  	v27 =	vshll.u32 v22, $0x2;
	v14 =	vshll.u32 v37, $0x2;
	[tilespmem:v7+s11+$0x0] =	vst.idx.add.f32.msk $0xffff, v20;
	v2 =	vor.u32 v2, v24  }
0x150: {  	v11 =	vand.u32 $0x7F, v37;
	v25 =	vor.u32 $0x80, v7;
	v42 =	vand.u32 $0xFFFFFE00, v14;
	v3 =	vld.idx.msk [tilespmem:v3+s9+$0x0], $0xffff  }
0x151: {  	v8 =	vand.u32 $0xFFFFFE00, v27;
	v27 =	vld [tilespmem:s15+$0x160];
	v11 =	vor.u32 v11, v42  }
0x152: {  	v26 =	vor.u32 $0x100, v6;
	[tilespmem:v21+s11+$0x0] =	vst.idx.add.f32.msk $0xffff, v4  }
0x153: {  	v10 =	vand.u32 $0x7F, v22;
	v9 =	vor.u32 $0x180, v9;
	v1 =	vld.idx.msk [tilespmem:v1+s9+$0x0], $0xffff  }
0x154: {  	v8 =	vor.u32 v10, v8;
	v29 =	vld.idx.msk [tilespmem:v2+s9+$0x0], $0xffff  }
0x155: {  	[tilespmem:v25+s11+$0x0] =	vst.idx.add.f32.msk $0xffff, v3;
	v3 =	vor.u32 $0x80, v2  }
0x156: {  	v50 =	vld.idx.msk [tilespmem:v11+s9+$0x0], $0xffff  }
0x157: {  	v30 =	vor.u32 $0x100, v7;
	v4 =	vld.idx.msk [tilespmem:v26+s9+$0x0], $0xffff  }
0x158: {  	v6 =	vor.u32 $0x180, v6;
	[tilespmem:v9+s11+$0x0] =	vst.idx.add.f32.msk $0xffff, v1;
	v1 =	vand.u32 $0x7F, v28  }
0x159: {  	[tilespmem:v8+s11+$0x0] =	vst.idx.add.f32.msk $0xffff, v29;
	v1 =	vor.u32 v1, v33  }
0x15a: {  	v34 =	vor.u32 $0x80, v8;
	v3 =	vld.idx.msk [tilespmem:v3+s9+$0x0], $0xffff  }
0x15b: {  	v16 =	vld [tilespmem:s15+$0x1B0];
	v35 =	vor.u32 $0x100, v2  }
0x15c: {  	v36 =	vshll.u32 v31, $0x2;
	[tilespmem:v30+s11+$0x0] =	vst.idx.add.f32.msk $0xffff, v4  }
0x15d: {  	v10 =	vand.u32 $0x7F, v31;
	v7 =	vor.u32 $0x180, v7;
	v4 =	vld.idx.msk [tilespmem:v6+s9+$0x0], $0xffff;
	v6 =	vand.u32 $0xFFFFFE00, v36  }
0x15e: {  	v38 =	vld.idx.msk [tilespmem:v1+s9+$0x0], $0xffff;
	v6 =	vor.u32 v10, v6  }
0x15f: {  	[tilespmem:v34+s11+$0x0] =	vst.idx.add.f32.msk $0xffff, v3;
	v3 =	vor.u32 $0x80, v1  }
0x160: {  	v40 =	vor.u32 $0x100, v8;
	v5 =	vld.idx.msk [tilespmem:v35+s9+$0x0], $0xffff  }
0x161: {  	v17 =	vld [tilespmem:s15+$0x140];
	v2 =	vor.u32 $0x180, v2  }
0x162: {  	[tilespmem:v7+s11+$0x0] =	vst.idx.add.f32.msk $0xffff, v4  }
0x163: {  	v15 =	vshll.u32 v39, $0x2;
	[tilespmem:v6+s11+$0x0] =	vst.idx.add.f32.msk $0xffff, v38  }
0x164: {  	v46 =	vand.u32 $0x7F, v39;
	v47 =	vand.u32 $0xFFFFFE00, v15;
	v43 =	vor.u32 $0x80, v6;
	v3 =	vld.idx.msk [tilespmem:v3+s9+$0x0], $0xffff  }
0x165: {  	v7 =	vor.u32 v46, v47;
	[tilespmem:v40+s11+$0x0] =	vst.idx.add.f32.msk $0xffff, v5  }
0x166: {  	v8 =	vor.u32 $0x180, v8;
	v2 =	vld.idx.msk [tilespmem:v2+s9+$0x0], $0xffff  }
0x167: {  	v24 =	vld [tilespmem:s15+$0x150];
	v45 =	vor.u32 $0x100, v1;
	v5 =	vand.u32 $0xFFFFFE00, v48  }
0x168: {  	v51 =	vshll.u32 v44, $0x2;
	v21 =	vld [tilespmem:s15+$0x1C0];
	v5 =	vor.u32 v49, v5  }
0x169: {  	v53 =	vand.u32 $0x7F, v44;
	v9 =	vand.u32 $0xFFFFFE00, v51;
	[tilespmem:v43+s11+$0x0] =	vst.idx.add.f32.msk $0xffff, v3;
	v3 =	vor.u32 $0x80, v11  }
0x16a: {  	v9 =	vor.u32 v53, v9;
	v54 =	vld.idx.msk [tilespmem:v7+s9+$0x0], $0xffff  }
0x16b: {  	[tilespmem:v8+s11+$0x0] =	vst.idx.add.f32.msk $0xffff, v2;
	v2 =	vor.u32 $0x80, v7  }
0x16c: {  	v52 =	vor.u32 $0x100, v6;
	v4 =	vld.idx.msk [tilespmem:v45+s9+$0x0], $0xffff  }
0x16d: {  	v1 =	vor.u32 $0x180, v1;
	[tilespmem:v5+s11+$0x0] =	vst.idx.add.f32.msk $0xffff, v50  }
0x16e: {  	v55 =	vor.u32 $0x80, v5;
	v3 =	vld.idx.msk [tilespmem:v3+s9+$0x0], $0xffff  }
0x16f: {  	v56 =	vor.u32 $0x100, v11;
	[tilespmem:v9+s11+$0x0] =	vst.idx.add.f32.msk $0xffff, v54  }
0x170: {  	v57 =	vor.u32 $0x80, v9;
	v2 =	vld.idx.msk [tilespmem:v2+s9+$0x0], $0xffff  }
0x171: {  	v58 =	vor.u32 $0x100, v7;
	[tilespmem:v52+s11+$0x0] =	vst.idx.add.f32.msk $0xffff, v4  }
0x172: {  	v1 =	vld.idx.msk [tilespmem:v1+s9+$0x0], $0xffff  }
0x173: {  	v6 =	vor.u32 $0x180, v6;
	[tilespmem:v55+s11+$0x0] =	vst.idx.add.f32.msk $0xffff, v3  }
0x174: {  	v60 =	vor.u32 $0x100, v5;
	v3 =	vld.idx.msk [tilespmem:v56+s9+$0x0], $0xffff  }
0x175: {  	v61 =	vor.u32 $0x180, v11;
	[tilespmem:v57+s11+$0x0] =	vst.idx.add.f32.msk $0xffff, v2  }
0x176: {  	v62 =	vor.u32 $0x100, v9;
	v2 =	vld.idx.msk [tilespmem:v58+s9+$0x0], $0xffff  }
0x177: {  	v63 =	vshll.u32 v59, $0x2;
	v30 =	vld [tilespmem:s15+$0x1D0];
	v7 =	vor.u32 $0x180, v7  }
0x178: {  	v13 =	vand.u32 $0x7F, v59;
	v42 =	vand.u32 $0x7F, v32;
	v11 =	vand.u32 $0xFFFFFE00, v63;
	[tilespmem:v6+s11+$0x0] =	vst.idx.add.f32.msk $0xffff, v1  }
0x179: {  	v18 =	vshll.u32 v16, $0x2;
	v22 =	vshll.u32 v17, $0x2;
	[tilespmem:v60+s11+$0x0] =	vst.idx.add.f32.msk $0xffff, v3;
	v3 =	vor.u32 v13, v11  }
0x17a: {  	v23 =	vand.u32 $0xFFFFFE00, v22;
	v5 =	vor.u32 $0x180, v5;
	v1 =	vand.u32 $0x7F, v17;
	v8 =	vld.idx.msk [tilespmem:v61+s9+$0x0], $0xffff  }
0x17b: {  	v20 =	vand.u32 $0x7F, v16;
	v17 =	vshll.u32 v32, $0x2;
	v1 =	vor.u32 v1, v23;
	[tilespmem:v62+s11+$0x0] =	vst.idx.add.f32.msk $0xffff, v2  }
0x17c: {  	v31 =	vshll.u32 v24, $0x2;
	v9 =	vor.u32 $0x180, v9;
	v43 =	vand.u32 $0xFFFFFE00, v17;
	v2 =	vld.idx.msk [tilespmem:v7+s9+$0x0], $0xffff  }
0x17d: {  	v34 =	vld [tilespmem:s15+$0x1E0];
	v4 =	vand.u32 $0x7F, v24;
	v10 =	vor.u32 v42, v43;
	v11 =	vand.u32 $0xFFFFFE00, v31  }
0x17e: {  	v25 =	vshll.u32 v21, $0x2;
	v4 =	vor.u32 v4, v11;
	v7 =	vand.u32 $0xFFFFFE00, v18;
	v19 =	vld.idx.msk [tilespmem:v3+s9+$0x0], $0xffff  }
0x17f: {  	v26 =	vand.u32 $0x7F, v21;
	v7 =	vor.u32 v20, v7;
	[tilespmem:v5+s11+$0x0] =	vst.idx.add.f32.msk $0xffff, v8;
	v5 =	vand.u32 $0xFFFFFE00, v25  }
0x180: {  	v35 =	vshll.u32 v27, $0x2;
	v28 =	vld.idx.msk [tilespmem:v1+s9+$0x0], $0xffff;
	v5 =	vor.u32 v26, v5  }
0x181: {  	v37 =	vand.u32 $0xFFFFFE00, v35;
	v8 =	vand.u32 $0x7F, v27;
	[tilespmem:v9+s11+$0x0] =	vst.idx.add.f32.msk $0xffff, v2;
	v2 =	vor.u32 $0x80, v3  }
0x182: {  	v16 =	vshll.u32 v30, $0x2;
	v49 =	vld.idx.msk [tilespmem:v10+s9+$0x0], $0xffff;
	v8 =	vor.u32 v8, v37  }
0x183: {  	v39 =	vand.u32 $0x7F, v30;
	v40 =	vand.u32 $0xFFFFFE00, v16;
	v29 =	vor.u32 $0x80, v1;
	v18 =	vld.idx.msk [tilespmem:v4+s9+$0x0], $0xffff  }
0x184: {  	v9 =	vor.u32 v39, v40;
	[tilespmem:v7+s11+$0x0] =	vst.idx.add.f32.msk $0xffff, v19  }
0x185: {  	v44 =	vor.u32 $0x80, v4;
	[tilespmem:v5+s11+$0x0] =	vst.idx.add.f32.msk $0xffff, v28  }
0x186: {  	v33 =	vor.u32 $0x80, v7;
	v2 =	vld.idx.msk [tilespmem:v2+s9+$0x0], $0xffff  }
0x187: {  	v36 =	vor.u32 $0x100, v3;
	v45 =	vld.idx.msk [tilespmem:v8+s9+$0x0], $0xffff  }
0x188: {  	v38 =	vor.u32 $0x80, v5;
	v6 =	vld.idx.msk [tilespmem:v29+s9+$0x0], $0xffff  }
0x189: {  	v48 =	vor.u32 $0x100, v1;
	[tilespmem:v9+s11+$0x0] =	vst.idx.add.f32.msk $0xffff, v18  }
0x18a: {  	v51 =	vor.u32 $0x80, v9;
	v12 =	vld.idx.msk [tilespmem:v44+s9+$0x0], $0xffff  }
0x18b: {  	v19 =	vor.u32 $0x100, v4;
	[tilespmem:v33+s11+$0x0] =	vst.idx.add.f32.msk $0xffff, v2;
	v2 =	vshll.u32 v34, $0x2  }
0x18c: {  	v13 =	vand.u32 $0x7F, v34;
	v55 =	vor.u32 $0x100, v7;
	v11 =	vld.idx.msk [tilespmem:v36+s9+$0x0], $0xffff;
	v2 =	vand.u32 $0xFFFFFE00, v2  }
0x18d: {  	v47 =	vshll.u32 v41, $0x2;
	[tilespmem:v38+s11+$0x0] =	vst.idx.add.f32.msk $0xffff, v6;
	v2 =	vor.u32 v13, v2  }
0x18e: {  	v16 =	vand.u32 $0x7F, v41;
	v46 =	vor.u32 $0x80, v8;
	v14 =	vld.idx.msk [tilespmem:v48+s9+$0x0], $0xffff;
	v13 =	vand.u32 $0xFFFFFE00, v47  }
0x18f: {  	[tilespmem:v51+s11+$0x0] =	vst.idx.add.f32.msk $0xffff, v12;
	v13 =	vor.u32 v16, v13  }
0x190: {  	v50 =	vor.u32 $0x80, v10;
	v57 =	vld.idx.msk [tilespmem:v19+s9+$0x0], $0xffff  }
0x191: {  	v56 =	vor.u32 $0x100, v5;
	[tilespmem:v55+s11+$0x0] =	vst.idx.add.f32.msk $0xffff, v11  }
0x192: {  	v58 =	vor.u32 $0x100, v9;
	[tilespmem:v2+s11+$0x0] =	vst.idx.add.f32.msk $0xffff, v45  }
0x193: {  	v52 =	vor.u32 $0x80, v2;
	v6 =	vld.idx.msk [tilespmem:v46+s9+$0x0], $0xffff  }
0x194: {  	v20 =	vor.u32 $0x100, v8;
	[tilespmem:v13+s11+$0x0] =	vst.idx.add.f32.msk $0xffff, v49  }
0x195: {  	v53 =	vor.u32 $0x80, v13;
	v16 =	vld.idx.msk [tilespmem:v50+s9+$0x0], $0xffff  }
0x196: {  	v54 =	vor.u32 $0x100, v10;
	[tilespmem:v56+s11+$0x0] =	vst.idx.add.f32.msk $0xffff, v14  }
0x197: {  	v3 =	vor.u32 $0x180, v3;
	[tilespmem:v58+s11+$0x0] =	vst.idx.add.f32.msk $0xffff, v57  }
0x198: {  	v1 =	vor.u32 $0x180, v1;
	[tilespmem:v52+s11+$0x0] =	vst.idx.add.f32.msk $0xffff, v6  }
0x199: {  	v4 =	vor.u32 $0x180, v4;
	v20 =	vld.idx.msk [tilespmem:v20+s9+$0x0], $0xffff  }
0x19a: {  	v59 =	vor.u32 $0x100, v2;
	[tilespmem:v53+s11+$0x0] =	vst.idx.add.f32.msk $0xffff, v16  }
0x19b: {  	v60 =	vor.u32 $0x100, v13;
	v12 =	vld.idx.msk [tilespmem:v54+s9+$0x0], $0xffff  }
0x19c: {  	v61 =	vor.u32 $0x180, v8;
	v3 =	vld.idx.msk [tilespmem:v3+s9+$0x0], $0xffff  }
0x19d: {  	v62 =	vor.u32 $0x180, v10;
	v1 =	vld.idx.msk [tilespmem:v1+s9+$0x0], $0xffff  }
0x19e: {  	v7 =	vor.u32 $0x180, v7;
	v4 =	vld.idx.msk [tilespmem:v4+s9+$0x0], $0xffff  }
0x19f: {  	v5 =	vor.u32 $0x180, v5;
	[tilespmem:v59+s11+$0x0] =	vst.idx.add.f32.msk $0xffff, v20  }
0x1a0: {  	v9 =	vor.u32 $0x180, v9;
	[tilespmem:v60+s11+$0x0] =	vst.idx.add.f32.msk $0xffff, v12  }
0x1a1: {  	s14 =	sadd.s32 $0x10, s14;
	v2 =	vor.u32 $0x180, v2;
	v6 =	vld.idx.msk [tilespmem:v61+s9+$0x0], $0xffff  }
0x1a2: {  	p1 =	slt.u32 s14, $0x280;
	v63 =	vor.u32 $0x180, v13;
	v8 =	vld.idx.msk [tilespmem:v62+s9+$0x0], $0xffff  }
.Ltmp5:
0x1a3: {  	[tilespmem:v7+s11+$0x0] =	vst.idx.add.f32.msk $0xffff, v3;
	(pc) =	sbr.rel @p1 .LBB2_7-.Ltmp5, $4  }
0x1a4: {  	[tilespmem:v5+s11+$0x0] =	vst.idx.add.f32.msk $0xffff, v1  }
0x1a5: {  	[tilespmem:v9+s11+$0x0] =	vst.idx.add.f32.msk $0xffff, v4  }
0x1a6: {  	[tilespmem:v2+s11+$0x0] =	vst.idx.add.f32.msk $0xffff, v6  }
0x1a7: {  	s15 =	sadd.s32 $0x200, s15;
	[tilespmem:v63+s11+$0x0] =	vst.idx.add.f32.msk $0xffff, v8  }
.Ltmp6:
0x1a8: {  	_ = 	snop;
	(pc) =	sbr.rel .LBB2_8-.Ltmp6, $1  }
0x1a9: {  	_ =	sdelay $0x3  }
.LBB2_9:
0x1aa: {  	_ =	sfence.sel $0x180000  }
0x1ab: {  	[bflag:$0x0] =	sbarrier.arrive $0xFFFF  }
0x1ac: {  	p0 =	sne.s32 s0, $0x0;
	_ =	strace $0x9000004A  }
0x1ad: {  	s0 =	sadd.s32 @!p0 $0x100000, s1;
	[bflag:$0x2] =	sbarrier.arrive $0xFFFF  }
0x1ae: {  	[sflag:s0] =	ssyncadd.tile.s32 @!p0 $0x1;
	_ =	shalt  }
.Lfunc_end2:
_tile_overlayer_lowered:
.L_overlay_start_2:
0x1af: {  	(tag) =	ssettag $0x2  }
0x1b0: {  	s0 =	rddreg [dreg:$0x0];
	s2 =	stileid.u32  }
0x1b1: {  	s1 =	rddreg [dreg:$0x1];
	p0 =	sne.s32 s2, $0x0  }
0x1b2: {  	s3 =	rddreg [dreg:$0x2];
	[bflag:$0x3] =	sbarrier.arrive $0xFFFF;
	s2 =	simm.s32 @!p0 $0x1C02  }
0x1b3: {  	[timem:s3], [sflag:s2] =	dma.local @!p0 [hbm:s0], s1  }
0x1b4: {  	s0 =	simm.s32 @!p0 $0x2  }
0x1b5: {  	_ =	swait.ge @!p0 [sflag:s0], s1  }
0x1b6: {  	s1 =	ssub.s32 @!p0 $0x0, s1;
	[sflag:s0] =	ssyncset.done @!p0 $0x0  }
0x1b7: {  	[sflag:s0] =	ssyncadd.s32 @!p0 s1  }
0x1b8: {  	[bflag:$0x3] =	sbarrier.arrive $0xFFFF  }
0x1b9: {  	_ =	shalt  }

// kernel: kernel.17.cloned.1.call-start
scs
__scs_entry_jumppad:
0x0: {  	(pc) =	sbr.rel $0x88, $3  }
0x1: {  	(tag) =	ssettag $0x0;
	lr =	simm.s32 $0x1  }
0x2: {  	[smem:$0x3F99] =	sst lr;
	_ =	strace $0xD0000000  }
0x3: {  	_ = 	snop  }
0x4: {  	_ = 	snop  }
0x5: {  	_ = 	snop  }
0x6: {  	_ = 	snop  }
0x7: {  	_ = 	snop  }
__scs_overlays_trampoline_lowered:
0x8: {  	[smem:$0x3FA8] =	sst s0  }
0x9: {  	[smem:$0x3FA9] =	sst s1  }
0xa: {  	[smem:$0x3FAA] =	sst s2  }
0xb: {  	[smem:$0x3FAB] =	sst s3  }
0xc: {  	[smem:$0x3FAC] =	sst s4  }
0xd: {  	[smem:$0x3FAD] =	sst s5  }
0xe: {  	[smem:$0x3FAE] =	sst s6  }
0xf: {  	[smem:$0x3FAF] =	sst s7  }
0x10: {  	[smem:$0x3FB0] =	sst s8  }
0x11: {  	[smem:$0x3FB1] =	sst s9;
	s0 =	simm.s32 @!p0 $0x0  }
0x12: {  	s1 =	sld [smem:$0x3F97];
	s0 =	simm.s32 @p0 $0x1  }
0x13: {  	[smem:$0x3FB2] =	sst s0;
	s0 =	simm.s32 @!p1 $0x0  }
0x14: {  	s2 =	sld [smem:$0x3F96];
	s0 =	simm.s32 @p1 $0x1  }
0x15: {  	[smem:$0x3FB3] =	sst s0;
	s0 =	simm.s32 @!p2 $0x0  }
0x16: {  	s3 =	sld [smem:$0x3FDB];
	s0 =	simm.s32 @p2 $0x1  }
0x17: {  	s4 =	simm.s32 $0x1BF5;
	[smem:$0x3FB5] =	sst s0  }
0x18: {  	s0 =	sld [smem:$0x3F98];
	_ =	swait.ge [sflag:s4], $0x0  }
0x19: {  	s7 =	sld [smem:$0x3F99]  }
0x1a: {  	s8 =	sadd.s32 $0xFFFFE003, lr  }
0x1b: {  	s9 =	sadd.s32 $0xFFFFFEF7, lr;
	s5 =	simm.s32 $0xFFFFFFFF;
	p2 =	slt.u32 s8, $0xFFFFF086  }
0x1c: {  	p1 =	slt.u32 s9, $0xF7A;
	s5 =	simm.s32 @!p2 $0x0  }
0x1d: {  	s5 =	simm.s32 @p1 $0x1;
	p0 =	seq.s32 s7, s2  }
0x1e: {  	s7 =	smul.u32 @!p0 $0xF7A, s2;
	p2 =	seq.s32 @!p0 s5, $0x0  }
0x1f: {  	s9 =	smul.u32 $0xF7A, s1;
	s8 =	simm.s32 @!p0 $0x1BF5;
	p2 =	por !p2, p0  }
0x20: {  	[sflag:s8] =	ssyncset.s32 @!p0 $0xFFFFF086;
	s6 =	sadd.s32 @!p0 s3, s7;
	s7 =	simm.s32 @!p0 $0x108  }
0x21: {  	s3 =	sadd.s32 s3, s9;
	s6 =	sadd.s32 @!p0 $0x88, s6;
	s7 =	simm.s32 @p2 $0x1082  }
0x22: {  	[simem:s7], [sflag:s8] =	dma.local @!p0 [hbm:s6], $0xF7A  }
0x23: {  	s9 =	sor.u32 $0xD0000000, s2;
	s6 =	simm.s32 $0x108;
	_ =	swait.ge @!p0 [sflag:s8], $0x0  }
0x24: {  	s3 =	sadd.s32 $0x88, s3;
	s6 =	simm.s32 @!p1 $0x1082;
	[sflag:s4] =	ssyncset.s32 $0xFFFFF086  }
0x25: {  	[simem:s6], [sflag:s4] =	dma.local [hbm:s3], $0xF7A  }
0x26: {  	[smem:$0x3F99] =	sst s1;
	(tag) =	ssettag s2;
	_ =	strace s9  }
0x27: {  	s1 =	sld [smem:$0x3FA9]  }
0x28: {  	s2 =	sld [smem:$0x3FAA]  }
0x29: {  	s4 =	sld [smem:$0x3FAC]  }
0x2a: {  	p0 =	seq.s32 s5, $0x0;
	s5 =	sld [smem:$0x3FAD]  }
0x2b: {  	s6 =	sld [smem:$0x3FAE]  }
0x2c: {  	s7 =	sld [smem:$0x3FAF]  }
0x2d: {  	s3 =	simm.s32 $0x108;
	s8 =	sld [smem:$0x3FB0]  }
0x2e: {  	s3 =	simm.s32 @!p0 $0x1082;
	s9 =	sld [smem:$0x3FB1]  }
0x2f: {  	lr =	sadd.s32 s0, s3;
	s0 =	sld [smem:$0x3FA8]  }
0x30: {  	s3 =	sld [smem:$0x3FAB]  }
0x31: {  	[smem:$0x3FB4] =	sst s10  }
0x32: {  	s10 =	sld [smem:$0x3FB2];
	_ =	sdelay $0x3  }
0x33: {  	p0 =	seq.s32 s10, $0x1;
	s10 =	sld [smem:$0x3FB4];
	_ =	sdelay $0x3  }
0x34: {  	[smem:$0x3FB4] =	sst s10  }
0x35: {  	s10 =	sld [smem:$0x3FB3];
	_ =	sdelay $0x3  }
0x36: {  	p1 =	seq.s32 s10, $0x1;
	s10 =	sld [smem:$0x3FB4];
	_ =	sdelay $0x3  }
0x37: {  	[smem:$0x3FB4] =	sst s10  }
0x38: {  	s10 =	sld [smem:$0x3FB5]  }
0x39: {  	_ = 	snop;
	(pc) =	sbr.ind lr, $3  }
0x3a: {  	_ = 	snop  }
0x3b: {  	_ = 	snop  }
0x3c: {  	p2 =	seq.s32 s10, $0x1;
	s10 =	sld [smem:$0x3FB4]  }
0x3d: {  	_ =	shalt  }
0x3e: {  	_ =	shalt  }
0x3f: {  	_ =	shalt  }
0x40: {  	_ =	shalt  }
0x41: {  	_ =	shalt  }
0x42: {  	_ =	shalt  }
0x43: {  	_ =	shalt  }
0x44: {  	_ =	shalt  }
0x45: {  	_ =	shalt  }
0x46: {  	_ =	shalt  }
0x47: {  	_ =	shalt  }
0x48: {  	_ =	shalt  }
0x49: {  	_ =	shalt  }
0x4a: {  	_ =	shalt  }
0x4b: {  	_ =	shalt  }
0x4c: {  	_ =	shalt  }
0x4d: {  	_ =	shalt  }
0x4e: {  	_ =	shalt  }
0x4f: {  	_ =	shalt  }
0x50: {  	_ =	shalt  }
0x51: {  	_ =	shalt  }
0x52: {  	_ =	shalt  }
0x53: {  	_ =	shalt  }
0x54: {  	_ =	shalt  }
0x55: {  	_ =	shalt  }
0x56: {  	_ =	shalt  }
0x57: {  	_ =	shalt  }
0x58: {  	_ =	shalt  }
0x59: {  	_ =	shalt  }
0x5a: {  	_ =	shalt  }
0x5b: {  	_ =	shalt  }
0x5c: {  	_ =	shalt  }
0x5d: {  	_ =	shalt  }
0x5e: {  	_ =	shalt  }
0x5f: {  	_ =	shalt  }
0x60: {  	_ =	shalt  }
0x61: {  	_ =	shalt  }
0x62: {  	_ =	shalt  }
0x63: {  	_ =	shalt  }
0x64: {  	_ =	shalt  }
0x65: {  	_ =	shalt  }
0x66: {  	_ =	shalt  }
0x67: {  	_ =	shalt  }
0x68: {  	_ =	shalt  }
0x69: {  	_ =	shalt  }
0x6a: {  	_ =	shalt  }
0x6b: {  	_ =	shalt  }
0x6c: {  	_ =	shalt  }
0x6d: {  	_ =	shalt  }
0x6e: {  	_ =	shalt  }
0x6f: {  	_ =	shalt  }
0x70: {  	_ =	shalt  }
0x71: {  	_ =	shalt  }
0x72: {  	_ =	shalt  }
0x73: {  	_ =	shalt  }
0x74: {  	_ =	shalt  }
0x75: {  	_ =	shalt  }
0x76: {  	_ =	shalt  }
0x77: {  	_ =	shalt  }
0x78: {  	_ =	shalt  }
0x79: {  	_ =	shalt  }
0x7a: {  	_ =	shalt  }
0x7b: {  	_ =	shalt  }
0x7c: {  	_ =	shalt  }
0x7d: {  	_ =	shalt  }
0x7e: {  	_ =	shalt  }
0x7f: {  	_ =	shalt  }
0x80: {  	_ =	shalt  }
0x81: {  	_ =	shalt  }
0x82: {  	_ =	shalt  }
0x83: {  	_ =	shalt  }
0x84: {  	_ =	shalt  }
0x85: {  	_ =	shalt  }
0x86: {  	_ =	shalt  }
0x87: {  	_ =	shalt  }
.Lfunc_end0:
.L_simem_size_0:
called_computation.2_lowered:
.L_overlay_start_0:
0x88: {  	s2 =	sld [smem:$0x3FD9]  }
0x89: {  	s3 =	sld [smem:$0x3FFE];
	_ =	sdelay $0x1  }
0x8a: {  	s1 =	srdreg.scid  }
0x8b: {  	s0 =	sand.u32 $0x1, s1  }
0x8c: {  	s17 =	sshll.u32 s0, $0xA;
	s2 =	sadd.s32 s3, s2  }
0x8d: {  	s2 =	sadd.s32 s2, s17  }
0x8e: {  	[smem:$0x3FC0] =	sst s2  }
0x8f: {  	_ = 	snop  }
0x90: {  	s2 =	sld [smem:$0x3FC8];
	(tm) =	ssettm $0x1  }
0x91: {  	s18 =	sld [smem:$0x3FFB];
	_ =	sdelay $0x3  }
0x92: {  	_ =	strace s18  }
0x93: {  	s3 =	sld [smem:$0x3FFC];
	_ =	sdelay $0x3  }
0x94: {  	_ =	strace s3  }
0x95: {  	s3 =	sld [smem:$0x3FFD];
	_ =	sdelay $0x3  }
0x96: {  	_ =	strace s3  }
0x97: {  	_ =	strace $0x8FFFFFFF  }
0x98: {  	s19 =	sld [smem:$0x3FDB];
	_ =	sdelay $0x1  }
0x99: {  	s4 =	simm.s32 $_scs_section_size  }
0x9a: {  	s5 =	simm.s32 $_size__tile_overlayer_lowered;
	s6 =	simm.s32 $_tile_overlayer_lowered  }
0x9b: {  	s22 =	simm.s32 $0x1BFF;
	s21 =	sshll.u32 s6, $0x1;
	s3 =	sadd.s32 s4, s19  }
0x9c: {  	s7 =	simm.s32 $0x0;
	s20 =	sshll.u32 s5, $0x1;
	s5 =	sadd.s32 s21, s3  }
0x9d: {  	[timem:s7], [sflag:s22] =	dma.local [hbm:s5], s20  }
0x9e: {  	_ =	swait.ge [sflag:s22], s20  }
0x9f: {  	s4 =	ssub.s32 $0x0, s20;
	[sflag:s22] =	ssyncset.done $0x0  }
0xa0: {  	[sflag:s22] =	ssyncadd.s32 s4;
	_ =	sdelay $0x1  }
0xa1: {  	s23 =	simm.s32 $0x1B8B  }
0xa2: {  	_ =	swait.ge [sflag:s23], $0x1  }
0xa3: {  	[sflag:s23] =	ssyncset.done $0x0  }
0xa4: {  	s25 =	simm.s32 $0x1B8E;
	s24 =	sld [smem:$0x3FFE];
	[sflag:s23] =	ssyncadd.s32 $0xFFFFFFFF  }
0xa5: {  	s26 =	simm.s32 $execute0_lowered;
	[smem:$0x3FD2] =	sst s25  }
0xa6: {  	s5 =	sshll.u32 s26, $0x1;
	_ =	strace $0x8000004C;
	[dreg:$0x1] =	wrdreg $0xFFFFFFFF  }
0xa7: {  	s28 =	simm.s32 $_size_execute0_lowered;
	s3 =	sadd.s32 s3, s5;
	[dreg:$0x0] =	wrdreg $0x0  }
0xa8: {  	s5 =	sshll.u32 s28, $0x1;
	[dreg:$0x2] =	wrdreg s3  }
0xa9: {  	[dreg:$0x3] =	wrdreg s5  }
0xaa: {  	[dreg:$0x4] =	wrdreg $0xC0  }
0xab: {  	_ =	task [dreg:s7], $0x5FFFF  }
0xac: {  	[dreg:$0x1] =	wrdreg $0xFFFFFFFF  }
0xad: {  	[dreg:$0x0] =	wrdreg $0x60  }
0xae: {  	[dreg:$0x2] =	wrdreg s24  }
0xaf: {  	[dreg:$0x3] =	wrdreg s2  }
0xb0: {  	[dreg:$0x4] =	wrdreg $0x9  }
0xb1: {  	_ =	task.clear_ibuf [dreg:s7], $0x5FFFF;
	_ =	strace $0x9000004C  }
0xb2: {  	s29 =	simm.s32 $0x9;
	_ =	strace $0x8000004E  }
0xb3: {  	_ =	swait.ge [sflag:s29], $0x1  }
0xb4: {  	[sflag:s29] =	ssyncadd.s32 $0xFFFFFFFF  }
0xb5: {  	_ =	strace $0x9000004E  }
0xb6: {  	_ =	sfence  }
0xb7: {  	s30 =	sld [smem:$0x0];
	_ =	sdelay $0x2  }
0xb8: {  	s31 =	sshll.u32 s1, $0xD;
	s1 =	sshrl.u32 s1, $0x2  }
0xb9: {  	s3 =	sand.u32 $0x4000, s31;
	s1 =	sadd.s32 s1, s30  }
0xba: {  	s0 =	sor.u32 s3, s0;
	s1 =	sshll.u32 s1, $0x11  }
0xbb: {  	s0 =	sor.u32 s1, s0  }
0xbc: {  	s0 =	sadd.s32 $0x8F2B, s0  }
0xbd: {  	[sflag:s0] =	ssyncadd.remote.s32 $0x1  }
0xbe: {  	_ =	sfence.sel $0xFFFF  }
0xbf: {  	[dreg:$0x0] =	wrdreg $0xFFFFFFFF;
	(pc) =	sbr.abs _section_cstart, $3  }
0xc0: {  	[dreg:$0x1] =	wrdreg $0xFFFFFFFF  }
0xc1: {  	_ =	task.clear_ibuf [dreg:s7], $0x2FFFF;
	_ =	strace $0x9FFFFFFF  }
0xc2: {  	(tm) =	ssettm $0x7FFFFFFF  }
0xc3: {  	_ =	shalt  }
tec
execute0_lowered:
.L_overlay_start_1:
0x0: {  	(tag) =	ssettag $0x1  }
0x1: {  	s4 =	rddreg [dreg:$0x0]  }
0x2: {  	s1 =	srdreg.scid;
	s0 =	stileid.u32  }
0x3: {  	s5 =	rddreg [dreg:$0x1];
	s2 =	simm.s32 $0x0;
	s9 =	simm.s32 $0x5200  }
0x4: {  	s10 =	simm.s32 $0x1;
	s3 =	sand.u32 $0x1, s1;
	s6 =	sshll.u32 s0, $0x1  }
0x5: {  	s11 =	simm.s32 $0xA200;
	s1 =	rddreg [dreg:$0x2];
	s12 =	sor.u32 s3, s6  }
0x6: {  	s13 =	simm.s32 $0x0;
	[smem:$0x7FF] =	sst s2;
	s6 =	smul.u32 $0xA00, s12  }
.Ltmp0:
0x7: {  	_ =	strace $0x8000004D;
	s7 =	ssub.s32 $0x2, s3;
	(pc) =	sbr.rel .LBB2_1-.Ltmp0, $4  }
0x8: {  	s3 =	sadd.s32 $0x3800, s4;
	s8 =	smul.u32 $0x9C0, s12;
	s31 =	sshrl.u32 s7, $0x1  }
0x9: {  	p0 =	sne.s32 s12, $0x1F;
	s12 =	simm.s32 $0x2;
	s7 =	ssub.s32 s7, s31  }
0xa: {  	s6 =	sadd.s32 s6, s4;
	s4 =	sadd.s32 s5, s8;
	s5 =	sadd.s32 $0x13800, s5  }
0xb: {  	v0 =	vimm.f32 $0.0e+00;
	s7 =	smax.u32 s7, $0x1;
	s8 =	simm.s32 $0x4E00;
	s6 =	sadd.s32 $0x4200, s6  }
.LBB2_8:
0xc: {  	s13 =	sadd.s32 $0x1, s13  }
0xd: {  	p1 =	sne.s32 s13, s7  }
.Ltmp1:
0xe: {  	_ = 	snop;
	(pc) =	sbr.rel @!p1 .LBB2_9-.Ltmp1, $4  }
0xf: {  	[hbm4b:s6+s2] =	stream.linear.scatter [tilespmem:s11], [sflag:$0x2], $0x5000, $0x38;
	[tilespmem:$0xF200] =	vst v63  }
0x10: {  	_ =	swait.ge [sflag:s12], $0x5000  }
0x11: {  	[sflag:s12] =	ssyncset.done $0x0  }
0x12: {  	[sflag:s12] =	ssyncadd.s32 $0xFFFFB000  }
.LBB2_1:
0x13: {  	[tilespmem:s2], [sflag:$0x1] =	stream.linear.gather [hbm4b:s4+s2], $0x4E00, $0x38;
	[tilespmem:$0xF200] =	vst v63  }
0x14: {  	_ = 	snop  }
0x15: {  	[tilespmem:s8], [sflag:$0x1] =	stream.linear.gather [hbm4b:s5+s2], $0x400, $0x38;
	[tilespmem:$0xF200] =	vst v63  }
0x16: {  	s14 =	simm.s32 $0xA280  }
0x17: {  	[tilespmem:s9], [sflag:$0x1] =	stream.linear.gather [hbm4b:s3+s2], $0x5000, $0x38;
	[tilespmem:$0xF200] =	vst v63  }
0x18: {  	[tilespmem:s14+$0xFFFFFF80] =	vst v0  }
0x19: {  	[tilespmem:s14+$0x70] =	vst v0  }
0x1a: {  	[tilespmem:s14+$0xFFFFFFF0] =	vst v0  }
0x1b: {  	[tilespmem:s14+$0x60] =	vst v0  }
0x1c: {  	[tilespmem:s14+$0xFFFFFFE0] =	vst v0  }
0x1d: {  	[tilespmem:s14+$0x50] =	vst v0  }
0x1e: {  	[tilespmem:s14+$0xFFFFFFD0] =	vst v0  }
0x1f: {  	[tilespmem:s14+$0x40] =	vst v0  }
0x20: {  	[tilespmem:s14+$0xFFFFFFC0] =	vst v0  }
0x21: {  	[tilespmem:s14+$0x30] =	vst v0  }
0x22: {  	[tilespmem:s14+$0xFFFFFFB0] =	vst v0  }
0x23: {  	[tilespmem:s14+$0x20] =	vst v0  }
0x24: {  	[tilespmem:s14+$0xFFFFFFA0] =	vst v0  }
0x25: {  	[tilespmem:s14+$0x10] =	vst v0  }
0x26: {  	s15 =	simm.s32 $0x0;
	[tilespmem:s14+$0xFFFFFF90] =	vst v0  }
.LBB2_2:
0x27: {  	s15 =	sadd.s32 $0x8, s15;
	[tilespmem:s14+$0x0] =	vst v0;
	s14 =	sadd.s32 $0x100, s14  }
0x28: {  	[tilespmem:s14+$0xFFFFFF80] =	vst v0;
	p1 =	slt.u32 s15, $0x278  }
0x29: {  	[tilespmem:s14+$0x70] =	vst v0  }
0x2a: {  	[tilespmem:s14+$0xFFFFFFF0] =	vst v0  }
0x2b: {  	[tilespmem:s14+$0x60] =	vst v0  }
0x2c: {  	[tilespmem:s14+$0xFFFFFFE0] =	vst v0  }
0x2d: {  	[tilespmem:s14+$0x50] =	vst v0  }
0x2e: {  	[tilespmem:s14+$0xFFFFFFD0] =	vst v0  }
0x2f: {  	[tilespmem:s14+$0x40] =	vst v0  }
0x30: {  	[tilespmem:s14+$0xFFFFFFC0] =	vst v0  }
0x31: {  	[tilespmem:s14+$0x30] =	vst v0  }
.Ltmp2:
0x32: {  	[tilespmem:s14+$0xFFFFFFB0] =	vst v0;
	(pc) =	sbr.rel @p1 .LBB2_2-.Ltmp2, $4  }
0x33: {  	[tilespmem:s14+$0x20] =	vst v0  }
0x34: {  	[tilespmem:s14+$0xFFFFFFA0] =	vst v0  }
0x35: {  	[tilespmem:s14+$0x10] =	vst v0  }
0x36: {  	[tilespmem:s14+$0xFFFFFF90] =	vst v0  }
0x37: {  	[tilespmem:s14+$0x0] =	vst v0  }
0x38: {  	_ =	swait.ge [sflag:s10], $0x4E00  }
0x39: {  	[sflag:s10] =	ssyncset.done $0x0  }
0x3a: {  	[sflag:s10] =	ssyncadd.s32 $0xFFFFB200  }
0x3b: {  	_ =	swait.ge [sflag:s10], $0x400  }
0x3c: {  	[sflag:s10] =	ssyncset.done $0x0  }
0x3d: {  	[sflag:s10] =	ssyncadd.s32 $0xFFFFFC00  }
0x3e: {  	_ =	swait.ge [sflag:s10], $0x5000  }
0x3f: {  	[sflag:s10] =	ssyncset.done $0x0  }
0x40: {  	s14 =	simm.s32 $0xFFFFFFF0;
	s15 =	simm.s32 $0x100;
	[sflag:s10] =	ssyncadd.s32 $0xFFFFB000  }
.LBB2_4:
0x41: {  	v1 =	vld [tilespmem:s15+$0xFFFFFF00]  }
0x42: {  	v2 =	vld [tilespmem:s15+$0xFFFFFF10]  }
0x43: {  	v3 =	vld [tilespmem:s15+$0xFFFFFF80]  }
0x44: {  	v37 =	vld [tilespmem:s15+$0xFFFFFF90]  }
0x45: {  	v6 =	vld [tilespmem:s15+$0xFFFFFF20]  }
0x46: {  	v8 =	vld [tilespmem:s15+$0xFFFFFFA0]  }
0x47: {  	v43 =	vld [tilespmem:s15+$0xFFFFFF30]  }
0x48: {  	v46 =	vld [tilespmem:s15+$0xFFFFFF40]  }
0x49: {  	v47 =	vld [tilespmem:s15+$0xFFFFFFB0]  }
0x4a: {  	v48 =	vld [tilespmem:s15+$0xFFFFFFC0]  }
0x4b: {  	v53 =	vld [tilespmem:s15+$0xFFFFFF50]  }
0x4c: {  	v55 =	vld [tilespmem:s15+$0xFFFFFF60];
	v4 =	vshll.u32 v1, $0x1  }
0x4d: {  	v59 =	vld [tilespmem:s15+$0xFFFFFFD0];
	v1 =	vand.u32 $0x7F, v1;
	v5 =	vshll.u32 v2, $0x1;
	v4 =	vand.u32 $0xFFFFFF00, v4  }
0x4e: {  	v62 =	vld [tilespmem:s15+$0xFFFFFFE0];
	v2 =	vand.u32 $0x7F, v2;
	v7 =	vshll.u32 v3, $0x1;
	v1 =	vor.u32 v1, v4  }
0x4f: {  	v12 =	vld [tilespmem:s15+$0xFFFFFF70];
	v3 =	vand.u32 $0x7F, v3;
	v40 =	vshll.u32 v37, $0x1;
	v9 =	vshll.u32 v6, $0x1  }
0x50: {  	v16 =	vld [tilespmem:s15+$0xFFFFFFF0];
	v41 =	vand.u32 $0x7F, v6;
	v5 =	vand.u32 $0xFFFFFF00, v5;
	v42 =	vand.u32 $0xFFFFFF00, v9  }
0x51: {  	v19 =	vld [tilespmem:s15+$0x0];
	v2 =	vor.u32 v2, v5;
	v4 =	vand.u32 $0x7F, v37;
	v5 =	vand.u32 $0xFFFFFF00, v40  }
0x52: {  	v21 =	vld [tilespmem:s15+$0x10];
	v38 =	vand.u32 $0xFFFFFF00, v7;
	v4 =	vor.u32 v4, v5;
	v5 =	vor.u32 v41, v42  }
0x53: {  	v3 =	vor.u32 v3, v38;
	v39 =	vld.idx.msk [tilespmem:v1+s9+$0x0], $0xffff  }
0x54: {  	v24 =	vld [tilespmem:s15+$0x80];
	v1 =	vor.u32 $0x80, v1  }
0x55: {  	v25 =	vld [tilespmem:s15+$0x20]  }
0x56: {  	v44 =	vshll.u32 v8, $0x1;
	v10 =	vld.idx.msk [tilespmem:v2+s9+$0x0], $0xffff  }
0x57: {  	v8 =	vand.u32 $0x7F, v8;
	v7 =	vand.u32 $0xFFFFFF00, v44;
	v2 =	vor.u32 $0x80, v2;
	v45 =	vld.idx.msk [tilespmem:v5+s9+$0x0], $0xffff  }
0x58: {  	v7 =	vor.u32 v8, v7;
	[tilespmem:v3+s11+$0x0] =	vst.idx.add.f32.msk $0xffff, v39  }
0x59: {  	v3 =	vor.u32 $0x80, v3;
	v1 =	vld.idx.msk [tilespmem:v1+s9+$0x0], $0xffff  }
0x5a: {  	v29 =	vld [tilespmem:s15+$0xA0];
	v5 =	vor.u32 $0x80, v5  }
0x5b: {  	[tilespmem:v4+s11+$0x0] =	vst.idx.add.f32.msk $0xffff, v10  }
0x5c: {  	v11 =	vshll.u32 v43, $0x1;
	v2 =	vld.idx.msk [tilespmem:v2+s9+$0x0], $0xffff  }
0x5d: {  	v6 =	vand.u32 $0x7F, v43;
	v11 =	vand.u32 $0xFFFFFF00, v11;
	v4 =	vor.u32 $0x80, v4;
	[tilespmem:v7+s11+$0x0] =	vst.idx.add.f32.msk $0xffff, v45  }
0x5e: {  	v49 =	vshll.u32 v46, $0x1;
	[tilespmem:v3+s11+$0x0] =	vst.idx.add.f32.msk $0xffff, v1;
	v1 =	vor.u32 v6, v11  }
0x5f: {  	v8 =	vand.u32 $0x7F, v46;
	v5 =	vld.idx.msk [tilespmem:v5+s9+$0x0], $0xffff;
	v3 =	vor.u32 $0x80, v7;
	v7 =	vand.u32 $0xFFFFFF00, v49  }
0x60: {  	v34 =	vld [tilespmem:s15+$0x30];
	v7 =	vor.u32 v8, v7  }
0x61: {  	v35 =	vld [tilespmem:s15+$0xB0];
	v50 =	vshll.u32 v47, $0x1  }
0x62: {  	v51 =	vand.u32 $0xFFFFFF00, v50;
	[tilespmem:v4+s11+$0x0] =	vst.idx.add.f32.msk $0xffff, v2;
	v2 =	vand.u32 $0x7F, v47  }
0x63: {  	v54 =	vshll.u32 v48, $0x1;
	v2 =	vor.u32 v2, v51;
	v52 =	vld.idx.msk [tilespmem:v1+s9+$0x0], $0xffff  }
0x64: {  	v56 =	vand.u32 $0xFFFFFF00, v54;
	v1 =	vor.u32 $0x80, v1;
	[tilespmem:v3+s11+$0x0] =	vst.idx.add.f32.msk $0xffff, v5;
	v3 =	vand.u32 $0x7F, v48  }
0x65: {  	v57 =	vld.idx.msk [tilespmem:v7+s9+$0x0], $0xffff;
	v3 =	vor.u32 v3, v56  }
0x66: {  	v36 =	vld [tilespmem:s15+$0x40];
	v58 =	vor.u32 $0x80, v7  }
0x67: {  	v60 =	vshll.u32 v53, $0x1;
	v44 =	vld [tilespmem:s15+$0xD0]  }
0x68: {  	v4 =	vand.u32 $0x7F, v53;
	v8 =	vand.u32 $0xFFFFFF00, v60;
	[tilespmem:v2+s11+$0x0] =	vst.idx.add.f32.msk $0xffff, v52  }
0x69: {  	v4 =	vor.u32 v4, v8;
	v1 =	vld.idx.msk [tilespmem:v1+s9+$0x0], $0xffff  }
0x6a: {  	v61 =	vshll.u32 v55, $0x1;
	v2 =	vor.u32 $0x80, v2;
	[tilespmem:v3+s11+$0x0] =	vst.idx.add.f32.msk $0xffff, v57  }
0x6b: {  	v9 =	vand.u32 $0xFFFFFF00, v61;
	v10 =	vand.u32 $0x7F, v55;
	v3 =	vor.u32 $0x80, v3;
	v5 =	vld.idx.msk [tilespmem:v58+s9+$0x0], $0xffff  }
0x6c: {  	v37 =	vld [tilespmem:s15+$0x50];
	v63 =	vor.u32 v10, v9  }
0x6d: {  	v42 =	vld [tilespmem:s15+$0x60]  }
0x6e: {  	v13 =	vshll.u32 v59, $0x1;
	v14 =	vld.idx.msk [tilespmem:v4+s9+$0x0], $0xffff  }
0x6f: {  	v17 =	vshll.u32 v12, $0x1;
	[tilespmem:v2+s11+$0x0] =	vst.idx.add.f32.msk $0xffff, v1;
	v1 =	vand.u32 $0x7F, v59;
	v2 =	vand.u32 $0xFFFFFF00, v13  }
0x70: {  	v18 =	vand.u32 $0xFFFFFF00, v17;
	v1 =	vor.u32 v1, v2;
	[tilespmem:v3+s11+$0x0] =	vst.idx.add.f32.msk $0xffff, v5;
	v3 =	vand.u32 $0x7F, v12  }
0x71: {  	v9 =	vand.u32 $0x7F, v21;
	v15 =	vld.idx.msk [tilespmem:v63+s9+$0x0], $0xffff;
	v13 =	vshll.u32 v21, $0x1;
	v3 =	vor.u32 v3, v18  }
0x72: {  	v49 =	vld [tilespmem:s15+$0xE0];
	v4 =	vor.u32 $0x80, v4;
	v2 =	vshll.u32 v62, $0x1;
	v26 =	vand.u32 $0xFFFFFF00, v13  }
0x73: {  	v51 =	vld [tilespmem:s15+$0xF0];
	v8 =	vand.u32 $0x7F, v62;
	v2 =	vand.u32 $0xFFFFFF00, v2;
	v9 =	vor.u32 v9, v26  }
0x74: {  	v20 =	vshll.u32 v16, $0x1;
	v12 =	vld [tilespmem:s15+$0x90];
	v2 =	vor.u32 v8, v2  }
0x75: {  	v6 =	vor.u32 $0x80, v63;
	v7 =	vand.u32 $0xFFFFFF00, v20;
	v8 =	vand.u32 $0x7F, v16;
	[tilespmem:v1+s11+$0x0] =	vst.idx.add.f32.msk $0xffff, v14  }
0x76: {  	v23 =	vshll.u32 v19, $0x1;
	v7 =	vor.u32 v8, v7;
	v22 =	vld.idx.msk [tilespmem:v3+s9+$0x0], $0xffff  }
0x77: {  	v5 =	vand.u32 $0x7F, v19;
	v8 =	vand.u32 $0xFFFFFF00, v23;
	v4 =	vld.idx.msk [tilespmem:v4+s9+$0x0], $0xffff;
	v3 =	vor.u32 $0x80, v3  }
0x78: {  	v5 =	vor.u32 v5, v8;
	v32 =	vld.idx.msk [tilespmem:v9+s9+$0x0], $0xffff  }
0x79: {  	v1 =	vor.u32 $0x80, v1;
	[tilespmem:v2+s11+$0x0] =	vst.idx.add.f32.msk $0xffff, v15  }
0x7a: {  	v2 =	vor.u32 $0x80, v2;
	v6 =	vld.idx.msk [tilespmem:v6+s9+$0x0], $0xffff  }
0x7b: {  	v27 =	vshll.u32 v24, $0x1;
	v11 =	vand.u32 $0x7F, v24;
	[tilespmem:v7+s11+$0x0] =	vst.idx.add.f32.msk $0xffff, v22  }
0x7c: {  	v13 =	vand.u32 $0xFFFFFF00, v27;
	v14 =	vshll.u32 v25, $0x1;
	v7 =	vor.u32 $0x80, v7;
	v3 =	vld.idx.msk [tilespmem:v3+s9+$0x0], $0xffff  }
0x7d: {  	v30 =	vand.u32 $0x7F, v25;
	v11 =	vor.u32 v11, v13;
	v31 =	vand.u32 $0xFFFFFF00, v14;
	v28 =	vld.idx.msk [tilespmem:v5+s9+$0x0], $0xffff  }
0x7e: {  	[tilespmem:v1+s11+$0x0] =	vst.idx.add.f32.msk $0xffff, v4;
	v1 =	vshll.u32 v12, $0x1;
	v4 =	vor.u32 v30, v31  }
0x7f: {  	v5 =	vor.u32 $0x80, v5;
	v1 =	vand.u32 $0xFFFFFF00, v1;
	[tilespmem:v2+s11+$0x0] =	vst.idx.add.f32.msk $0xffff, v6;
	v2 =	vand.u32 $0x7F, v12  }
0x80: {  	v40 =	vand.u32 $0x7F, v34;
	v15 =	vld [tilespmem:s15+$0x70];
	v6 =	vshll.u32 v34, $0x1;
	v1 =	vor.u32 v2, v1  }
0x81: {  	v2 =	vor.u32 $0x80, v9;
	v6 =	vand.u32 $0xFFFFFF00, v6;
	[tilespmem:v7+s11+$0x0] =	vst.idx.add.f32.msk $0xffff, v3;
	v3 =	vshll.u32 v29, $0x1  }
0x82: {  	v33 =	vand.u32 $0x7F, v29;
	[tilespmem:v11+s11+$0x0] =	vst.idx.add.f32.msk $0xffff, v28;
	v6 =	vor.u32 v40, v6;
	v3 =	vand.u32 $0xFFFFFF00, v3  }
0x83: {  	v8 =	vld.idx.msk [tilespmem:v4+s9+$0x0], $0xffff;
	v3 =	vor.u32 v33, v3  }
0x84: {  	v43 =	vshll.u32 v36, $0x1;
	v5 =	vld.idx.msk [tilespmem:v5+s9+$0x0], $0xffff;
	v4 =	vor.u32 $0x80, v4  }
0x85: {  	v41 =	vshll.u32 v35, $0x1;
	v46 =	vand.u32 $0x7F, v37;
	v50 =	vshll.u32 v42, $0x1;
	[tilespmem:v1+s11+$0x0] =	vst.idx.add.f32.msk $0xffff, v32  }
0x86: {  	v13 =	vand.u32 $0xFFFFFF00, v41;
	v16 =	vshll.u32 v37, $0x1;
	v1 =	vor.u32 $0x80, v1;
	v2 =	vld.idx.msk [tilespmem:v2+s9+$0x0], $0xffff  }
0x87: {  	v38 =	vor.u32 $0x80, v11;
	v47 =	vand.u32 $0xFFFFFF00, v16;
	v7 =	vand.u32 $0x7F, v35;
	v54 =	vld.idx.msk [tilespmem:v6+s9+$0x0], $0xffff  }
0x88: {  	v14 =	vand.u32 $0x7F, v42;
	v17 =	vshll.u32 v15, $0x1;
	v7 =	vor.u32 v7, v13;
	[tilespmem:v3+s11+$0x0] =	vst.idx.add.f32.msk $0xffff, v8  }
0x89: {  	v12 =	vand.u32 $0xFFFFFF00, v43;
	v3 =	vor.u32 $0x80, v3;
	v8 =	vand.u32 $0x7F, v36;
	v4 =	vld.idx.msk [tilespmem:v4+s9+$0x0], $0xffff  }
0x8a: {  	v39 =	vld [tilespmem:s15+$0xC0];
	v45 =	vor.u32 v8, v12;
	v8 =	vor.u32 v46, v47;
	v12 =	vand.u32 $0xFFFFFF00, v50  }
0x8b: {  	v52 =	vand.u32 $0xFFFFFF00, v17;
	[tilespmem:v1+s11+$0x0] =	vst.idx.add.f32.msk $0xffff, v2;
	v2 =	vand.u32 $0x7F, v15;
	v1 =	vor.u32 v14, v12  }
0x8c: {  	v55 =	vand.u32 $0x7F, v44;
	[tilespmem:v38+s11+$0x0] =	vst.idx.add.f32.msk $0xffff, v5;
	v2 =	vor.u32 v2, v52  }
0x8d: {  	v53 =	vshll.u32 v44, $0x1;
	v61 =	vand.u32 $0x7F, v51;
	v57 =	vshll.u32 v49, $0x1;
	[tilespmem:v7+s11+$0x0] =	vst.idx.add.f32.msk $0xffff, v54  }
0x8e: {  	v10 =	vand.u32 $0xFFFFFF00, v57;
	v6 =	vor.u32 $0x80, v6;
	[tilespmem:v3+s11+$0x0] =	vst.idx.add.f32.msk $0xffff, v4;
	v4 =	vand.u32 $0xFFFFFF00, v53  }
0x8f: {  	v59 =	vshll.u32 v51, $0x1;
	v9 =	vand.u32 $0x7F, v49;
	v58 =	vld.idx.msk [tilespmem:v8+s9+$0x0], $0xffff;
	v4 =	vor.u32 v55, v4  }
0x90: {  	v9 =	vor.u32 v9, v10;
	v14 =	vand.u32 $0xFFFFFF00, v59;
	v3 =	vshll.u32 v39, $0x1;
	v60 =	vld.idx.msk [tilespmem:v1+s9+$0x0], $0xffff  }
0x91: {  	v48 =	vand.u32 $0x7F, v39;
	v14 =	vor.u32 v61, v14;
	v3 =	vand.u32 $0xFFFFFF00, v3;
	v62 =	vld.idx.msk [tilespmem:v2+s9+$0x0], $0xffff  }
0x92: {  	v56 =	vld.idx.msk [tilespmem:v45+s9+$0x0], $0xffff;
	v3 =	vor.u32 v48, v3  }
0x93: {  	v6 =	vld.idx.msk [tilespmem:v6+s9+$0x0], $0xffff;
	v8 =	vor.u32 $0x80, v8  }
0x94: {  	v1 =	vor.u32 $0x80, v1;
	[tilespmem:v4+s11+$0x0] =	vst.idx.add.f32.msk $0xffff, v58  }
0x95: {  	v2 =	vor.u32 $0x80, v2;
	[tilespmem:v9+s11+$0x0] =	vst.idx.add.f32.msk $0xffff, v60  }
0x96: {  	v5 =	vor.u32 $0x80, v45;
	[tilespmem:v14+s11+$0x0] =	vst.idx.add.f32.msk $0xffff, v62  }
0x97: {  	v7 =	vor.u32 $0x80, v7;
	[tilespmem:v3+s11+$0x0] =	vst.idx.add.f32.msk $0xffff, v56  }
0x98: {  	v4 =	vor.u32 $0x80, v4;
	v8 =	vld.idx.msk [tilespmem:v8+s9+$0x0], $0xffff  }
0x99: {  	v9 =	vor.u32 $0x80, v9;
	v1 =	vld.idx.msk [tilespmem:v1+s9+$0x0], $0xffff  }
0x9a: {  	s14 =	sadd.s32 $0x10, s14;
	v63 =	vor.u32 $0x80, v14;
	v2 =	vld.idx.msk [tilespmem:v2+s9+$0x0], $0xffff  }
0x9b: {  	p1 =	slt.u32 s14, $0x260;
	v3 =	vor.u32 $0x80, v3;
	v5 =	vld.idx.msk [tilespmem:v5+s9+$0x0], $0xffff  }
.Ltmp3:
0x9c: {  	[tilespmem:v7+s11+$0x0] =	vst.idx.add.f32.msk $0xffff, v6;
	(pc) =	sbr.rel @p1 .LBB2_4-.Ltmp3, $4  }
0x9d: {  	[tilespmem:v4+s11+$0x0] =	vst.idx.add.f32.msk $0xffff, v8  }
0x9e: {  	[tilespmem:v9+s11+$0x0] =	vst.idx.add.f32.msk $0xffff, v1  }
0x9f: {  	[tilespmem:v63+s11+$0x0] =	vst.idx.add.f32.msk $0xffff, v2  }
0xa0: {  	s15 =	sadd.s32 $0x200, s15;
	[tilespmem:v3+s11+$0x0] =	vst.idx.add.f32.msk $0xffff, v5  }
.Ltmp4:
0xa1: {  	(pc) =	sbr.rel @p0 .LBB2_8-.Ltmp4, $1  }
0xa2: {  	_ =	sdelay $0x3  }
0xa3: {  	s14 =	simm.s32 $0x260;
	s15 =	simm.s32 $0x4E00  }
.LBB2_7:
0xa4: {  	v1 =	vld [tilespmem:s15+$0x0]  }
0xa5: {  	v2 =	vld [tilespmem:s15+$0x10]  }
0xa6: {  	v3 =	vld [tilespmem:s15+$0x80]  }
0xa7: {  	v37 =	vld [tilespmem:s15+$0x90]  }
0xa8: {  	v6 =	vld [tilespmem:s15+$0x20]  }
0xa9: {  	v8 =	vld [tilespmem:s15+$0xA0]  }
0xaa: {  	v43 =	vld [tilespmem:s15+$0x30]  }
0xab: {  	v46 =	vld [tilespmem:s15+$0x40]  }
0xac: {  	v47 =	vld [tilespmem:s15+$0xB0]  }
0xad: {  	v48 =	vld [tilespmem:s15+$0xC0]  }
0xae: {  	v53 =	vld [tilespmem:s15+$0x50]  }
0xaf: {  	v55 =	vld [tilespmem:s15+$0x60];
	v4 =	vshll.u32 v1, $0x1  }
0xb0: {  	v59 =	vld [tilespmem:s15+$0xD0];
	v1 =	vand.u32 $0x7F, v1;
	v5 =	vshll.u32 v2, $0x1;
	v4 =	vand.u32 $0xFFFFFF00, v4  }
0xb1: {  	v62 =	vld [tilespmem:s15+$0xE0];
	v2 =	vand.u32 $0x7F, v2;
	v7 =	vshll.u32 v3, $0x1;
	v1 =	vor.u32 v1, v4  }
0xb2: {  	v12 =	vld [tilespmem:s15+$0x70];
	v3 =	vand.u32 $0x7F, v3;
	v40 =	vshll.u32 v37, $0x1;
	v9 =	vshll.u32 v6, $0x1  }
0xb3: {  	v16 =	vld [tilespmem:s15+$0xF0];
	v41 =	vand.u32 $0x7F, v6;
	v5 =	vand.u32 $0xFFFFFF00, v5;
	v42 =	vand.u32 $0xFFFFFF00, v9  }
0xb4: {  	v19 =	vld [tilespmem:s15+$0x100];
	v2 =	vor.u32 v2, v5;
	v4 =	vand.u32 $0x7F, v37;
	v5 =	vand.u32 $0xFFFFFF00, v40  }
0xb5: {  	v21 =	vld [tilespmem:s15+$0x110];
	v38 =	vand.u32 $0xFFFFFF00, v7;
	v4 =	vor.u32 v4, v5;
	v5 =	vor.u32 v41, v42  }
0xb6: {  	v3 =	vor.u32 v3, v38;
	v39 =	vld.idx.msk [tilespmem:v1+s9+$0x0], $0xffff  }
0xb7: {  	v24 =	vld [tilespmem:s15+$0x180];
	v1 =	vor.u32 $0x80, v1  }
0xb8: {  	v25 =	vld [tilespmem:s15+$0x120]  }
0xb9: {  	v44 =	vshll.u32 v8, $0x1;
	v10 =	vld.idx.msk [tilespmem:v2+s9+$0x0], $0xffff  }
0xba: {  	v8 =	vand.u32 $0x7F, v8;
	v7 =	vand.u32 $0xFFFFFF00, v44;
	v2 =	vor.u32 $0x80, v2;
	v45 =	vld.idx.msk [tilespmem:v5+s9+$0x0], $0xffff  }
0xbb: {  	v7 =	vor.u32 v8, v7;
	[tilespmem:v3+s11+$0x0] =	vst.idx.add.f32.msk $0xffff, v39  }
0xbc: {  	v3 =	vor.u32 $0x80, v3;
	v1 =	vld.idx.msk [tilespmem:v1+s9+$0x0], $0xffff  }
0xbd: {  	v29 =	vld [tilespmem:s15+$0x1A0];
	v5 =	vor.u32 $0x80, v5  }
0xbe: {  	[tilespmem:v4+s11+$0x0] =	vst.idx.add.f32.msk $0xffff, v10  }
0xbf: {  	v11 =	vshll.u32 v43, $0x1;
	v2 =	vld.idx.msk [tilespmem:v2+s9+$0x0], $0xffff  }
0xc0: {  	v6 =	vand.u32 $0x7F, v43;
	v11 =	vand.u32 $0xFFFFFF00, v11;
	v4 =	vor.u32 $0x80, v4;
	[tilespmem:v7+s11+$0x0] =	vst.idx.add.f32.msk $0xffff, v45  }
0xc1: {  	v49 =	vshll.u32 v46, $0x1;
	[tilespmem:v3+s11+$0x0] =	vst.idx.add.f32.msk $0xffff, v1;
	v1 =	vor.u32 v6, v11  }
0xc2: {  	v8 =	vand.u32 $0x7F, v46;
	v5 =	vld.idx.msk [tilespmem:v5+s9+$0x0], $0xffff;
	v3 =	vor.u32 $0x80, v7;
	v7 =	vand.u32 $0xFFFFFF00, v49  }
0xc3: {  	v34 =	vld [tilespmem:s15+$0x130];
	v7 =	vor.u32 v8, v7  }
0xc4: {  	v35 =	vld [tilespmem:s15+$0x1B0];
	v50 =	vshll.u32 v47, $0x1  }
0xc5: {  	v51 =	vand.u32 $0xFFFFFF00, v50;
	[tilespmem:v4+s11+$0x0] =	vst.idx.add.f32.msk $0xffff, v2;
	v2 =	vand.u32 $0x7F, v47  }
0xc6: {  	v54 =	vshll.u32 v48, $0x1;
	v2 =	vor.u32 v2, v51;
	v52 =	vld.idx.msk [tilespmem:v1+s9+$0x0], $0xffff  }
0xc7: {  	v56 =	vand.u32 $0xFFFFFF00, v54;
	v1 =	vor.u32 $0x80, v1;
	[tilespmem:v3+s11+$0x0] =	vst.idx.add.f32.msk $0xffff, v5;
	v3 =	vand.u32 $0x7F, v48  }
0xc8: {  	v57 =	vld.idx.msk [tilespmem:v7+s9+$0x0], $0xffff;
	v3 =	vor.u32 v3, v56  }
0xc9: {  	v36 =	vld [tilespmem:s15+$0x140];
	v58 =	vor.u32 $0x80, v7  }
0xca: {  	v60 =	vshll.u32 v53, $0x1;
	v44 =	vld [tilespmem:s15+$0x1D0]  }
0xcb: {  	v4 =	vand.u32 $0x7F, v53;
	v8 =	vand.u32 $0xFFFFFF00, v60;
	[tilespmem:v2+s11+$0x0] =	vst.idx.add.f32.msk $0xffff, v52  }
0xcc: {  	v4 =	vor.u32 v4, v8;
	v1 =	vld.idx.msk [tilespmem:v1+s9+$0x0], $0xffff  }
0xcd: {  	v61 =	vshll.u32 v55, $0x1;
	v2 =	vor.u32 $0x80, v2;
	[tilespmem:v3+s11+$0x0] =	vst.idx.add.f32.msk $0xffff, v57  }
0xce: {  	v9 =	vand.u32 $0xFFFFFF00, v61;
	v10 =	vand.u32 $0x7F, v55;
	v3 =	vor.u32 $0x80, v3;
	v5 =	vld.idx.msk [tilespmem:v58+s9+$0x0], $0xffff  }
0xcf: {  	v37 =	vld [tilespmem:s15+$0x150];
	v63 =	vor.u32 v10, v9  }
0xd0: {  	v42 =	vld [tilespmem:s15+$0x160]  }
0xd1: {  	v13 =	vshll.u32 v59, $0x1;
	v14 =	vld.idx.msk [tilespmem:v4+s9+$0x0], $0xffff  }
0xd2: {  	v17 =	vshll.u32 v12, $0x1;
	[tilespmem:v2+s11+$0x0] =	vst.idx.add.f32.msk $0xffff, v1;
	v1 =	vand.u32 $0x7F, v59;
	v2 =	vand.u32 $0xFFFFFF00, v13  }
0xd3: {  	v18 =	vand.u32 $0xFFFFFF00, v17;
	v1 =	vor.u32 v1, v2;
	[tilespmem:v3+s11+$0x0] =	vst.idx.add.f32.msk $0xffff, v5;
	v3 =	vand.u32 $0x7F, v12  }
0xd4: {  	v9 =	vand.u32 $0x7F, v21;
	v15 =	vld.idx.msk [tilespmem:v63+s9+$0x0], $0xffff;
	v13 =	vshll.u32 v21, $0x1;
	v3 =	vor.u32 v3, v18  }
0xd5: {  	v49 =	vld [tilespmem:s15+$0x1E0];
	v4 =	vor.u32 $0x80, v4;
	v2 =	vshll.u32 v62, $0x1;
	v26 =	vand.u32 $0xFFFFFF00, v13  }
0xd6: {  	v51 =	vld [tilespmem:s15+$0x1F0];
	v8 =	vand.u32 $0x7F, v62;
	v2 =	vand.u32 $0xFFFFFF00, v2;
	v9 =	vor.u32 v9, v26  }
0xd7: {  	v20 =	vshll.u32 v16, $0x1;
	v12 =	vld [tilespmem:s15+$0x190];
	v2 =	vor.u32 v8, v2  }
0xd8: {  	v6 =	vor.u32 $0x80, v63;
	v7 =	vand.u32 $0xFFFFFF00, v20;
	v8 =	vand.u32 $0x7F, v16;
	[tilespmem:v1+s11+$0x0] =	vst.idx.add.f32.msk $0xffff, v14  }
0xd9: {  	v23 =	vshll.u32 v19, $0x1;
	v7 =	vor.u32 v8, v7;
	v22 =	vld.idx.msk [tilespmem:v3+s9+$0x0], $0xffff  }
0xda: {  	v5 =	vand.u32 $0x7F, v19;
	v8 =	vand.u32 $0xFFFFFF00, v23;
	v4 =	vld.idx.msk [tilespmem:v4+s9+$0x0], $0xffff;
	v3 =	vor.u32 $0x80, v3  }
0xdb: {  	v5 =	vor.u32 v5, v8;
	v32 =	vld.idx.msk [tilespmem:v9+s9+$0x0], $0xffff  }
0xdc: {  	v1 =	vor.u32 $0x80, v1;
	[tilespmem:v2+s11+$0x0] =	vst.idx.add.f32.msk $0xffff, v15  }
0xdd: {  	v2 =	vor.u32 $0x80, v2;
	v6 =	vld.idx.msk [tilespmem:v6+s9+$0x0], $0xffff  }
0xde: {  	v27 =	vshll.u32 v24, $0x1;
	v11 =	vand.u32 $0x7F, v24;
	[tilespmem:v7+s11+$0x0] =	vst.idx.add.f32.msk $0xffff, v22  }
0xdf: {  	v13 =	vand.u32 $0xFFFFFF00, v27;
	v14 =	vshll.u32 v25, $0x1;
	v7 =	vor.u32 $0x80, v7;
	v3 =	vld.idx.msk [tilespmem:v3+s9+$0x0], $0xffff  }
0xe0: {  	v30 =	vand.u32 $0x7F, v25;
	v11 =	vor.u32 v11, v13;
	v31 =	vand.u32 $0xFFFFFF00, v14;
	v28 =	vld.idx.msk [tilespmem:v5+s9+$0x0], $0xffff  }
0xe1: {  	[tilespmem:v1+s11+$0x0] =	vst.idx.add.f32.msk $0xffff, v4;
	v1 =	vshll.u32 v12, $0x1;
	v4 =	vor.u32 v30, v31  }
0xe2: {  	v5 =	vor.u32 $0x80, v5;
	v1 =	vand.u32 $0xFFFFFF00, v1;
	[tilespmem:v2+s11+$0x0] =	vst.idx.add.f32.msk $0xffff, v6;
	v2 =	vand.u32 $0x7F, v12  }
0xe3: {  	v40 =	vand.u32 $0x7F, v34;
	v15 =	vld [tilespmem:s15+$0x170];
	v6 =	vshll.u32 v34, $0x1;
	v1 =	vor.u32 v2, v1  }
0xe4: {  	v2 =	vor.u32 $0x80, v9;
	v6 =	vand.u32 $0xFFFFFF00, v6;
	[tilespmem:v7+s11+$0x0] =	vst.idx.add.f32.msk $0xffff, v3;
	v3 =	vshll.u32 v29, $0x1  }
0xe5: {  	v33 =	vand.u32 $0x7F, v29;
	[tilespmem:v11+s11+$0x0] =	vst.idx.add.f32.msk $0xffff, v28;
	v6 =	vor.u32 v40, v6;
	v3 =	vand.u32 $0xFFFFFF00, v3  }
0xe6: {  	v8 =	vld.idx.msk [tilespmem:v4+s9+$0x0], $0xffff;
	v3 =	vor.u32 v33, v3  }
0xe7: {  	v43 =	vshll.u32 v36, $0x1;
	v5 =	vld.idx.msk [tilespmem:v5+s9+$0x0], $0xffff;
	v4 =	vor.u32 $0x80, v4  }
0xe8: {  	v41 =	vshll.u32 v35, $0x1;
	v46 =	vand.u32 $0x7F, v37;
	v50 =	vshll.u32 v42, $0x1;
	[tilespmem:v1+s11+$0x0] =	vst.idx.add.f32.msk $0xffff, v32  }
0xe9: {  	v13 =	vand.u32 $0xFFFFFF00, v41;
	v16 =	vshll.u32 v37, $0x1;
	v1 =	vor.u32 $0x80, v1;
	v2 =	vld.idx.msk [tilespmem:v2+s9+$0x0], $0xffff  }
0xea: {  	v38 =	vor.u32 $0x80, v11;
	v47 =	vand.u32 $0xFFFFFF00, v16;
	v7 =	vand.u32 $0x7F, v35;
	v54 =	vld.idx.msk [tilespmem:v6+s9+$0x0], $0xffff  }
0xeb: {  	v14 =	vand.u32 $0x7F, v42;
	v17 =	vshll.u32 v15, $0x1;
	v7 =	vor.u32 v7, v13;
	[tilespmem:v3+s11+$0x0] =	vst.idx.add.f32.msk $0xffff, v8  }
0xec: {  	v12 =	vand.u32 $0xFFFFFF00, v43;
	v3 =	vor.u32 $0x80, v3;
	v8 =	vand.u32 $0x7F, v36;
	v4 =	vld.idx.msk [tilespmem:v4+s9+$0x0], $0xffff  }
0xed: {  	v39 =	vld [tilespmem:s15+$0x1C0];
	v45 =	vor.u32 v8, v12;
	v8 =	vor.u32 v46, v47;
	v12 =	vand.u32 $0xFFFFFF00, v50  }
0xee: {  	v52 =	vand.u32 $0xFFFFFF00, v17;
	[tilespmem:v1+s11+$0x0] =	vst.idx.add.f32.msk $0xffff, v2;
	v2 =	vand.u32 $0x7F, v15;
	v1 =	vor.u32 v14, v12  }
0xef: {  	v55 =	vand.u32 $0x7F, v44;
	[tilespmem:v38+s11+$0x0] =	vst.idx.add.f32.msk $0xffff, v5;
	v2 =	vor.u32 v2, v52  }
0xf0: {  	v53 =	vshll.u32 v44, $0x1;
	v61 =	vand.u32 $0x7F, v51;
	v57 =	vshll.u32 v49, $0x1;
	[tilespmem:v7+s11+$0x0] =	vst.idx.add.f32.msk $0xffff, v54  }
0xf1: {  	v10 =	vand.u32 $0xFFFFFF00, v57;
	v6 =	vor.u32 $0x80, v6;
	[tilespmem:v3+s11+$0x0] =	vst.idx.add.f32.msk $0xffff, v4;
	v4 =	vand.u32 $0xFFFFFF00, v53  }
0xf2: {  	v59 =	vshll.u32 v51, $0x1;
	v9 =	vand.u32 $0x7F, v49;
	v58 =	vld.idx.msk [tilespmem:v8+s9+$0x0], $0xffff;
	v4 =	vor.u32 v55, v4  }
0xf3: {  	v9 =	vor.u32 v9, v10;
	v14 =	vand.u32 $0xFFFFFF00, v59;
	v3 =	vshll.u32 v39, $0x1;
	v60 =	vld.idx.msk [tilespmem:v1+s9+$0x0], $0xffff  }
0xf4: {  	v48 =	vand.u32 $0x7F, v39;
	v14 =	vor.u32 v61, v14;
	v3 =	vand.u32 $0xFFFFFF00, v3;
	v62 =	vld.idx.msk [tilespmem:v2+s9+$0x0], $0xffff  }
0xf5: {  	v56 =	vld.idx.msk [tilespmem:v45+s9+$0x0], $0xffff;
	v3 =	vor.u32 v48, v3  }
0xf6: {  	v6 =	vld.idx.msk [tilespmem:v6+s9+$0x0], $0xffff;
	v8 =	vor.u32 $0x80, v8  }
0xf7: {  	v1 =	vor.u32 $0x80, v1;
	[tilespmem:v4+s11+$0x0] =	vst.idx.add.f32.msk $0xffff, v58  }
0xf8: {  	v2 =	vor.u32 $0x80, v2;
	[tilespmem:v9+s11+$0x0] =	vst.idx.add.f32.msk $0xffff, v60  }
0xf9: {  	v5 =	vor.u32 $0x80, v45;
	[tilespmem:v14+s11+$0x0] =	vst.idx.add.f32.msk $0xffff, v62  }
0xfa: {  	v7 =	vor.u32 $0x80, v7;
	[tilespmem:v3+s11+$0x0] =	vst.idx.add.f32.msk $0xffff, v56  }
0xfb: {  	v4 =	vor.u32 $0x80, v4;
	v8 =	vld.idx.msk [tilespmem:v8+s9+$0x0], $0xffff  }
0xfc: {  	v9 =	vor.u32 $0x80, v9;
	v1 =	vld.idx.msk [tilespmem:v1+s9+$0x0], $0xffff  }
0xfd: {  	s14 =	sadd.s32 $0x10, s14;
	v63 =	vor.u32 $0x80, v14;
	v2 =	vld.idx.msk [tilespmem:v2+s9+$0x0], $0xffff  }
0xfe: {  	p1 =	slt.u32 s14, $0x280;
	v3 =	vor.u32 $0x80, v3;
	v5 =	vld.idx.msk [tilespmem:v5+s9+$0x0], $0xffff  }
.Ltmp5:
0xff: {  	[tilespmem:v7+s11+$0x0] =	vst.idx.add.f32.msk $0xffff, v6;
	(pc) =	sbr.rel @p1 .LBB2_7-.Ltmp5, $4  }
0x100: {  	[tilespmem:v4+s11+$0x0] =	vst.idx.add.f32.msk $0xffff, v8  }
0x101: {  	[tilespmem:v9+s11+$0x0] =	vst.idx.add.f32.msk $0xffff, v1  }
0x102: {  	[tilespmem:v63+s11+$0x0] =	vst.idx.add.f32.msk $0xffff, v2  }
0x103: {  	s15 =	sadd.s32 $0x200, s15;
	[tilespmem:v3+s11+$0x0] =	vst.idx.add.f32.msk $0xffff, v5  }
.Ltmp6:
0x104: {  	_ = 	snop;
	(pc) =	sbr.rel .LBB2_8-.Ltmp6, $1  }
0x105: {  	_ =	sdelay $0x3  }
.LBB2_9:
0x106: {  	_ =	sfence.sel $0x180000  }
0x107: {  	[bflag:$0x0] =	sbarrier.arrive $0xFFFF  }
0x108: {  	p0 =	sne.s32 s0, $0x0;
	_ =	strace $0x9000004D  }
0x109: {  	s0 =	sadd.s32 @!p0 $0x100000, s1;
	[bflag:$0x2] =	sbarrier.arrive $0xFFFF  }
0x10a: {  	[sflag:s0] =	ssyncadd.tile.s32 @!p0 $0x1;
	_ =	shalt  }
.Lfunc_end2:
_tile_overlayer_lowered:
.L_overlay_start_2:
0x10b: {  	(tag) =	ssettag $0x2  }
0x10c: {  	s0 =	rddreg [dreg:$0x0];
	s2 =	stileid.u32  }
0x10d: {  	s1 =	rddreg [dreg:$0x1];
	p0 =	sne.s32 s2, $0x0  }
0x10e: {  	s3 =	rddreg [dreg:$0x2];
	[bflag:$0x3] =	sbarrier.arrive $0xFFFF;
	s2 =	simm.s32 @!p0 $0x1C02  }
0x10f: {  	[timem:s3], [sflag:s2] =	dma.local @!p0 [hbm:s0], s1  }
0x110: {  	s0 =	simm.s32 @!p0 $0x2  }
0x111: {  	_ =	swait.ge @!p0 [sflag:s0], s1  }
0x112: {  	s1 =	ssub.s32 @!p0 $0x0, s1;
	[sflag:s0] =	ssyncset.done @!p0 $0x0  }
0x113: {  	[sflag:s0] =	ssyncadd.s32 @!p0 s1  }
0x114: {  	[bflag:$0x3] =	sbarrier.arrive $0xFFFF  }
0x115: {  	_ =	shalt  }

// kernel: kernel.20.cloned.1.call-start
scs
__scs_entry_jumppad:
0x0: {  	(pc) =	sbr.rel $0x88, $3  }
0x1: {  	(tag) =	ssettag $0x0;
	lr =	simm.s32 $0x1  }
0x2: {  	[smem:$0x3F99] =	sst lr;
	_ =	strace $0xD0000000  }
0x3: {  	_ = 	snop  }
0x4: {  	_ = 	snop  }
0x5: {  	_ = 	snop  }
0x6: {  	_ = 	snop  }
0x7: {  	_ = 	snop  }
__scs_overlays_trampoline_lowered:
0x8: {  	[smem:$0x3FA8] =	sst s0  }
0x9: {  	[smem:$0x3FA9] =	sst s1  }
0xa: {  	[smem:$0x3FAA] =	sst s2  }
0xb: {  	[smem:$0x3FAB] =	sst s3  }
0xc: {  	[smem:$0x3FAC] =	sst s4  }
0xd: {  	[smem:$0x3FAD] =	sst s5  }
0xe: {  	[smem:$0x3FAE] =	sst s6  }
0xf: {  	[smem:$0x3FAF] =	sst s7  }
0x10: {  	[smem:$0x3FB0] =	sst s8  }
0x11: {  	[smem:$0x3FB1] =	sst s9;
	s0 =	simm.s32 @!p0 $0x0  }
0x12: {  	s1 =	sld [smem:$0x3F97];
	s0 =	simm.s32 @p0 $0x1  }
0x13: {  	[smem:$0x3FB2] =	sst s0;
	s0 =	simm.s32 @!p1 $0x0  }
0x14: {  	s2 =	sld [smem:$0x3F96];
	s0 =	simm.s32 @p1 $0x1  }
0x15: {  	[smem:$0x3FB3] =	sst s0;
	s0 =	simm.s32 @!p2 $0x0  }
0x16: {  	s3 =	sld [smem:$0x3FDB];
	s0 =	simm.s32 @p2 $0x1  }
0x17: {  	s4 =	simm.s32 $0x1BF5;
	[smem:$0x3FB5] =	sst s0  }
0x18: {  	s0 =	sld [smem:$0x3F98];
	_ =	swait.ge [sflag:s4], $0x0  }
0x19: {  	s7 =	sld [smem:$0x3F99]  }
0x1a: {  	s8 =	sadd.s32 $0xFFFFE003, lr  }
0x1b: {  	s9 =	sadd.s32 $0xFFFFFEF7, lr;
	s5 =	simm.s32 $0xFFFFFFFF;
	p2 =	slt.u32 s8, $0xFFFFF086  }
0x1c: {  	p1 =	slt.u32 s9, $0xF7A;
	s5 =	simm.s32 @!p2 $0x0  }
0x1d: {  	s5 =	simm.s32 @p1 $0x1;
	p0 =	seq.s32 s7, s2  }
0x1e: {  	s7 =	smul.u32 @!p0 $0xF7A, s2;
	p2 =	seq.s32 @!p0 s5, $0x0  }
0x1f: {  	s9 =	smul.u32 $0xF7A, s1;
	s8 =	simm.s32 @!p0 $0x1BF5;
	p2 =	por !p2, p0  }
0x20: {  	[sflag:s8] =	ssyncset.s32 @!p0 $0xFFFFF086;
	s6 =	sadd.s32 @!p0 s3, s7;
	s7 =	simm.s32 @!p0 $0x108  }
0x21: {  	s3 =	sadd.s32 s3, s9;
	s6 =	sadd.s32 @!p0 $0x88, s6;
	s7 =	simm.s32 @p2 $0x1082  }
0x22: {  	[simem:s7], [sflag:s8] =	dma.local @!p0 [hbm:s6], $0xF7A  }
0x23: {  	s9 =	sor.u32 $0xD0000000, s2;
	s6 =	simm.s32 $0x108;
	_ =	swait.ge @!p0 [sflag:s8], $0x0  }
0x24: {  	s3 =	sadd.s32 $0x88, s3;
	s6 =	simm.s32 @!p1 $0x1082;
	[sflag:s4] =	ssyncset.s32 $0xFFFFF086  }
0x25: {  	[simem:s6], [sflag:s4] =	dma.local [hbm:s3], $0xF7A  }
0x26: {  	[smem:$0x3F99] =	sst s1;
	(tag) =	ssettag s2;
	_ =	strace s9  }
0x27: {  	s1 =	sld [smem:$0x3FA9]  }
0x28: {  	s2 =	sld [smem:$0x3FAA]  }
0x29: {  	s4 =	sld [smem:$0x3FAC]  }
0x2a: {  	p0 =	seq.s32 s5, $0x0;
	s5 =	sld [smem:$0x3FAD]  }
0x2b: {  	s6 =	sld [smem:$0x3FAE]  }
0x2c: {  	s7 =	sld [smem:$0x3FAF]  }
0x2d: {  	s3 =	simm.s32 $0x108;
	s8 =	sld [smem:$0x3FB0]  }
0x2e: {  	s3 =	simm.s32 @!p0 $0x1082;
	s9 =	sld [smem:$0x3FB1]  }
0x2f: {  	lr =	sadd.s32 s0, s3;
	s0 =	sld [smem:$0x3FA8]  }
0x30: {  	s3 =	sld [smem:$0x3FAB]  }
0x31: {  	[smem:$0x3FB4] =	sst s10  }
0x32: {  	s10 =	sld [smem:$0x3FB2];
	_ =	sdelay $0x3  }
0x33: {  	p0 =	seq.s32 s10, $0x1;
	s10 =	sld [smem:$0x3FB4];
	_ =	sdelay $0x3  }
0x34: {  	[smem:$0x3FB4] =	sst s10  }
0x35: {  	s10 =	sld [smem:$0x3FB3];
	_ =	sdelay $0x3  }
0x36: {  	p1 =	seq.s32 s10, $0x1;
	s10 =	sld [smem:$0x3FB4];
	_ =	sdelay $0x3  }
0x37: {  	[smem:$0x3FB4] =	sst s10  }
0x38: {  	s10 =	sld [smem:$0x3FB5]  }
0x39: {  	_ = 	snop;
	(pc) =	sbr.ind lr, $3  }
0x3a: {  	_ = 	snop  }
0x3b: {  	_ = 	snop  }
0x3c: {  	p2 =	seq.s32 s10, $0x1;
	s10 =	sld [smem:$0x3FB4]  }
0x3d: {  	_ =	shalt  }
0x3e: {  	_ =	shalt  }
0x3f: {  	_ =	shalt  }
0x40: {  	_ =	shalt  }
0x41: {  	_ =	shalt  }
0x42: {  	_ =	shalt  }
0x43: {  	_ =	shalt  }
0x44: {  	_ =	shalt  }
0x45: {  	_ =	shalt  }
0x46: {  	_ =	shalt  }
0x47: {  	_ =	shalt  }
0x48: {  	_ =	shalt  }
0x49: {  	_ =	shalt  }
0x4a: {  	_ =	shalt  }
0x4b: {  	_ =	shalt  }
0x4c: {  	_ =	shalt  }
0x4d: {  	_ =	shalt  }
0x4e: {  	_ =	shalt  }
0x4f: {  	_ =	shalt  }
0x50: {  	_ =	shalt  }
0x51: {  	_ =	shalt  }
0x52: {  	_ =	shalt  }
0x53: {  	_ =	shalt  }
0x54: {  	_ =	shalt  }
0x55: {  	_ =	shalt  }
0x56: {  	_ =	shalt  }
0x57: {  	_ =	shalt  }
0x58: {  	_ =	shalt  }
0x59: {  	_ =	shalt  }
0x5a: {  	_ =	shalt  }
0x5b: {  	_ =	shalt  }
0x5c: {  	_ =	shalt  }
0x5d: {  	_ =	shalt  }
0x5e: {  	_ =	shalt  }
0x5f: {  	_ =	shalt  }
0x60: {  	_ =	shalt  }
0x61: {  	_ =	shalt  }
0x62: {  	_ =	shalt  }
0x63: {  	_ =	shalt  }
0x64: {  	_ =	shalt  }
0x65: {  	_ =	shalt  }
0x66: {  	_ =	shalt  }
0x67: {  	_ =	shalt  }
0x68: {  	_ =	shalt  }
0x69: {  	_ =	shalt  }
0x6a: {  	_ =	shalt  }
0x6b: {  	_ =	shalt  }
0x6c: {  	_ =	shalt  }
0x6d: {  	_ =	shalt  }
0x6e: {  	_ =	shalt  }
0x6f: {  	_ =	shalt  }
0x70: {  	_ =	shalt  }
0x71: {  	_ =	shalt  }
0x72: {  	_ =	shalt  }
0x73: {  	_ =	shalt  }
0x74: {  	_ =	shalt  }
0x75: {  	_ =	shalt  }
0x76: {  	_ =	shalt  }
0x77: {  	_ =	shalt  }
0x78: {  	_ =	shalt  }
0x79: {  	_ =	shalt  }
0x7a: {  	_ =	shalt  }
0x7b: {  	_ =	shalt  }
0x7c: {  	_ =	shalt  }
0x7d: {  	_ =	shalt  }
0x7e: {  	_ =	shalt  }
0x7f: {  	_ =	shalt  }
0x80: {  	_ =	shalt  }
0x81: {  	_ =	shalt  }
0x82: {  	_ =	shalt  }
0x83: {  	_ =	shalt  }
0x84: {  	_ =	shalt  }
0x85: {  	_ =	shalt  }
0x86: {  	_ =	shalt  }
0x87: {  	_ =	shalt  }
.Lfunc_end0:
.L_simem_size_0:
called_computation.3_lowered:
.L_overlay_start_0:
0x88: {  	s2 =	sld [smem:$0x3FD9]  }
0x89: {  	s3 =	sld [smem:$0x3FFE];
	_ =	sdelay $0x1  }
0x8a: {  	s1 =	srdreg.scid  }
0x8b: {  	s0 =	sand.u32 $0x1, s1  }
0x8c: {  	s17 =	sshll.u32 s0, $0xA;
	s2 =	sadd.s32 s3, s2  }
0x8d: {  	s2 =	sadd.s32 s2, s17  }
0x8e: {  	[smem:$0x3FC0] =	sst s2  }
0x8f: {  	_ = 	snop  }
0x90: {  	s2 =	sld [smem:$0x3FC8];
	(tm) =	ssettm $0x1  }
0x91: {  	s18 =	sld [smem:$0x3FFB];
	_ =	sdelay $0x3  }
0x92: {  	_ =	strace s18  }
0x93: {  	s3 =	sld [smem:$0x3FFC];
	_ =	sdelay $0x3  }
0x94: {  	_ =	strace s3  }
0x95: {  	s3 =	sld [smem:$0x3FFD];
	_ =	sdelay $0x3  }
0x96: {  	_ =	strace s3  }
0x97: {  	_ =	strace $0x8FFFFFFF  }
0x98: {  	s19 =	sld [smem:$0x3FDB];
	_ =	sdelay $0x1  }
0x99: {  	s4 =	simm.s32 $_scs_section_size  }
0x9a: {  	s5 =	simm.s32 $_size__tile_overlayer_lowered;
	s6 =	simm.s32 $_tile_overlayer_lowered  }
0x9b: {  	s22 =	simm.s32 $0x1BFF;
	s21 =	sshll.u32 s6, $0x1;
	s3 =	sadd.s32 s4, s19  }
0x9c: {  	s7 =	simm.s32 $0x0;
	s20 =	sshll.u32 s5, $0x1;
	s5 =	sadd.s32 s21, s3  }
0x9d: {  	[timem:s7], [sflag:s22] =	dma.local [hbm:s5], s20  }
0x9e: {  	_ =	swait.ge [sflag:s22], s20  }
0x9f: {  	s4 =	ssub.s32 $0x0, s20;
	[sflag:s22] =	ssyncset.done $0x0  }
0xa0: {  	[sflag:s22] =	ssyncadd.s32 s4;
	_ =	sdelay $0x1  }
0xa1: {  	s23 =	simm.s32 $0x1B8B  }
0xa2: {  	_ =	swait.ge [sflag:s23], $0x1  }
0xa3: {  	[sflag:s23] =	ssyncset.done $0x0  }
0xa4: {  	s25 =	simm.s32 $0x1B8E;
	s24 =	sld [smem:$0x3FFE];
	[sflag:s23] =	ssyncadd.s32 $0xFFFFFFFF  }
0xa5: {  	s26 =	simm.s32 $execute0_lowered;
	[smem:$0x3FD2] =	sst s25  }
0xa6: {  	s5 =	sshll.u32 s26, $0x1;
	_ =	strace $0x8000004F;
	[dreg:$0x1] =	wrdreg $0xFFFFFFFF  }
0xa7: {  	s28 =	simm.s32 $_size_execute0_lowered;
	s3 =	sadd.s32 s3, s5;
	[dreg:$0x0] =	wrdreg $0x0  }
0xa8: {  	s5 =	sshll.u32 s28, $0x1;
	[dreg:$0x2] =	wrdreg s3  }
0xa9: {  	[dreg:$0x3] =	wrdreg s5  }
0xaa: {  	[dreg:$0x4] =	wrdreg $0xC0  }
0xab: {  	_ =	task [dreg:s7], $0x5FFFF  }
0xac: {  	[dreg:$0x1] =	wrdreg $0xFFFFFFFF  }
0xad: {  	[dreg:$0x0] =	wrdreg $0x60  }
0xae: {  	[dreg:$0x2] =	wrdreg s24  }
0xaf: {  	[dreg:$0x3] =	wrdreg s2  }
0xb0: {  	[dreg:$0x4] =	wrdreg $0x9  }
0xb1: {  	_ =	task.clear_ibuf [dreg:s7], $0x5FFFF;
	_ =	strace $0x9000004F  }
0xb2: {  	s29 =	simm.s32 $0x9;
	_ =	strace $0x80000051  }
0xb3: {  	_ =	swait.ge [sflag:s29], $0x1  }
0xb4: {  	[sflag:s29] =	ssyncadd.s32 $0xFFFFFFFF  }
0xb5: {  	_ =	strace $0x90000051  }
0xb6: {  	_ =	sfence  }
0xb7: {  	s30 =	sld [smem:$0x0];
	_ =	sdelay $0x2  }
0xb8: {  	s31 =	sshll.u32 s1, $0xD;
	s1 =	sshrl.u32 s1, $0x2  }
0xb9: {  	s3 =	sand.u32 $0x4000, s31;
	s1 =	sadd.s32 s1, s30  }
0xba: {  	s0 =	sor.u32 s3, s0;
	s1 =	sshll.u32 s1, $0x11  }
0xbb: {  	s0 =	sor.u32 s1, s0  }
0xbc: {  	s0 =	sadd.s32 $0x8F2B, s0  }
0xbd: {  	[sflag:s0] =	ssyncadd.remote.s32 $0x1  }
0xbe: {  	_ =	sfence.sel $0xFFFF  }
0xbf: {  	[dreg:$0x0] =	wrdreg $0xFFFFFFFF;
	(pc) =	sbr.abs _section_cstart, $3  }
0xc0: {  	[dreg:$0x1] =	wrdreg $0xFFFFFFFF  }
0xc1: {  	_ =	task.clear_ibuf [dreg:s7], $0x2FFFF;
	_ =	strace $0x9FFFFFFF  }
0xc2: {  	(tm) =	ssettm $0x7FFFFFFF  }
0xc3: {  	_ =	shalt  }
tec
execute0_lowered:
.L_overlay_start_1:
0x0: {  	(tag) =	ssettag $0x1  }
0x1: {  	s4 =	rddreg [dreg:$0x0]  }
0x2: {  	s1 =	srdreg.scid;
	s0 =	stileid.u32  }
0x3: {  	s5 =	rddreg [dreg:$0x1];
	s2 =	simm.s32 $0x0;
	s9 =	simm.s32 $0x5200  }
0x4: {  	s10 =	simm.s32 $0x1;
	s3 =	sand.u32 $0x1, s1;
	s6 =	sshll.u32 s0, $0x1  }
0x5: {  	s11 =	simm.s32 $0x7A00;
	s1 =	rddreg [dreg:$0x2];
	s12 =	sor.u32 s3, s6  }
0x6: {  	s13 =	simm.s32 $0x0;
	[smem:$0x7FF] =	sst s2;
	s6 =	smul.u32 $0x500, s12  }
.Ltmp0:
0x7: {  	_ =	strace $0x80000050;
	s7 =	ssub.s32 $0x2, s3;
	(pc) =	sbr.rel .LBB2_1-.Ltmp0, $4  }
0x8: {  	s3 =	sadd.s32 $0x3800, s4;
	s8 =	smul.u32 $0x9C0, s12;
	s31 =	sshrl.u32 s7, $0x1  }
0x9: {  	p0 =	sne.s32 s12, $0x1F;
	s12 =	simm.s32 $0x2;
	s7 =	ssub.s32 s7, s31  }
0xa: {  	s6 =	sadd.s32 s6, s4;
	s4 =	sadd.s32 s5, s8;
	s5 =	sadd.s32 $0x13800, s5  }
0xb: {  	v0 =	vimm.f32 $0.0e+00;
	s7 =	smax.u32 s7, $0x1;
	s8 =	simm.s32 $0x4E00;
	s6 =	sadd.s32 $0x3E00, s6  }
.LBB2_8:
0xc: {  	_ =	sdelay $0x3  }
0xd: {  	[tilespmem:v8+s11+$0x0] =	vst.idx.add.f32.msk $0xffff, v10  }
0xe: {  	v7 =	vld.idx.msk [tilespmem:v7+s9+$0x0], $0xffff  }
0xf: {  	[tilespmem:v6+s11+$0x0] =	vst.idx.add.f32.msk $0xffff, v13  }
0x10: {  	[tilespmem:v5+s11+$0x0] =	vst.idx.add.f32.msk $0xffff, v11  }
0x11: {  	[tilespmem:v4+s11+$0x0] =	vst.idx.add.f32.msk $0xffff, v14  }
0x12: {  	[tilespmem:v3+s11+$0x0] =	vst.idx.add.f32.msk $0xffff, v12  }
0x13: {  	[tilespmem:v1+s11+$0x0] =	vst.idx.add.f32.msk $0xffff, v9  }
0x14: {  	[tilespmem:v2+s11+$0x0] =	vst.idx.add.f32.msk $0xffff, v7  }
.LBB2_9:
0x15: {  	s13 =	sadd.s32 $0x1, s13  }
0x16: {  	p1 =	sne.s32 s13, s7  }
.Ltmp1:
0x17: {  	_ = 	snop;
	(pc) =	sbr.rel @!p1 .LBB2_10-.Ltmp1, $4  }
0x18: {  	[hbm4b:s6+s2] =	stream.linear.scatter [tilespmem:s11], [sflag:$0x2], $0x2800, $0x38;
	[tilespmem:$0xA200] =	vst v63  }
0x19: {  	_ =	swait.ge [sflag:s12], $0x2800  }
0x1a: {  	[sflag:s12] =	ssyncset.done $0x0  }
0x1b: {  	[sflag:s12] =	ssyncadd.s32 $0xFFFFD800  }
.LBB2_1:
0x1c: {  	[tilespmem:s2], [sflag:$0x1] =	stream.linear.gather [hbm4b:s4+s2], $0x4E00, $0x38;
	[tilespmem:$0xA200] =	vst v63  }
0x1d: {  	_ = 	snop  }
0x1e: {  	[tilespmem:s8], [sflag:$0x1] =	stream.linear.gather [hbm4b:s5+s2], $0x400, $0x38;
	[tilespmem:$0xA200] =	vst v63  }
0x1f: {  	s14 =	simm.s32 $0x7A40  }
0x20: {  	[tilespmem:s9], [sflag:$0x1] =	stream.linear.gather [hbm4b:s3+s2], $0x2800, $0x38;
	[tilespmem:$0xA200] =	vst v63  }
0x21: {  	[tilespmem:s14+$0xFFFFFFC0] =	vst v0  }
0x22: {  	[tilespmem:s14+$0x30] =	vst v0  }
0x23: {  	[tilespmem:s14+$0x20] =	vst v0  }
0x24: {  	[tilespmem:s14+$0x10] =	vst v0  }
0x25: {  	[tilespmem:s14+$0x0] =	vst v0  }
0x26: {  	[tilespmem:s14+$0xFFFFFFF0] =	vst v0  }
0x27: {  	s15 =	simm.s32 $0x0;
	[tilespmem:s14+$0xFFFFFFE0] =	vst v0  }
.LBB2_2:
0x28: {  	s15 =	sadd.s32 $0x8, s15;
	[tilespmem:s14+$0xFFFFFFD0] =	vst v0;
	s14 =	sadd.s32 $0x80, s14  }
0x29: {  	[tilespmem:s14+$0xFFFFFFC0] =	vst v0;
	p1 =	slt.u32 s15, $0x278  }
0x2a: {  	[tilespmem:s14+$0x30] =	vst v0  }
.Ltmp2:
0x2b: {  	[tilespmem:s14+$0x20] =	vst v0;
	(pc) =	sbr.rel @p1 .LBB2_2-.Ltmp2, $4  }
0x2c: {  	[tilespmem:s14+$0x10] =	vst v0  }
0x2d: {  	[tilespmem:s14+$0x0] =	vst v0  }
0x2e: {  	[tilespmem:s14+$0xFFFFFFF0] =	vst v0  }
0x2f: {  	[tilespmem:s14+$0xFFFFFFE0] =	vst v0  }
0x30: {  	[tilespmem:s14+$0xFFFFFFD0] =	vst v0  }
0x31: {  	_ =	swait.ge [sflag:s10], $0x4E00  }
0x32: {  	[sflag:s10] =	ssyncset.done $0x0  }
0x33: {  	[sflag:s10] =	ssyncadd.s32 $0xFFFFB200  }
0x34: {  	_ =	swait.ge [sflag:s10], $0x400  }
0x35: {  	[sflag:s10] =	ssyncset.done $0x0  }
0x36: {  	[sflag:s10] =	ssyncadd.s32 $0xFFFFFC00  }
0x37: {  	_ =	swait.ge [sflag:s10], $0x2800  }
0x38: {  	[sflag:s10] =	ssyncset.done $0x0  }
0x39: {  	s14 =	simm.s32 $0x100;
	[sflag:s10] =	ssyncadd.s32 $0xFFFFD800  }
0x3a: {  	v1 =	vld [tilespmem:s14+$0xFFFFFFE0]  }
0x3b: {  	v2 =	vld [tilespmem:s14+$0xFFFFFFD0]  }
0x3c: {  	v3 =	vld [tilespmem:s14+$0xFFFFFFB0]  }
0x3d: {  	v4 =	vld [tilespmem:s14+$0xFFFFFF90]  }
0x3e: {  	v5 =	vld [tilespmem:s14+$0xFFFFFFF0]  }
0x3f: {  	v6 =	vld [tilespmem:s14+$0xFFFFFFA0]  }
0x40: {  	v7 =	vld [tilespmem:s14+$0xFFFFFF50]  }
0x41: {  	v8 =	vld [tilespmem:s14+$0x80]  }
0x42: {  	v15 =	vld [tilespmem:s14+$0x90]  }
0x43: {  	v16 =	vld [tilespmem:s14+$0xFFFFFFC0]  }
0x44: {  	v14 =	vld [tilespmem:s14+$0xC0]  }
0x45: {  	v12 =	vld [tilespmem:s14+$0xB0]  }
0x46: {  	v9 =	vld [tilespmem:s14+$0x40]  }
0x47: {  	v10 =	vld [tilespmem:s14+$0x50]  }
0x48: {  	v11 =	vld [tilespmem:s14+$0xF0]  }
0x49: {  	v13 =	vld [tilespmem:s14+$0xFFFFFF80]  }
0x4a: {  	v17 =	vld [tilespmem:s14+$0xFFFFFF00]  }
0x4b: {  	v18 =	vld [tilespmem:s14+$0x70]  }
0x4c: {  	v19 =	vld [tilespmem:s14+$0xA0]  }
0x4d: {  	v20 =	vld [tilespmem:s14+$0xE0]  }
0x4e: {  	v21 =	vld [tilespmem:s14+$0xFFFFFF40]  }
0x4f: {  	v22 =	vld [tilespmem:s14+$0xFFFFFF30]  }
0x50: {  	v23 =	vld [tilespmem:s14+$0xFFFFFF20]  }
0x51: {  	v24 =	vld [tilespmem:s14+$0xFFFFFF10]  }
0x52: {  	v25 =	vld [tilespmem:s14+$0xD0]  }
0x53: {  	v27 =	vld [tilespmem:s14+$0x60]  }
0x54: {  	v26 =	vld [tilespmem:s14+$0xFFFFFF60]  }
0x55: {  	v62 =	vld [tilespmem:s14+$0x10]  }
0x56: {  	v63 =	vld [tilespmem:s14+$0x0]  }
0x57: {  	v28 =	vld [tilespmem:s14+$0xFFFFFF70]  }
0x58: {  	v17 =	vld.idx.msk [tilespmem:v17+s9+$0x0], $0xffff  }
0x59: {  	v18 =	vld.idx.msk [tilespmem:v18+s9+$0x0], $0xffff  }
0x5a: {  	v21 =	vld.idx.msk [tilespmem:v21+s9+$0x0], $0xffff  }
0x5b: {  	v27 =	vld.idx.msk [tilespmem:v27+s9+$0x0], $0xffff  }
0x5c: {  	v29 =	vld.idx.msk [tilespmem:v10+s9+$0x0], $0xffff  }
0x5d: {  	v30 =	vld.idx.msk [tilespmem:v9+s9+$0x0], $0xffff  }
0x5e: {  	[tilespmem:v13+s11+$0x0] =	vst.idx.add.f32.msk $0xffff, v17  }
0x5f: {  	[tilespmem:v11+s11+$0x0] =	vst.idx.add.f32.msk $0xffff, v18  }
0x60: {  	v11 =	vld [tilespmem:s14+$0x30]  }
0x61: {  	v13 =	vld [tilespmem:s14+$0x20]  }
0x62: {  	v10 =	vld.idx.msk [tilespmem:v63+s9+$0x0], $0xffff  }
0x63: {  	v9 =	vld.idx.msk [tilespmem:v26+s9+$0x0], $0xffff  }
0x64: {  	v17 =	vld.idx.msk [tilespmem:v62+s9+$0x0], $0xffff  }
0x65: {  	[tilespmem:v20+s11+$0x0] =	vst.idx.add.f32.msk $0xffff, v27  }
0x66: {  	[tilespmem:v25+s11+$0x0] =	vst.idx.add.f32.msk $0xffff, v29  }
0x67: {  	[tilespmem:v14+s11+$0x0] =	vst.idx.add.f32.msk $0xffff, v30  }
0x68: {  	v31 =	vld.idx.msk [tilespmem:v11+s9+$0x0], $0xffff  }
0x69: {  	v11 =	vld.idx.msk [tilespmem:v13+s9+$0x0], $0xffff  }
0x6a: {  	v14 =	vld.idx.msk [tilespmem:v24+s9+$0x0], $0xffff  }
0x6b: {  	[tilespmem:v16+s11+$0x0] =	vst.idx.add.f32.msk $0xffff, v21  }
0x6c: {  	[tilespmem:v15+s11+$0x0] =	vst.idx.add.f32.msk $0xffff, v17  }
0x6d: {  	v13 =	vld.idx.msk [tilespmem:v23+s9+$0x0], $0xffff  }
0x6e: {  	[tilespmem:v19+s11+$0x0] =	vst.idx.add.f32.msk $0xffff, v11  }
0x6f: {  	v11 =	vld.idx.msk [tilespmem:v28+s9+$0x0], $0xffff  }
0x70: {  	[tilespmem:v12+s11+$0x0] =	vst.idx.add.f32.msk $0xffff, v31  }
0x71: {  	s15 =	simm.s32 $0x0;
	v12 =	vld.idx.msk [tilespmem:v22+s9+$0x0], $0xffff  }
.LBB2_4:
0x72: {  	s15 =	sadd.s32 $0x10, s15;
	[tilespmem:v8+s11+$0x0] =	vst.idx.add.f32.msk $0xffff, v10;
	s14 =	sadd.s32 $0x200, s14  }
0x73: {  	p1 =	slt.u32 s15, $0x260;
	v7 =	vld.idx.msk [tilespmem:v7+s9+$0x0], $0xffff  }
0x74: {  	[tilespmem:v6+s11+$0x0] =	vst.idx.add.f32.msk $0xffff, v13  }
0x75: {  	[tilespmem:v5+s11+$0x0] =	vst.idx.add.f32.msk $0xffff, v11  }
0x76: {  	[tilespmem:v4+s11+$0x0] =	vst.idx.add.f32.msk $0xffff, v14  }
0x77: {  	[tilespmem:v3+s11+$0x0] =	vst.idx.add.f32.msk $0xffff, v12  }
0x78: {  	[tilespmem:v1+s11+$0x0] =	vst.idx.add.f32.msk $0xffff, v9  }
0x79: {  	[tilespmem:v2+s11+$0x0] =	vst.idx.add.f32.msk $0xffff, v7  }
0x7a: {  	v1 =	vld [tilespmem:s14+$0xFFFFFFE0]  }
0x7b: {  	v2 =	vld [tilespmem:s14+$0xFFFFFFD0]  }
0x7c: {  	v3 =	vld [tilespmem:s14+$0xFFFFFFB0]  }
0x7d: {  	v4 =	vld [tilespmem:s14+$0xFFFFFF90]  }
0x7e: {  	v5 =	vld [tilespmem:s14+$0xFFFFFFF0]  }
0x7f: {  	v6 =	vld [tilespmem:s14+$0xFFFFFFA0]  }
0x80: {  	v7 =	vld [tilespmem:s14+$0xFFFFFF50]  }
0x81: {  	v8 =	vld [tilespmem:s14+$0x80]  }
0x82: {  	v15 =	vld [tilespmem:s14+$0x90]  }
0x83: {  	v16 =	vld [tilespmem:s14+$0xFFFFFFC0]  }
0x84: {  	v14 =	vld [tilespmem:s14+$0xC0]  }
0x85: {  	v12 =	vld [tilespmem:s14+$0xB0]  }
0x86: {  	v9 =	vld [tilespmem:s14+$0x40]  }
0x87: {  	v10 =	vld [tilespmem:s14+$0x50]  }
0x88: {  	v11 =	vld [tilespmem:s14+$0xF0]  }
0x89: {  	v13 =	vld [tilespmem:s14+$0xFFFFFF80]  }
0x8a: {  	v17 =	vld [tilespmem:s14+$0xFFFFFF00]  }
0x8b: {  	v18 =	vld [tilespmem:s14+$0x70]  }
0x8c: {  	v19 =	vld [tilespmem:s14+$0xA0]  }
0x8d: {  	v20 =	vld [tilespmem:s14+$0xE0]  }
0x8e: {  	v21 =	vld [tilespmem:s14+$0xFFFFFF40]  }
0x8f: {  	v22 =	vld [tilespmem:s14+$0xFFFFFF30]  }
0x90: {  	v23 =	vld [tilespmem:s14+$0xFFFFFF20]  }
0x91: {  	v24 =	vld [tilespmem:s14+$0xFFFFFF10]  }
0x92: {  	v17 =	vld.idx.msk [tilespmem:v17+s9+$0x0], $0xffff  }
0x93: {  	v18 =	vld.idx.msk [tilespmem:v18+s9+$0x0], $0xffff  }
0x94: {  	v25 =	vld [tilespmem:s14+$0xD0]  }
0x95: {  	v26 =	vld [tilespmem:s14+$0xFFFFFF60]  }
0x96: {  	v21 =	vld.idx.msk [tilespmem:v21+s9+$0x0], $0xffff  }
0x97: {  	v27 =	vld [tilespmem:s14+$0x60]  }
0x98: {  	[tilespmem:v13+s11+$0x0] =	vst.idx.add.f32.msk $0xffff, v17  }
0x99: {  	[tilespmem:v11+s11+$0x0] =	vst.idx.add.f32.msk $0xffff, v18  }
0x9a: {  	v11 =	vld [tilespmem:s14+$0x30]  }
0x9b: {  	v13 =	vld [tilespmem:s14+$0x20]  }
0x9c: {  	v17 =	vld [tilespmem:s14+$0x10]  }
0x9d: {  	v18 =	vld [tilespmem:s14+$0x0]  }
0x9e: {  	v28 =	vld [tilespmem:s14+$0xFFFFFF70]  }
0x9f: {  	v27 =	vld.idx.msk [tilespmem:v27+s9+$0x0], $0xffff  }
0xa0: {  	v29 =	vld.idx.msk [tilespmem:v10+s9+$0x0], $0xffff  }
0xa1: {  	v30 =	vld.idx.msk [tilespmem:v9+s9+$0x0], $0xffff  }
0xa2: {  	v31 =	vld.idx.msk [tilespmem:v11+s9+$0x0], $0xffff  }
0xa3: {  	v11 =	vld.idx.msk [tilespmem:v13+s9+$0x0], $0xffff  }
0xa4: {  	v17 =	vld.idx.msk [tilespmem:v17+s9+$0x0], $0xffff  }
0xa5: {  	[tilespmem:v20+s11+$0x0] =	vst.idx.add.f32.msk $0xffff, v27  }
0xa6: {  	v10 =	vld.idx.msk [tilespmem:v18+s9+$0x0], $0xffff  }
0xa7: {  	[tilespmem:v25+s11+$0x0] =	vst.idx.add.f32.msk $0xffff, v29  }
0xa8: {  	v9 =	vld.idx.msk [tilespmem:v26+s9+$0x0], $0xffff  }
0xa9: {  	[tilespmem:v19+s11+$0x0] =	vst.idx.add.f32.msk $0xffff, v11  }
0xaa: {  	v11 =	vld.idx.msk [tilespmem:v28+s9+$0x0], $0xffff  }
0xab: {  	[tilespmem:v12+s11+$0x0] =	vst.idx.add.f32.msk $0xffff, v31  }
0xac: {  	v12 =	vld.idx.msk [tilespmem:v22+s9+$0x0], $0xffff  }
.Ltmp3:
0xad: {  	v13 =	vld.idx.msk [tilespmem:v23+s9+$0x0], $0xffff;
	(pc) =	sbr.rel @p1 .LBB2_4-.Ltmp3, $4  }
0xae: {  	[tilespmem:v14+s11+$0x0] =	vst.idx.add.f32.msk $0xffff, v30  }
0xaf: {  	v14 =	vld.idx.msk [tilespmem:v24+s9+$0x0], $0xffff  }
0xb0: {  	[tilespmem:v16+s11+$0x0] =	vst.idx.add.f32.msk $0xffff, v21  }
0xb1: {  	[tilespmem:v15+s11+$0x0] =	vst.idx.add.f32.msk $0xffff, v17  }
0xb2: {  	_ =	sdelay $0x3  }
0xb3: {  	[tilespmem:v8+s11+$0x0] =	vst.idx.add.f32.msk $0xffff, v10  }
0xb4: {  	v7 =	vld.idx.msk [tilespmem:v7+s9+$0x0], $0xffff  }
0xb5: {  	[tilespmem:v6+s11+$0x0] =	vst.idx.add.f32.msk $0xffff, v13  }
.Ltmp4:
0xb6: {  	[tilespmem:v5+s11+$0x0] =	vst.idx.add.f32.msk $0xffff, v11;
	(pc) =	sbr.rel @p0 .LBB2_9-.Ltmp4, $4  }
0xb7: {  	[tilespmem:v3+s11+$0x0] =	vst.idx.add.f32.msk $0xffff, v12  }
0xb8: {  	[tilespmem:v1+s11+$0x0] =	vst.idx.add.f32.msk $0xffff, v9  }
0xb9: {  	[tilespmem:v4+s11+$0x0] =	vst.idx.add.f32.msk $0xffff, v14  }
0xba: {  	[tilespmem:v2+s11+$0x0] =	vst.idx.add.f32.msk $0xffff, v7  }
0xbb: {  	s14 =	simm.s32 $0x4E00  }
0xbc: {  	v1 =	vld [tilespmem:s14+$0xE0]  }
0xbd: {  	v2 =	vld [tilespmem:s14+$0xD0]  }
0xbe: {  	v3 =	vld [tilespmem:s14+$0xB0]  }
0xbf: {  	v4 =	vld [tilespmem:s14+$0x90]  }
0xc0: {  	v5 =	vld [tilespmem:s14+$0xF0]  }
0xc1: {  	v6 =	vld [tilespmem:s14+$0xA0]  }
0xc2: {  	v7 =	vld [tilespmem:s14+$0x50]  }
0xc3: {  	v8 =	vld [tilespmem:s14+$0x180]  }
0xc4: {  	v15 =	vld [tilespmem:s14+$0x190]  }
0xc5: {  	v16 =	vld [tilespmem:s14+$0xC0]  }
0xc6: {  	v14 =	vld [tilespmem:s14+$0x1C0]  }
0xc7: {  	v12 =	vld [tilespmem:s14+$0x1B0]  }
0xc8: {  	v9 =	vld [tilespmem:s14+$0x140]  }
0xc9: {  	v10 =	vld [tilespmem:s14+$0x150]  }
0xca: {  	v11 =	vld [tilespmem:s14+$0x1F0]  }
0xcb: {  	v13 =	vld [tilespmem:s14+$0x80]  }
0xcc: {  	v17 =	vld [tilespmem:s14+$0x0]  }
0xcd: {  	v18 =	vld [tilespmem:s14+$0x170]  }
0xce: {  	v19 =	vld [tilespmem:s14+$0x1A0]  }
0xcf: {  	v20 =	vld [tilespmem:s14+$0x1E0]  }
0xd0: {  	v21 =	vld [tilespmem:s14+$0x40]  }
0xd1: {  	v22 =	vld [tilespmem:s14+$0x30]  }
0xd2: {  	v23 =	vld [tilespmem:s14+$0x20]  }
0xd3: {  	v24 =	vld [tilespmem:s14+$0x10]  }
0xd4: {  	v25 =	vld [tilespmem:s14+$0x1D0]  }
0xd5: {  	v27 =	vld [tilespmem:s14+$0x160]  }
0xd6: {  	v26 =	vld [tilespmem:s14+$0x60]  }
0xd7: {  	v62 =	vld [tilespmem:s14+$0x110]  }
0xd8: {  	v63 =	vld [tilespmem:s14+$0x100]  }
0xd9: {  	v28 =	vld [tilespmem:s14+$0x70]  }
0xda: {  	v17 =	vld.idx.msk [tilespmem:v17+s9+$0x0], $0xffff  }
0xdb: {  	v18 =	vld.idx.msk [tilespmem:v18+s9+$0x0], $0xffff  }
0xdc: {  	v21 =	vld.idx.msk [tilespmem:v21+s9+$0x0], $0xffff  }
0xdd: {  	v27 =	vld.idx.msk [tilespmem:v27+s9+$0x0], $0xffff  }
0xde: {  	v29 =	vld.idx.msk [tilespmem:v10+s9+$0x0], $0xffff  }
0xdf: {  	v30 =	vld.idx.msk [tilespmem:v9+s9+$0x0], $0xffff  }
0xe0: {  	[tilespmem:v13+s11+$0x0] =	vst.idx.add.f32.msk $0xffff, v17  }
0xe1: {  	[tilespmem:v11+s11+$0x0] =	vst.idx.add.f32.msk $0xffff, v18  }
0xe2: {  	v11 =	vld [tilespmem:s14+$0x130]  }
0xe3: {  	v13 =	vld [tilespmem:s14+$0x120]  }
0xe4: {  	v10 =	vld.idx.msk [tilespmem:v63+s9+$0x0], $0xffff  }
0xe5: {  	v9 =	vld.idx.msk [tilespmem:v26+s9+$0x0], $0xffff  }
0xe6: {  	v17 =	vld.idx.msk [tilespmem:v62+s9+$0x0], $0xffff  }
0xe7: {  	[tilespmem:v20+s11+$0x0] =	vst.idx.add.f32.msk $0xffff, v27  }
0xe8: {  	[tilespmem:v25+s11+$0x0] =	vst.idx.add.f32.msk $0xffff, v29  }
0xe9: {  	[tilespmem:v14+s11+$0x0] =	vst.idx.add.f32.msk $0xffff, v30  }
0xea: {  	v31 =	vld.idx.msk [tilespmem:v11+s9+$0x0], $0xffff  }
0xeb: {  	v11 =	vld.idx.msk [tilespmem:v13+s9+$0x0], $0xffff  }
0xec: {  	v14 =	vld.idx.msk [tilespmem:v24+s9+$0x0], $0xffff  }
0xed: {  	[tilespmem:v16+s11+$0x0] =	vst.idx.add.f32.msk $0xffff, v21  }
0xee: {  	[tilespmem:v15+s11+$0x0] =	vst.idx.add.f32.msk $0xffff, v17  }
0xef: {  	v13 =	vld.idx.msk [tilespmem:v23+s9+$0x0], $0xffff  }
0xf0: {  	[tilespmem:v19+s11+$0x0] =	vst.idx.add.f32.msk $0xffff, v11  }
0xf1: {  	v11 =	vld.idx.msk [tilespmem:v28+s9+$0x0], $0xffff  }
0xf2: {  	[tilespmem:v12+s11+$0x0] =	vst.idx.add.f32.msk $0xffff, v31  }
0xf3: {  	s15 =	simm.s32 $0x270;
	v12 =	vld.idx.msk [tilespmem:v22+s9+$0x0], $0xffff  }
.LBB2_7:
0xf4: {  	s15 =	sadd.s32 $0x10, s15;
	[tilespmem:v8+s11+$0x0] =	vst.idx.add.f32.msk $0xffff, v10;
	s14 =	sadd.s32 $0x200, s14  }
0xf5: {  	p1 =	slt.u32 s15, $0x280;
	v7 =	vld.idx.msk [tilespmem:v7+s9+$0x0], $0xffff  }
0xf6: {  	[tilespmem:v6+s11+$0x0] =	vst.idx.add.f32.msk $0xffff, v13  }
0xf7: {  	[tilespmem:v5+s11+$0x0] =	vst.idx.add.f32.msk $0xffff, v11  }
0xf8: {  	[tilespmem:v4+s11+$0x0] =	vst.idx.add.f32.msk $0xffff, v14  }
0xf9: {  	[tilespmem:v3+s11+$0x0] =	vst.idx.add.f32.msk $0xffff, v12  }
0xfa: {  	[tilespmem:v1+s11+$0x0] =	vst.idx.add.f32.msk $0xffff, v9  }
0xfb: {  	[tilespmem:v2+s11+$0x0] =	vst.idx.add.f32.msk $0xffff, v7  }
0xfc: {  	v1 =	vld [tilespmem:s14+$0xE0]  }
0xfd: {  	v2 =	vld [tilespmem:s14+$0xD0]  }
0xfe: {  	v3 =	vld [tilespmem:s14+$0xB0]  }
0xff: {  	v4 =	vld [tilespmem:s14+$0x90]  }
0x100: {  	v5 =	vld [tilespmem:s14+$0xF0]  }
0x101: {  	v6 =	vld [tilespmem:s14+$0xA0]  }
0x102: {  	v7 =	vld [tilespmem:s14+$0x50]  }
0x103: {  	v8 =	vld [tilespmem:s14+$0x180]  }
0x104: {  	v15 =	vld [tilespmem:s14+$0x190]  }
0x105: {  	v16 =	vld [tilespmem:s14+$0xC0]  }
0x106: {  	v14 =	vld [tilespmem:s14+$0x1C0]  }
0x107: {  	v12 =	vld [tilespmem:s14+$0x1B0]  }
0x108: {  	v9 =	vld [tilespmem:s14+$0x140]  }
0x109: {  	v10 =	vld [tilespmem:s14+$0x150]  }
0x10a: {  	v11 =	vld [tilespmem:s14+$0x1F0]  }
0x10b: {  	v13 =	vld [tilespmem:s14+$0x80]  }
0x10c: {  	v17 =	vld [tilespmem:s14+$0x0]  }
0x10d: {  	v18 =	vld [tilespmem:s14+$0x170]  }
0x10e: {  	v19 =	vld [tilespmem:s14+$0x1A0]  }
0x10f: {  	v20 =	vld [tilespmem:s14+$0x1E0]  }
0x110: {  	v21 =	vld [tilespmem:s14+$0x40]  }
0x111: {  	v22 =	vld [tilespmem:s14+$0x30]  }
0x112: {  	v23 =	vld [tilespmem:s14+$0x20]  }
0x113: {  	v24 =	vld [tilespmem:s14+$0x10]  }
0x114: {  	v17 =	vld.idx.msk [tilespmem:v17+s9+$0x0], $0xffff  }
0x115: {  	v18 =	vld.idx.msk [tilespmem:v18+s9+$0x0], $0xffff  }
0x116: {  	v25 =	vld [tilespmem:s14+$0x1D0]  }
0x117: {  	v26 =	vld [tilespmem:s14+$0x60]  }
0x118: {  	v21 =	vld.idx.msk [tilespmem:v21+s9+$0x0], $0xffff  }
0x119: {  	v27 =	vld [tilespmem:s14+$0x160]  }
0x11a: {  	[tilespmem:v13+s11+$0x0] =	vst.idx.add.f32.msk $0xffff, v17  }
0x11b: {  	[tilespmem:v11+s11+$0x0] =	vst.idx.add.f32.msk $0xffff, v18  }
0x11c: {  	v11 =	vld [tilespmem:s14+$0x130]  }
0x11d: {  	v13 =	vld [tilespmem:s14+$0x120]  }
0x11e: {  	v17 =	vld [tilespmem:s14+$0x110]  }
0x11f: {  	v18 =	vld [tilespmem:s14+$0x100]  }
0x120: {  	v28 =	vld [tilespmem:s14+$0x70]  }
0x121: {  	v27 =	vld.idx.msk [tilespmem:v27+s9+$0x0], $0xffff  }
0x122: {  	v29 =	vld.idx.msk [tilespmem:v10+s9+$0x0], $0xffff  }
0x123: {  	v30 =	vld.idx.msk [tilespmem:v9+s9+$0x0], $0xffff  }
0x124: {  	v31 =	vld.idx.msk [tilespmem:v11+s9+$0x0], $0xffff  }
0x125: {  	v11 =	vld.idx.msk [tilespmem:v13+s9+$0x0], $0xffff  }
0x126: {  	v17 =	vld.idx.msk [tilespmem:v17+s9+$0x0], $0xffff  }
0x127: {  	[tilespmem:v20+s11+$0x0] =	vst.idx.add.f32.msk $0xffff, v27  }
0x128: {  	v10 =	vld.idx.msk [tilespmem:v18+s9+$0x0], $0xffff  }
0x129: {  	[tilespmem:v25+s11+$0x0] =	vst.idx.add.f32.msk $0xffff, v29  }
0x12a: {  	v9 =	vld.idx.msk [tilespmem:v26+s9+$0x0], $0xffff  }
0x12b: {  	[tilespmem:v19+s11+$0x0] =	vst.idx.add.f32.msk $0xffff, v11  }
0x12c: {  	v11 =	vld.idx.msk [tilespmem:v28+s9+$0x0], $0xffff  }
0x12d: {  	[tilespmem:v12+s11+$0x0] =	vst.idx.add.f32.msk $0xffff, v31  }
0x12e: {  	v12 =	vld.idx.msk [tilespmem:v22+s9+$0x0], $0xffff  }
.Ltmp5:
0x12f: {  	v13 =	vld.idx.msk [tilespmem:v23+s9+$0x0], $0xffff;
	(pc) =	sbr.rel @p1 .LBB2_7-.Ltmp5, $4  }
0x130: {  	[tilespmem:v14+s11+$0x0] =	vst.idx.add.f32.msk $0xffff, v30  }
0x131: {  	v14 =	vld.idx.msk [tilespmem:v24+s9+$0x0], $0xffff  }
0x132: {  	[tilespmem:v16+s11+$0x0] =	vst.idx.add.f32.msk $0xffff, v21  }
0x133: {  	[tilespmem:v15+s11+$0x0] =	vst.idx.add.f32.msk $0xffff, v17  }
.Ltmp6:
0x134: {  	_ = 	snop;
	(pc) =	sbr.rel .LBB2_8-.Ltmp6, $1  }
0x135: {  	_ =	sdelay $0x3  }
.LBB2_10:
0x136: {  	_ =	sfence.sel $0x180000  }
0x137: {  	[bflag:$0x0] =	sbarrier.arrive $0xFFFF  }
0x138: {  	p0 =	sne.s32 s0, $0x0;
	_ =	strace $0x90000050  }
0x139: {  	s0 =	sadd.s32 @!p0 $0x100000, s1;
	[bflag:$0x2] =	sbarrier.arrive $0xFFFF  }
0x13a: {  	[sflag:s0] =	ssyncadd.tile.s32 @!p0 $0x1;
	_ =	shalt  }
.Lfunc_end2:
_tile_overlayer_lowered:
.L_overlay_start_2:
0x13b: {  	(tag) =	ssettag $0x2  }
0x13c: {  	s0 =	rddreg [dreg:$0x0];
	s2 =	stileid.u32  }
0x13d: {  	s1 =	rddreg [dreg:$0x1];
	p0 =	sne.s32 s2, $0x0  }
0x13e: {  	s3 =	rddreg [dreg:$0x2];
	[bflag:$0x3] =	sbarrier.arrive $0xFFFF;
	s2 =	simm.s32 @!p0 $0x1C02  }
0x13f: {  	[timem:s3], [sflag:s2] =	dma.local @!p0 [hbm:s0], s1  }
0x140: {  	s0 =	simm.s32 @!p0 $0x2  }
0x141: {  	_ =	swait.ge @!p0 [sflag:s0], s1  }
0x142: {  	s1 =	ssub.s32 @!p0 $0x0, s1;
	[sflag:s0] =	ssyncset.done @!p0 $0x0  }
0x143: {  	[sflag:s0] =	ssyncadd.s32 @!p0 s1  }
0x144: {  	[bflag:$0x3] =	sbarrier.arrive $0xFFFF  }
0x145: {  	_ =	shalt  }

</sc_bundles>
